<compile_context>
chip_gen: v7x
topology: tpu7x:2x2x1
jax: 0.10.2.dev20260603
libtpu: 0.0.44.dev20260713+nightly
codegen_flags: <defaults>
</compile_context>

<pallas_src>
import functools

import jax
import jax.numpy as jnp
from jax import lax
from jax.experimental import pallas as pl
from jax.experimental.pallas import tpu as pltpu
from jax.experimental.pallas import tpu_sc as plsc

_EMB_D = 768
_KEY_D = 768
_POOL = 1024
_P_LEN = 8
_TOP_K = 8
_B = 1024
_HALF = _P_LEN // 2
_NROWS = _B * _TOP_K

_BB = 1024
_NEG = jnp.finfo(jnp.float32).min

_NC = 2
_NS = 16
_NW = _NC * _NS
_G = _TOP_K
_NCH = _NROWS // _NW // _G


def _topk_body(q_ref, k_ref, idx_ref, loss_ref):
    i = pl.program_id(0)
    k = k_ref[...]
    kn = k / jnp.maximum(jnp.sqrt(jnp.sum(k * k, axis=1, keepdims=True)), 1e-12)
    q = q_ref[...]
    qn = q / jnp.maximum(jnp.sqrt(jnp.sum(q * q, axis=1, keepdims=True)), 1e-12)
    cos = lax.dot_general(qn, kn, (((1,), (1,)), ((), ())),
                          preferred_element_type=jnp.float32)
    col = lax.broadcasted_iota(jnp.int32, cos.shape, 1)
    s = cos
    idx_cols = []
    loss_acc = jnp.float32(0.0)
    for _ in range(_TOP_K):
        m = jnp.max(s, axis=1, keepdims=True)
        am = jnp.min(jnp.where(s == m, col, _POOL), axis=1,
                     keepdims=True)
        idx_cols.append(am)
        loss_acc = loss_acc + jnp.sum(1.0 - m)
        s = jnp.where(col == am, _NEG, s)
    idx_ref[...] = jnp.concatenate(idx_cols, axis=1)

    @pl.when(i == 0)
    def _():
        loss_ref[0, 0] = 0.0

    loss_ref[0, 0] += loss_acc / _B


def _topk_call(query, k_0):
    grid = _B // _BB
    return pl.pallas_call(
        _topk_body,
        grid=(grid,),
        in_specs=[
            pl.BlockSpec((_BB, _KEY_D), lambda i: (i, 0)),
            pl.BlockSpec((_POOL, _KEY_D), lambda i: (0, 0)),
        ],
        out_specs=[
            pl.BlockSpec((_BB, _TOP_K), lambda i: (i, 0)),
            pl.BlockSpec((1, 1), lambda i: (0, 0),
                         memory_space=pltpu.SMEM),
        ],
        out_shape=[
            jax.ShapeDtypeStruct((_B, _TOP_K), jnp.int32),
            jax.ShapeDtypeStruct((1, 1), jnp.float32),
        ],
    )(query, k_0)


def _gather_body(table, idx, outk, outv, idx_s, buf0, buf1,
                 gs0, gs1, ws0, ws1):
    c = lax.axis_index("c")
    s = lax.axis_index("s")
    wid = s * _NC + c
    base_b = wid * _NCH
    pltpu.sync_copy(idx.at[pl.ds(wid * _NCH, _NCH)], idx_s)

    bufs = (buf0, buf1)
    gsems = (gs0, gs1)
    wsems = (ws0, ws1)

    def gather(ch, bslot):
        return pltpu.async_copy(table.at[idx_s.at[ch]], bufs[bslot],
                                gsems[bslot])

    gh = [gather(0, 0), gather(1, 1)]

    @pl.loop(0, _NCH, step=2)
    def _(i):
        for bslot in range(2):
            ch = i + bslot
            b = base_b + ch
            gh[bslot].wait()
            hs = []
            for g in range(_G):
                hs.append(pltpu.async_copy(
                    bufs[bslot].at[g, pl.ds(0, _HALF), :],
                    outk.at[b, pl.ds(_HALF * g, _HALF), :], wsems[bslot]))
            for g in range(_G):
                hs.append(pltpu.async_copy(
                    bufs[bslot].at[g, pl.ds(_HALF, _HALF), :],
                    outv.at[b, pl.ds(_HALF * g, _HALF), :], wsems[bslot]))
            for h in hs:
                h.wait()

            @pl.when(ch + 2 < _NCH)
            def _():
                gather(ch + 2, bslot)


@functools.lru_cache(maxsize=None)
def _gather_call():
    return pl.kernel(
        _gather_body,
        mesh=plsc.VectorSubcoreMesh(core_axis_name="c", subcore_axis_name="s"),
        out_type=(
            jax.ShapeDtypeStruct((_B, _TOP_K * _HALF, _EMB_D), jnp.float32),
            jax.ShapeDtypeStruct((_B, _TOP_K * _HALF, _EMB_D), jnp.float32),
        ),
        scratch_types=(
            [pltpu.VMEM((_NCH, _G), jnp.int32)]
            + [pltpu.VMEM((_G, _P_LEN, _EMB_D), jnp.float32)] * 2
            + [pltpu.SemaphoreType.DMA] * 4
        ),
    )


def kernel(query, p_0, k_0):
    idx, loss = _topk_call(query, k_0)
    prefix_k, prefix_v = _gather_call()(p_0, idx)
    return prefix_k, prefix_v, loss.reshape(())

# --- scband reference (transcript-rebuilt; emitter-appended) ---
"""Pipeline reference for scband-prompt-pool-52347061403855 (READ-ONLY COPY).

The authoritative reference and input builder live on the scoring server;
editing this copy changes nothing except your own understanding.
"""

import jax, jax.numpy as jnp
import numpy as np

EMB_D = 768
KEY_D = 768
POOL = 1024
P_LEN = 8
TOP_K = 8
B = 1024


def _normalize(x, axis):
    n = jnp.linalg.norm(x, axis=axis, keepdims=True)
    return x / jnp.clip(n, 1e-12)


def setup_inputs(seed: int = 0) -> dict:
    key = jax.random.key(seed)
    k1, k2, k3 = jax.random.split(key, 3)
    query = jax.random.normal(k1, (B, KEY_D), dtype=jnp.float32)
    # learned parameters (tensor_prompt ~ uniform init, as in L2P/DualPrompt)
    p_0 = jax.random.uniform(k2, (POOL, P_LEN, EMB_D), dtype=jnp.float32, minval=-1.0, maxval=1.0)
    k_0 = jax.random.uniform(k3, (POOL, KEY_D), dtype=jnp.float32, minval=-1.0, maxval=1.0)
    return {"query": query, "p_0": p_0, "k_0": k_0}


def reference(query, p_0, k_0):
    # shallow_or_deep=True -> p_layers=[0]; pt_type='prefix_t'
    Bq = query.shape[0]
    n_K = _normalize(k_0, 1)                      # [POOL, KEY_D]
    q = jax.lax.stop_gradient(_normalize(query, 1))  # .detach() in torch
    cos_sim = jnp.einsum('bj,kj->bk', q, n_K)     # [B, POOL]
    topk_sim, topk = jax.lax.top_k(cos_sim, TOP_K)  # [B, TOP_K]
    qk_loss = jnp.mean(jnp.sum(1.0 - topk_sim, axis=-1))
    selected_P = p_0[topk]                        # gather: [B, TOP_K, P_LEN, EMB_D]
    i = P_LEN // 2
    prefix_k = selected_P[:, :, :i, :].reshape(Bq, -1, EMB_D)
    prefix_v = selected_P[:, :, i:, :].reshape(Bq, -1, EMB_D)
    # torch returns ({'0': [prefix_k, prefix_v]}, {'0': qk_loss}); flatten dicts to a tuple
    return (prefix_k, prefix_v, qk_loss)

if __name__ == "__main__":
    import jax
    _d = setup_inputs()
    print(jax.jit(kernel)(*tuple(_d.values())))

</pallas_src>

<mosaic_0001>
#map = affine_map<(d0, d1) -> (0, 0, 0)>
#map1 = affine_map<(d0, d1) -> (0, 0)>
module attributes {stable_mosaic.version = 14 : i64} {
  func.func @_gather_body(%arg0: i32, %arg1: i32, %arg2: memref<1024x8x768xf32, #tpu.memory_space<hbm>>, %arg3: memref<1024x8xi32, #tpu.memory_space<hbm>>, %arg4: memref<1024x32x768xf32, #tpu.memory_space<hbm>>, %arg5: memref<1024x32x768xf32, #tpu.memory_space<hbm>>, %arg6: memref<32x8xi32, #tpu.memory_space<vmem>>, %arg7: memref<8x8x768xf32, #tpu.memory_space<vmem>>, %arg8: memref<8x8x768xf32, #tpu.memory_space<vmem>>, %arg9: memref<!tpu.dma_semaphore, #tpu.memory_space<semaphore_mem>>, %arg10: memref<!tpu.dma_semaphore, #tpu.memory_space<semaphore_mem>>, %arg11: memref<!tpu.dma_semaphore, #tpu.memory_space<semaphore_mem>>, %arg12: memref<!tpu.dma_semaphore, #tpu.memory_space<semaphore_mem>>) attributes {dimension_semantics = [#tpu.dimension_semantics<core_parallel>, #tpu.dimension_semantics<subcore_parallel>], iteration_bounds = array<i64: 2, 16>, scalar_prefetch = 0 : i64, scratch_operands = 7 : i64, tpu.core_type = #tpu.core_type<sc_vector_subcore>, window_params = [{transform_indices = #map}, {transform_indices = #map1}, {transform_indices = #map}, {transform_indices = #map}]} {
    %mul3A = arith.constant 2 : i32
    %mul3A_0 = arith.muli %arg1, %mul3A : i32
    %add3A = arith.addi %mul3A_0, %arg0 : i32
    %mul3A_1 = arith.constant 32 : i32
    %mul3A_2 = arith.muli %add3A, %mul3A_1 : i32
    %mul3A_3 = arith.constant 32 : i32
    %mul3A_4 = arith.muli %add3A, %mul3A_3 : i32
    "tpu.region"() ({
      %run_scoped3A = tpu.sem_alloc : memref<!tpu.dma_semaphore, #tpu.memory_space<semaphore_mem>>
      %dma_start3A_26 = arith.constant 0 : i32
      %dma_start3A_27 = tpu.memref_slice %arg3[%mul3A_4, %dma_start3A_26] : memref<1024x8xi32, #tpu.memory_space<hbm>> -> memref<32x8xi32, #tpu.memory_space<hbm>>
      %dma_start3A_28 = arith.constant 0 : i32
      %dma_start3A_29 = tpu.memref_slice %arg3[%mul3A_4, %dma_start3A_28] : memref<1024x8xi32, #tpu.memory_space<hbm>> -> memref<32x8xi32, #tpu.memory_space<hbm>>
      tpu.enqueue_dma source(%dma_start3A_29 : memref<32x8xi32, #tpu.memory_space<hbm>>) target(%arg6 : memref<32x8xi32, #tpu.memory_space<vmem>>) target_semaphore(%run_scoped3A : memref<!tpu.dma_semaphore, #tpu.memory_space<semaphore_mem>>)
      %dma_wait3A = arith.constant 0 : i32
      %dma_wait3A_30 = tpu.memref_slice %arg3[%mul3A_4, %dma_wait3A] : memref<1024x8xi32, #tpu.memory_space<hbm>> -> memref<32x8xi32, #tpu.memory_space<hbm>>
      %dma_wait3A_31 = arith.constant 0 : i32
      %dma_wait3A_32 = tpu.memref_slice %arg3[%mul3A_4, %dma_wait3A_31] : memref<1024x8xi32, #tpu.memory_space<hbm>> -> memref<32x8xi32, #tpu.memory_space<hbm>>
      tpu.wait_dma2 semaphore(%run_scoped3A : memref<!tpu.dma_semaphore, #tpu.memory_space<semaphore_mem>>) src(%dma_wait3A_32 : memref<32x8xi32, #tpu.memory_space<hbm>>) dst(%arg6 : memref<32x8xi32, #tpu.memory_space<vmem>>)
      tpu.yield
    }) : () -> ()
    %dma_start3A = arith.constant 0 : i32
    %dma_start3A_5 = arith.constant 0 : i32
    %dma_start3A_6 = tpu.memref_slice %arg6[%dma_start3A, %dma_start3A_5] : memref<32x8xi32, #tpu.memory_space<vmem>> -> memref<1x8xi32, #tpu.memory_space<vmem>>
    %dma_start3A_7 = tpu.memref_squeeze %dma_start3A_6 : memref<1x8xi32, #tpu.memory_space<vmem>> -> memref<8xi32, #tpu.memory_space<vmem>>
    %dma_start3A_8 = arith.constant 0 : i32
    %dma_start3A_9 = arith.constant 0 : i32
    %dma_start3A_10 = arith.constant 0 : i32
    %dma_start3A_11 = tpu.memref_slice %arg2[%dma_start3A_8, %dma_start3A_9, %dma_start3A_10] : memref<1024x8x768xf32, #tpu.memory_space<hbm>> -> memref<1024x8x768xf32, #tpu.memory_space<hbm>>
    tpu.enqueue_indirect_dma source(%dma_start3A_11 : memref<1024x8x768xf32, #tpu.memory_space<hbm>>) target(%arg7 : memref<8x8x768xf32, #tpu.memory_space<vmem>>) offsets(%dma_start3A_7 : memref<8xi32, #tpu.memory_space<vmem>>) semaphore(%arg9 : memref<!tpu.dma_semaphore, #tpu.memory_space<semaphore_mem>>)
    %dma_start3A_12 = arith.constant 1 : i32
    %dma_start3A_13 = arith.constant 0 : i32
    %dma_start3A_14 = tpu.memref_slice %arg6[%dma_start3A_12, %dma_start3A_13] : memref<32x8xi32, #tpu.memory_space<vmem>> -> memref<1x8xi32, #tpu.memory_space<vmem>>
    %dma_start3A_15 = tpu.memref_squeeze %dma_start3A_14 : memref<1x8xi32, #tpu.memory_space<vmem>> -> memref<8xi32, #tpu.memory_space<vmem>>
    %dma_start3A_16 = arith.constant 0 : i32
    %dma_start3A_17 = arith.constant 0 : i32
    %dma_start3A_18 = arith.constant 0 : i32
    %dma_start3A_19 = tpu.memref_slice %arg2[%dma_start3A_16, %dma_start3A_17, %dma_start3A_18] : memref<1024x8x768xf32, #tpu.memory_space<hbm>> -> memref<1024x8x768xf32, #tpu.memory_space<hbm>>
    tpu.enqueue_indirect_dma source(%dma_start3A_19 : memref<1024x8x768xf32, #tpu.memory_space<hbm>>) target(%arg8 : memref<8x8x768xf32, #tpu.memory_space<vmem>>) offsets(%dma_start3A_15 : memref<8xi32, #tpu.memory_space<vmem>>) semaphore(%arg10 : memref<!tpu.dma_semaphore, #tpu.memory_space<semaphore_mem>>)
    %scan3A = arith.constant 0 : i32
    %scan3A_20 = arith.constant 1 : i32
    %scan3A_21 = arith.constant 0 : i32
    %scan3A_22 = arith.constant 16 : i32
    %scan3A_23 = arith.addi %scan3A_21, %scan3A_22 : i32
    %scan3A_24 = arith.constant 1 : i32
    scf.for %scan3A_26 = %scan3A_21 to %scan3A_23 step %scan3A_24  : i32 {
      %mul3A_27 = arith.constant 2 : i32
      %mul3A_28 = arith.muli %scan3A_26, %mul3A_27 : i32
      %add3A_29 = arith.constant 0 : i32
      %add3A_30 = arith.addi %add3A_29, %mul3A_28 : i32
      %add3A_31 = arith.constant 0 : i32
      %add3A_32 = arith.addi %add3A_30, %add3A_31 : i32
      %add3A_33 = arith.addi %mul3A_2, %add3A_32 : i32
      %dma_wait3A = arith.constant 0 : i32
      %dma_wait3A_34 = tpu.memref_slice %arg6[%scan3A, %dma_wait3A] : memref<32x8xi32, #tpu.memory_space<vmem>> -> memref<1x8xi32, #tpu.memory_space<vmem>>
      %dma_wait3A_35 = tpu.memref_squeeze %dma_wait3A_34 : memref<1x8xi32, #tpu.memory_space<vmem>> -> memref<8xi32, #tpu.memory_space<vmem>>
      %dma_wait3A_36 = arith.constant 0 : i32
      %dma_wait3A_37 = arith.constant 0 : i32
      %dma_wait3A_38 = arith.constant 0 : i32
      %dma_wait3A_39 = tpu.memref_slice %arg2[%dma_wait3A_36, %dma_wait3A_37, %dma_wait3A_38] : memref<1024x8x768xf32, #tpu.memory_space<hbm>> -> memref<1024x8x768xf32, #tpu.memory_space<hbm>>
      tpu.wait_indirect_dma semaphore(%arg9 : memref<!tpu.dma_semaphore, #tpu.memory_space<semaphore_mem>>) src(%dma_wait3A_39 : memref<1024x8x768xf32, #tpu.memory_space<hbm>>) dst(%arg7 : memref<8x8x768xf32, #tpu.memory_space<vmem>>)
      %dma_start3A_40 = arith.constant 0 : i32
      %dma_start3A_41 = arith.constant 0 : i32
      %dma_start3A_42 = arith.constant 0 : i32
      %dma_start3A_43 = tpu.memref_slice %arg7[%dma_start3A_40, %dma_start3A_41, %dma_start3A_42] : memref<8x8x768xf32, #tpu.memory_space<vmem>> -> memref<1x4x768xf32, #tpu.memory_space<vmem>>
      %dma_start3A_44 = tpu.memref_squeeze %dma_start3A_43 : memref<1x4x768xf32, #tpu.memory_space<vmem>> -> memref<4x768xf32, #tpu.memory_space<vmem>>
      %dma_start3A_45 = arith.constant 0 : i32
      %dma_start3A_46 = arith.constant 0 : i32
      %dma_start3A_47 = tpu.memref_slice %arg4[%add3A_33, %dma_start3A_45, %dma_start3A_46] : memref<1024x32x768xf32, #tpu.memory_space<hbm>> -> memref<1x4x768xf32, #tpu.memory_space<hbm>>
      %dma_start3A_48 = tpu.memref_squeeze %dma_start3A_47 : memref<1x4x768xf32, #tpu.memory_space<hbm>> -> memref<4x768xf32, #tpu.memory_space<hbm>>
      %dma_start3A_49 = arith.constant 0 : i32
      %dma_start3A_50 = arith.constant 0 : i32
      %dma_start3A_51 = tpu.memref_slice %arg4[%add3A_33, %dma_start3A_49, %dma_start3A_50] : memref<1024x32x768xf32, #tpu.memory_space<hbm>> -> memref<1x4x768xf32, #tpu.memory_space<hbm>>
      %dma_start3A_52 = tpu.memref_squeeze %dma_start3A_51 : memref<1x4x768xf32, #tpu.memory_space<hbm>> -> memref<4x768xf32, #tpu.memory_space<hbm>>
      %dma_start3A_53 = arith.constant 0 : i32
      %dma_start3A_54 = arith.constant 0 : i32
      %dma_start3A_55 = tpu.memref_slice %arg7[%dma_start3A_40, %dma_start3A_53, %dma_start3A_54] : memref<8x8x768xf32, #tpu.memory_space<vmem>> -> memref<1x4x768xf32, #tpu.memory_space<vmem>>
      %dma_start3A_56 = tpu.memref_squeeze %dma_start3A_55 : memref<1x4x768xf32, #tpu.memory_space<vmem>> -> memref<4x768xf32, #tpu.memory_space<vmem>>
      tpu.enqueue_dma source(%dma_start3A_56 : memref<4x768xf32, #tpu.memory_space<vmem>>) target(%dma_start3A_52 : memref<4x768xf32, #tpu.memory_space<hbm>>) target_semaphore(%arg11 : memref<!tpu.dma_semaphore, #tpu.memory_space<semaphore_mem>>)
      %dma_start3A_57 = arith.constant 1 : i32
      %dma_start3A_58 = arith.constant 0 : i32
      %dma_start3A_59 = arith.constant 0 : i32
      %dma_start3A_60 = tpu.memref_slice %arg7[%dma_start3A_57, %dma_start3A_58, %dma_start3A_59] : memref<8x8x768xf32, #tpu.memory_space<vmem>> -> memref<1x4x768xf32, #tpu.memory_space<vmem>>
      %dma_start3A_61 = tpu.memref_squeeze %dma_start3A_60 : memref<1x4x768xf32, #tpu.memory_space<vmem>> -> memref<4x768xf32, #tpu.memory_space<vmem>>
      %dma_start3A_62 = arith.constant 4 : i32
      %dma_start3A_63 = arith.constant 0 : i32
      %dma_start3A_64 = tpu.memref_slice %arg4[%add3A_33, %dma_start3A_62, %dma_start3A_63] : memref<1024x32x768xf32, #tpu.memory_space<hbm>> -> memref<1x4x768xf32, #tpu.memory_space<hbm>>
      %dma_start3A_65 = tpu.memref_squeeze %dma_start3A_64 : memref<1x4x768xf32, #tpu.memory_space<hbm>> -> memref<4x768xf32, #tpu.memory_space<hbm>>
      %dma_start3A_66 = arith.constant 4 : i32
      %dma_start3A_67 = arith.constant 0 : i32
      %dma_start3A_68 = tpu.memref_slice %arg4[%add3A_33, %dma_start3A_66, %dma_start3A_67] : memref<1024x32x768xf32, #tpu.memory_space<hbm>> -> memref<1x4x768xf32, #tpu.memory_space<hbm>>
      %dma_start3A_69 = tpu.memref_squeeze %dma_start3A_68 : memref<1x4x768xf32, #tpu.memory_space<hbm>> -> memref<4x768xf32, #tpu.memory_space<hbm>>
      %dma_start3A_70 = arith.constant 0 : i32
      %dma_start3A_71 = arith.constant 0 : i32
      %dma_start3A_72 = tpu.memref_slice %arg7[%dma_start3A_57, %dma_start3A_70, %dma_start3A_71] : memref<8x8x768xf32, #tpu.memory_space<vmem>> -> memref<1x4x768xf32, #tpu.memory_space<vmem>>
      %dma_start3A_73 = tpu.memref_squeeze %dma_start3A_72 : memref<1x4x768xf32, #tpu.memory_space<vmem>> -> memref<4x768xf32, #tpu.memory_space<vmem>>
      tpu.enqueue_dma source(%dma_start3A_73 : memref<4x768xf32, #tpu.memory_space<vmem>>) target(%dma_start3A_69 : memref<4x768xf32, #tpu.memory_space<hbm>>) target_semaphore(%arg11 : memref<!tpu.dma_semaphore, #tpu.memory_space<semaphore_mem>>)
      %dma_start3A_74 = arith.constant 2 : i32
      %dma_start3A_75 = arith.constant 0 : i32
      %dma_start3A_76 = arith.constant 0 : i32
      %dma_start3A_77 = tpu.memref_slice %arg7[%dma_start3A_74, %dma_start3A_75, %dma_start3A_76] : memref<8x8x768xf32, #tpu.memory_space<vmem>> -> memref<1x4x768xf32, #tpu.memory_space<vmem>>
      %dma_start3A_78 = tpu.memref_squeeze %dma_start3A_77 : memref<1x4x768xf32, #tpu.memory_space<vmem>> -> memref<4x768xf32, #tpu.memory_space<vmem>>
      %dma_start3A_79 = arith.constant 8 : i32
      %dma_start3A_80 = arith.constant 0 : i32
      %dma_start3A_81 = tpu.memref_slice %arg4[%add3A_33, %dma_start3A_79, %dma_start3A_80] : memref<1024x32x768xf32, #tpu.memory_space<hbm>> -> memref<1x4x768xf32, #tpu.memory_space<hbm>>
      %dma_start3A_82 = tpu.memref_squeeze %dma_start3A_81 : memref<1x4x768xf32, #tpu.memory_space<hbm>> -> memref<4x768xf32, #tpu.memory_space<hbm>>
      %dma_start3A_83 = arith.constant 8 : i32
      %dma_start3A_84 = arith.constant 0 : i32
      %dma_start3A_85 = tpu.memref_slice %arg4[%add3A_33, %dma_start3A_83, %dma_start3A_84] : memref<1024x32x768xf32, #tpu.memory_space<hbm>> -> memref<1x4x768xf32, #tpu.memory_space<hbm>>
      %dma_start3A_86 = tpu.memref_squeeze %dma_start3A_85 : memref<1x4x768xf32, #tpu.memory_space<hbm>> -> memref<4x768xf32, #tpu.memory_space<hbm>>
      %dma_start3A_87 = arith.constant 0 : i32
      %dma_start3A_88 = arith.constant 0 : i32
      %dma_start3A_89 = tpu.memref_slice %arg7[%dma_start3A_74, %dma_start3A_87, %dma_start3A_88] : memref<8x8x768xf32, #tpu.memory_space<vmem>> -> memref<1x4x768xf32, #tpu.memory_space<vmem>>
      %dma_start3A_90 = tpu.memref_squeeze %dma_start3A_89 : memref<1x4x768xf32, #tpu.memory_space<vmem>> -> memref<4x768xf32, #tpu.memory_space<vmem>>
      tpu.enqueue_dma source(%dma_start3A_90 : memref<4x768xf32, #tpu.memory_space<vmem>>) target(%dma_start3A_86 : memref<4x768xf32, #tpu.memory_space<hbm>>) target_semaphore(%arg11 : memref<!tpu.dma_semaphore, #tpu.memory_space<semaphore_mem>>)
      %dma_start3A_91 = arith.constant 3 : i32
      %dma_start3A_92 = arith.constant 0 : i32
      %dma_start3A_93 = arith.constant 0 : i32
      %dma_start3A_94 = tpu.memref_slice %arg7[%dma_start3A_91, %dma_start3A_92, %dma_start3A_93] : memref<8x8x768xf32, #tpu.memory_space<vmem>> -> memref<1x4x768xf32, #tpu.memory_space<vmem>>
      %dma_start3A_95 = tpu.memref_squeeze %dma_start3A_94 : memref<1x4x768xf32, #tpu.memory_space<vmem>> -> memref<4x768xf32, #tpu.memory_space<vmem>>
      %dma_start3A_96 = arith.constant 12 : i32
      %dma_start3A_97 = arith.constant 0 : i32
      %dma_start3A_98 = tpu.memref_slice %arg4[%add3A_33, %dma_start3A_96, %dma_start3A_97] : memref<1024x32x768xf32, #tpu.memory_space<hbm>> -> memref<1x4x768xf32, #tpu.memory_space<hbm>>
      %dma_start3A_99 = tpu.memref_squeeze %dma_start3A_98 : memref<1x4x768xf32, #tpu.memory_space<hbm>> -> memref<4x768xf32, #tpu.memory_space<hbm>>
      %dma_start3A_100 = arith.constant 12 : i32
      %dma_start3A_101 = arith.constant 0 : i32
      %dma_start3A_102 = tpu.memref_slice %arg4[%add3A_33, %dma_start3A_100, %dma_start3A_101] : memref<1024x32x768xf32, #tpu.memory_space<hbm>> -> memref<1x4x768xf32, #tpu.memory_space<hbm>>
      %dma_start3A_103 = tpu.memref_squeeze %dma_start3A_102 : memref<1x4x768xf32, #tpu.memory_space<hbm>> -> memref<4x768xf32, #tpu.memory_space<hbm>>
      %dma_start3A_104 = arith.constant 0 : i32
      %dma_start3A_105 = arith.constant 0 : i32
      %dma_start3A_106 = tpu.memref_slice %arg7[%dma_start3A_91, %dma_start3A_104, %dma_start3A_105] : memref<8x8x768xf32, #tpu.memory_space<vmem>> -> memref<1x4x768xf32, #tpu.memory_space<vmem>>
      %dma_start3A_107 = tpu.memref_squeeze %dma_start3A_106 : memref<1x4x768xf32, #tpu.memory_space<vmem>> -> memref<4x768xf32, #tpu.memory_space<vmem>>
      tpu.enqueue_dma source(%dma_start3A_107 : memref<4x768xf32, #tpu.memory_space<vmem>>) target(%dma_start3A_103 : memref<4x768xf32, #tpu.memory_space<hbm>>) target_semaphore(%arg11 : memref<!tpu.dma_semaphore, #tpu.memory_space<semaphore_mem>>)
      %dma_start3A_108 = arith.constant 4 : i32
      %dma_start3A_109 = arith.constant 0 : i32
      %dma_start3A_110 = arith.constant 0 : i32
      %dma_start3A_111 = tpu.memref_slice %arg7[%dma_start3A_108, %dma_start3A_109, %dma_start3A_110] : memref<8x8x768xf32, #tpu.memory_space<vmem>> -> memref<1x4x768xf32, #tpu.memory_space<vmem>>
      %dma_start3A_112 = tpu.memref_squeeze %dma_start3A_111 : memref<1x4x768xf32, #tpu.memory_space<vmem>> -> memref<4x768xf32, #tpu.memory_space<vmem>>
      %dma_start3A_113 = arith.constant 16 : i32
      %dma_start3A_114 = arith.constant 0 : i32
      %dma_start3A_115 = tpu.memref_slice %arg4[%add3A_33, %dma_start3A_113, %dma_start3A_114] : memref<1024x32x768xf32, #tpu.memory_space<hbm>> -> memref<1x4x768xf32, #tpu.memory_space<hbm>>
      %dma_start3A_116 = tpu.memref_squeeze %dma_start3A_115 : memref<1x4x768xf32, #tpu.memory_space<hbm>> -> memref<4x768xf32, #tpu.memory_space<hbm>>
      %dma_start3A_117 = arith.constant 16 : i32
      %dma_start3A_118 = arith.constant 0 : i32
      %dma_start3A_119 = tpu.memref_slice %arg4[%add3A_33, %dma_start3A_117, %dma_start3A_118] : memref<1024x32x768xf32, #tpu.memory_space<hbm>> -> memref<1x4x768xf32, #tpu.memory_space<hbm>>
      %dma_start3A_120 = tpu.memref_squeeze %dma_start3A_119 : memref<1x4x768xf32, #tpu.memory_space<hbm>> -> memref<4x768xf32, #tpu.memory_space<hbm>>
      %dma_start3A_121 = arith.constant 0 : i32
      %dma_start3A_122 = arith.constant 0 : i32
      %dma_start3A_123 = tpu.memref_slice %arg7[%dma_start3A_108, %dma_start3A_121, %dma_start3A_122] : memref<8x8x768xf32, #tpu.memory_space<vmem>> -> memref<1x4x768xf32, #tpu.memory_space<vmem>>
      %dma_start3A_124 = tpu.memref_squeeze %dma_start3A_123 : memref<1x4x768xf32, #tpu.memory_space<vmem>> -> memref<4x768xf32, #tpu.memory_space<vmem>>
      tpu.enqueue_dma source(%dma_start3A_124 : memref<4x768xf32, #tpu.memory_space<vmem>>) target(%dma_start3A_120 : memref<4x768xf32, #tpu.memory_space<hbm>>) target_semaphore(%arg11 : memref<!tpu.dma_semaphore, #tpu.memory_space<semaphore_mem>>)
      %dma_start3A_125 = arith.constant 5 : i32
      %dma_start3A_126 = arith.constant 0 : i32
      %dma_start3A_127 = arith.constant 0 : i32
      %dma_start3A_128 = tpu.memref_slice %arg7[%dma_start3A_125, %dma_start3A_126, %dma_start3A_127] : memref<8x8x768xf32, #tpu.memory_space<vmem>> -> memref<1x4x768xf32, #tpu.memory_space<vmem>>
      %dma_start3A_129 = tpu.memref_squeeze %dma_start3A_128 : memref<1x4x768xf32, #tpu.memory_space<vmem>> -> memref<4x768xf32, #tpu.memory_space<vmem>>
      %dma_start3A_130 = arith.constant 20 : i32
      %dma_start3A_131 = arith.constant 0 : i32
      %dma_start3A_132 = tpu.memref_slice %arg4[%add3A_33, %dma_start3A_130, %dma_start3A_131] : memref<1024x32x768xf32, #tpu.memory_space<hbm>> -> memref<1x4x768xf32, #tpu.memory_space<hbm>>
      %dma_start3A_133 = tpu.memref_squeeze %dma_start3A_132 : memref<1x4x768xf32, #tpu.memory_space<hbm>> -> memref<4x768xf32, #tpu.memory_space<hbm>>
      %dma_start3A_134 = arith.constant 20 : i32
      %dma_start3A_135 = arith.constant 0 : i32
      %dma_start3A_136 = tpu.memref_slice %arg4[%add3A_33, %dma_start3A_134, %dma_start3A_135] : memref<1024x32x768xf32, #tpu.memory_space<hbm>> -> memref<1x4x768xf32, #tpu.memory_space<hbm>>
      %dma_start3A_137 = tpu.memref_squeeze %dma_start3A_136 : memref<1x4x768xf32, #tpu.memory_space<hbm>> -> memref<4x768xf32, #tpu.memory_space<hbm>>
      %dma_start3A_138 = arith.constant 0 : i32
      %dma_start3A_139 = arith.constant 0 : i32
      %dma_start3A_140 = tpu.memref_slice %arg7[%dma_start3A_125, %dma_start3A_138, %dma_start3A_139] : memref<8x8x768xf32, #tpu.memory_space<vmem>> -> memref<1x4x768xf32, #tpu.memory_space<vmem>>
      %dma_start3A_141 = tpu.memref_squeeze %dma_start3A_140 : memref<1x4x768xf32, #tpu.memory_space<vmem>> -> memref<4x768xf32, #tpu.memory_space<vmem>>
      tpu.enqueue_dma source(%dma_start3A_141 : memref<4x768xf32, #tpu.memory_space<vmem>>) target(%dma_start3A_137 : memref<4x768xf32, #tpu.memory_space<hbm>>) target_semaphore(%arg11 : memref<!tpu.dma_semaphore, #tpu.memory_space<semaphore_mem>>)
      %dma_start3A_142 = arith.constant 6 : i32
      %dma_start3A_143 = arith.constant 0 : i32
      %dma_start3A_144 = arith.constant 0 : i32
      %dma_start3A_145 = tpu.memref_slice %arg7[%dma_start3A_142, %dma_start3A_143, %dma_start3A_144] : memref<8x8x768xf32, #tpu.memory_space<vmem>> -> memref<1x4x768xf32, #tpu.memory_space<vmem>>
      %dma_start3A_146 = tpu.memref_squeeze %dma_start3A_145 : memref<1x4x768xf32, #tpu.memory_space<vmem>> -> memref<4x768xf32, #tpu.memory_space<vmem>>
      %dma_start3A_147 = arith.constant 24 : i32
      %dma_start3A_148 = arith.constant 0 : i32
      %dma_start3A_149 = tpu.memref_slice %arg4[%add3A_33, %dma_start3A_147, %dma_start3A_148] : memref<1024x32x768xf32, #tpu.memory_space<hbm>> -> memref<1x4x768xf32, #tpu.memory_space<hbm>>
      %dma_start3A_150 = tpu.memref_squeeze %dma_start3A_149 : memref<1x4x768xf32, #tpu.memory_space<hbm>> -> memref<4x768xf32, #tpu.memory_space<hbm>>
      %dma_start3A_151 = arith.constant 24 : i32
      %dma_start3A_152 = arith.constant 0 : i32
      %dma_start3A_153 = tpu.memref_slice %arg4[%add3A_33, %dma_start3A_151, %dma_start3A_152] : memref<1024x32x768xf32, #tpu.memory_space<hbm>> -> memref<1x4x768xf32, #tpu.memory_space<hbm>>
      %dma_start3A_154 = tpu.memref_squeeze %dma_start3A_153 : memref<1x4x768xf32, #tpu.memory_space<hbm>> -> memref<4x768xf32, #tpu.memory_space<hbm>>
      %dma_start3A_155 = arith.constant 0 : i32
      %dma_start3A_156 = arith.constant 0 : i32
      %dma_start3A_157 = tpu.memref_slice %arg7[%dma_start3A_142, %dma_start3A_155, %dma_start3A_156] : memref<8x8x768xf32, #tpu.memory_space<vmem>> -> memref<1x4x768xf32, #tpu.memory_space<vmem>>
      %dma_start3A_158 = tpu.memref_squeeze %dma_start3A_157 : memref<1x4x768xf32, #tpu.memory_space<vmem>> -> memref<4x768xf32, #tpu.memory_space<vmem>>
      tpu.enqueue_dma source(%dma_start3A_158 : memref<4x768xf32, #tpu.memory_space<vmem>>) target(%dma_start3A_154 : memref<4x768xf32, #tpu.memory_space<hbm>>) target_semaphore(%arg11 : memref<!tpu.dma_semaphore, #tpu.memory_space<semaphore_mem>>)
      %dma_start3A_159 = arith.constant 7 : i32
      %dma_start3A_160 = arith.constant 0 : i32
      %dma_start3A_161 = arith.constant 0 : i32
      %dma_start3A_162 = tpu.memref_slice %arg7[%dma_start3A_159, %dma_start3A_160, %dma_start3A_161] : memref<8x8x768xf32, #tpu.memory_space<vmem>> -> memref<1x4x768xf32, #tpu.memory_space<vmem>>
      %dma_start3A_163 = tpu.memref_squeeze %dma_start3A_162 : memref<1x4x768xf32, #tpu.memory_space<vmem>> -> memref<4x768xf32, #tpu.memory_space<vmem>>
      %dma_start3A_164 = arith.constant 28 : i32
      %dma_start3A_165 = arith.constant 0 : i32
      %dma_start3A_166 = tpu.memref_slice %arg4[%add3A_33, %dma_start3A_164, %dma_start3A_165] : memref<1024x32x768xf32, #tpu.memory_space<hbm>> -> memref<1x4x768xf32, #tpu.memory_space<hbm>>
      %dma_start3A_167 = tpu.memref_squeeze %dma_start3A_166 : memref<1x4x768xf32, #tpu.memory_space<hbm>> -> memref<4x768xf32, #tpu.memory_space<hbm>>
      %dma_start3A_168 = arith.constant 28 : i32
      %dma_start3A_169 = arith.constant 0 : i32
      %dma_start3A_170 = tpu.memref_slice %arg4[%add3A_33, %dma_start3A_168, %dma_start3A_169] : memref<1024x32x768xf32, #tpu.memory_space<hbm>> -> memref<1x4x768xf32, #tpu.memory_space<hbm>>
      %dma_start3A_171 = tpu.memref_squeeze %dma_start3A_170 : memref<1x4x768xf32, #tpu.memory_space<hbm>> -> memref<4x768xf32, #tpu.memory_space<hbm>>
      %dma_start3A_172 = arith.constant 0 : i32
      %dma_start3A_173 = arith.constant 0 : i32
      %dma_start3A_174 = tpu.memref_slice %arg7[%dma_start3A_159, %dma_start3A_172, %dma_start3A_173] : memref<8x8x768xf32, #tpu.memory_space<vmem>> -> memref<1x4x768xf32, #tpu.memory_space<vmem>>
      %dma_start3A_175 = tpu.memref_squeeze %dma_start3A_174 : memref<1x4x768xf32, #tpu.memory_space<vmem>> -> memref<4x768xf32, #tpu.memory_space<vmem>>
      tpu.enqueue_dma source(%dma_start3A_175 : memref<4x768xf32, #tpu.memory_space<vmem>>) target(%dma_start3A_171 : memref<4x768xf32, #tpu.memory_space<hbm>>) target_semaphore(%arg11 : memref<!tpu.dma_semaphore, #tpu.memory_space<semaphore_mem>>)
      %dma_start3A_176 = arith.constant 0 : i32
      %dma_start3A_177 = arith.constant 4 : i32
      %dma_start3A_178 = arith.constant 0 : i32
      %dma_start3A_179 = tpu.memref_slice %arg7[%dma_start3A_176, %dma_start3A_177, %dma_start3A_178] : memref<8x8x768xf32, #tpu.memory_space<vmem>> -> memref<1x4x768xf32, #tpu.memory_space<vmem>>
      %dma_start3A_180 = tpu.memref_squeeze %dma_start3A_179 : memref<1x4x768xf32, #tpu.memory_space<vmem>> -> memref<4x768xf32, #tpu.memory_space<vmem>>
      %dma_start3A_181 = arith.constant 0 : i32
      %dma_start3A_182 = arith.constant 0 : i32
      %dma_start3A_183 = tpu.memref_slice %arg5[%add3A_33, %dma_start3A_181, %dma_start3A_182] : memref<1024x32x768xf32, #tpu.memory_space<hbm>> -> memref<1x4x768xf32, #tpu.memory_space<hbm>>
      %dma_start3A_184 = tpu.memref_squeeze %dma_start3A_183 : memref<1x4x768xf32, #tpu.memory_space<hbm>> -> memref<4x768xf32, #tpu.memory_space<hbm>>
      %dma_start3A_185 = arith.constant 0 : i32
      %dma_start3A_186 = arith.constant 0 : i32
      %dma_start3A_187 = tpu.memref_slice %arg5[%add3A_33, %dma_start3A_185, %dma_start3A_186] : memref<1024x32x768xf32, #tpu.memory_space<hbm>> -> memref<1x4x768xf32, #tpu.memory_space<hbm>>
      %dma_start3A_188 = tpu.memref_squeeze %dma_start3A_187 : memref<1x4x768xf32, #tpu.memory_space<hbm>> -> memref<4x768xf32, #tpu.memory_space<hbm>>
      %dma_start3A_189 = arith.constant 4 : i32
      %dma_start3A_190 = arith.constant 0 : i32
      %dma_start3A_191 = tpu.memref_slice %arg7[%dma_start3A_176, %dma_start3A_189, %dma_start3A_190] : memref<8x8x768xf32, #tpu.memory_space<vmem>> -> memref<1x4x768xf32, #tpu.memory_space<vmem>>
      %dma_start3A_192 = tpu.memref_squeeze %dma_start3A_191 : memref<1x4x768xf32, #tpu.memory_space<vmem>> -> memref<4x768xf32, #tpu.memory_space<vmem>>
      tpu.enqueue_dma source(%dma_start3A_192 : memref<4x768xf32, #tpu.memory_space<vmem>>) target(%dma_start3A_188 : memref<4x768xf32, #tpu.memory_space<hbm>>) target_semaphore(%arg11 : memref<!tpu.dma_semaphore, #tpu.memory_space<semaphore_mem>>)
      %dma_start3A_193 = arith.constant 1 : i32
      %dma_start3A_194 = arith.constant 4 : i32
      %dma_start3A_195 = arith.constant 0 : i32
      %dma_start3A_196 = tpu.memref_slice %arg7[%dma_start3A_193, %dma_start3A_194, %dma_start3A_195] : memref<8x8x768xf32, #tpu.memory_space<vmem>> -> memref<1x4x768xf32, #tpu.memory_space<vmem>>
      %dma_start3A_197 = tpu.memref_squeeze %dma_start3A_196 : memref<1x4x768xf32, #tpu.memory_space<vmem>> -> memref<4x768xf32, #tpu.memory_space<vmem>>
      %dma_start3A_198 = arith.constant 4 : i32
      %dma_start3A_199 = arith.constant 0 : i32
      %dma_start3A_200 = tpu.memref_slice %arg5[%add3A_33, %dma_start3A_198, %dma_start3A_199] : memref<1024x32x768xf32, #tpu.memory_space<hbm>> -> memref<1x4x768xf32, #tpu.memory_space<hbm>>
      %dma_start3A_201 = tpu.memref_squeeze %dma_start3A_200 : memref<1x4x768xf32, #tpu.memory_space<hbm>> -> memref<4x768xf32, #tpu.memory_space<hbm>>
      %dma_start3A_202 = arith.constant 4 : i32
      %dma_start3A_203 = arith.constant 0 : i32
      %dma_start3A_204 = tpu.memref_slice %arg5[%add3A_33, %dma_start3A_202, %dma_start3A_203] : memref<1024x32x768xf32, #tpu.memory_space<hbm>> -> memref<1x4x768xf32, #tpu.memory_space<hbm>>
      %dma_start3A_205 = tpu.memref_squeeze %dma_start3A_204 : memref<1x4x768xf32, #tpu.memory_space<hbm>> -> memref<4x768xf32, #tpu.memory_space<hbm>>
      %dma_start3A_206 = arith.constant 4 : i32
      %dma_start3A_207 = arith.constant 0 : i32
      %dma_start3A_208 = tpu.memref_slice %arg7[%dma_start3A_193, %dma_start3A_206, %dma_start3A_207] : memref<8x8x768xf32, #tpu.memory_space<vmem>> -> memref<1x4x768xf32, #tpu.memory_space<vmem>>
      %dma_start3A_209 = tpu.memref_squeeze %dma_start3A_208 : memref<1x4x768xf32, #tpu.memory_space<vmem>> -> memref<4x768xf32, #tpu.memory_space<vmem>>
      tpu.enqueue_dma source(%dma_start3A_209 : memref<4x768xf32, #tpu.memory_space<vmem>>) target(%dma_start3A_205 : memref<4x768xf32, #tpu.memory_space<hbm>>) target_semaphore(%arg11 : memref<!tpu.dma_semaphore, #tpu.memory_space<semaphore_mem>>)
      %dma_start3A_210 = arith.constant 2 : i32
      %dma_start3A_211 = arith.constant 4 : i32
      %dma_start3A_212 = arith.constant 0 : i32
      %dma_start3A_213 = tpu.memref_slice %arg7[%dma_start3A_210, %dma_start3A_211, %dma_start3A_212] : memref<8x8x768xf32, #tpu.memory_space<vmem>> -> memref<1x4x768xf32, #tpu.memory_space<vmem>>
      %dma_start3A_214 = tpu.memref_squeeze %dma_start3A_213 : memref<1x4x768xf32, #tpu.memory_space<vmem>> -> memref<4x768xf32, #tpu.memory_space<vmem>>
      %dma_start3A_215 = arith.constant 8 : i32
      %dma_start3A_216 = arith.constant 0 : i32
      %dma_start3A_217 = tpu.memref_slice %arg5[%add3A_33, %dma_start3A_215, %dma_start3A_216] : memref<1024x32x768xf32, #tpu.memory_space<hbm>> -> memref<1x4x768xf32, #tpu.memory_space<hbm>>
      %dma_start3A_218 = tpu.memref_squeeze %dma_start3A_217 : memref<1x4x768xf32, #tpu.memory_space<hbm>> -> memref<4x768xf32, #tpu.memory_space<hbm>>
      %dma_start3A_219 = arith.constant 8 : i32
      %dma_start3A_220 = arith.constant 0 : i32
      %dma_start3A_221 = tpu.memref_slice %arg5[%add3A_33, %dma_start3A_219, %dma_start3A_220] : memref<1024x32x768xf32, #tpu.memory_space<hbm>> -> memref<1x4x768xf32, #tpu.memory_space<hbm>>
      %dma_start3A_222 = tpu.memref_squeeze %dma_start3A_221 : memref<1x4x768xf32, #tpu.memory_space<hbm>> -> memref<4x768xf32, #tpu.memory_space<hbm>>
      %dma_start3A_223 = arith.constant 4 : i32
      %dma_start3A_224 = arith.constant 0 : i32
      %dma_start3A_225 = tpu.memref_slice %arg7[%dma_start3A_210, %dma_start3A_223, %dma_start3A_224] : memref<8x8x768xf32, #tpu.memory_space<vmem>> -> memref<1x4x768xf32, #tpu.memory_space<vmem>>
      %dma_start3A_226 = tpu.memref_squeeze %dma_start3A_225 : memref<1x4x768xf32, #tpu.memory_space<vmem>> -> memref<4x768xf32, #tpu.memory_space<vmem>>
      tpu.enqueue_dma source(%dma_start3A_226 : memref<4x768xf32, #tpu.memory_space<vmem>>) target(%dma_start3A_222 : memref<4x768xf32, #tpu.memory_space<hbm>>) target_semaphore(%arg11 : memref<!tpu.dma_semaphore, #tpu.memory_space<semaphore_mem>>)
      %dma_start3A_227 = arith.constant 3 : i32
      %dma_start3A_228 = arith.constant 4 : i32
      %dma_start3A_229 = arith.constant 0 : i32
      %dma_start3A_230 = tpu.memref_slice %arg7[%dma_start3A_227, %dma_start3A_228, %dma_start3A_229] : memref<8x8x768xf32, #tpu.memory_space<vmem>> -> memref<1x4x768xf32, #tpu.memory_space<vmem>>
      %dma_start3A_231 = tpu.memref_squeeze %dma_start3A_230 : memref<1x4x768xf32, #tpu.memory_space<vmem>> -> memref<4x768xf32, #tpu.memory_space<vmem>>
      %dma_start3A_232 = arith.constant 12 : i32
      %dma_start3A_233 = arith.constant 0 : i32
      %dma_start3A_234 = tpu.memref_slice %arg5[%add3A_33, %dma_start3A_232, %dma_start3A_233] : memref<1024x32x768xf32, #tpu.memory_space<hbm>> -> memref<1x4x768xf32, #tpu.memory_space<hbm>>
      %dma_start3A_235 = tpu.memref_squeeze %dma_start3A_234 : memref<1x4x768xf32, #tpu.memory_space<hbm>> -> memref<4x768xf32, #tpu.memory_space<hbm>>
      %dma_start3A_236 = arith.constant 12 : i32
      %dma_start3A_237 = arith.constant 0 : i32
      %dma_start3A_238 = tpu.memref_slice %arg5[%add3A_33, %dma_start3A_236, %dma_start3A_237] : memref<1024x32x768xf32, #tpu.memory_space<hbm>> -> memref<1x4x768xf32, #tpu.memory_space<hbm>>
      %dma_start3A_239 = tpu.memref_squeeze %dma_start3A_238 : memref<1x4x768xf32, #tpu.memory_space<hbm>> -> memref<4x768xf32, #tpu.memory_space<hbm>>
      %dma_start3A_240 = arith.constant 4 : i32
      %dma_start3A_241 = arith.constant 0 : i32
      %dma_start3A_242 = tpu.memref_slice %arg7[%dma_start3A_227, %dma_start3A_240, %dma_start3A_241] : memref<8x8x768xf32, #tpu.memory_space<vmem>> -> memref<1x4x768xf32, #tpu.memory_space<vmem>>
      %dma_start3A_243 = tpu.memref_squeeze %dma_start3A_242 : memref<1x4x768xf32, #tpu.memory_space<vmem>> -> memref<4x768xf32, #tpu.memory_space<vmem>>
      tpu.enqueue_dma source(%dma_start3A_243 : memref<4x768xf32, #tpu.memory_space<vmem>>) target(%dma_start3A_239 : memref<4x768xf32, #tpu.memory_space<hbm>>) target_semaphore(%arg11 : memref<!tpu.dma_semaphore, #tpu.memory_space<semaphore_mem>>)
      %dma_start3A_244 = arith.constant 4 : i32
      %dma_start3A_245 = arith.constant 4 : i32
      %dma_start3A_246 = arith.constant 0 : i32
      %dma_start3A_247 = tpu.memref_slice %arg7[%dma_start3A_244, %dma_start3A_245, %dma_start3A_246] : memref<8x8x768xf32, #tpu.memory_space<vmem>> -> memref<1x4x768xf32, #tpu.memory_space<vmem>>
      %dma_start3A_248 = tpu.memref_squeeze %dma_start3A_247 : memref<1x4x768xf32, #tpu.memory_space<vmem>> -> memref<4x768xf32, #tpu.memory_space<vmem>>
      %dma_start3A_249 = arith.constant 16 : i32
      %dma_start3A_250 = arith.constant 0 : i32
      %dma_start3A_251 = tpu.memref_slice %arg5[%add3A_33, %dma_start3A_249, %dma_start3A_250] : memref<1024x32x768xf32, #tpu.memory_space<hbm>> -> memref<1x4x768xf32, #tpu.memory_space<hbm>>
      %dma_start3A_252 = tpu.memref_squeeze %dma_start3A_251 : memref<1x4x768xf32, #tpu.memory_space<hbm>> -> memref<4x768xf32, #tpu.memory_space<hbm>>
      %dma_start3A_253 = arith.constant 16 : i32
      %dma_start3A_254 = arith.constant 0 : i32
      %dma_start3A_255 = tpu.memref_slice %arg5[%add3A_33, %dma_start3A_253, %dma_start3A_254] : memref<1024x32x768xf32, #tpu.memory_space<hbm>> -> memref<1x4x768xf32, #tpu.memory_space<hbm>>
      %dma_start3A_256 = tpu.memref_squeeze %dma_start3A_255 : memref<1x4x768xf32, #tpu.memory_space<hbm>> -> memref<4x768xf32, #tpu.memory_space<hbm>>
      %dma_start3A_257 = arith.constant 4 : i32
      %dma_start3A_258 = arith.constant 0 : i32
      %dma_start3A_259 = tpu.memref_slice %arg7[%dma_start3A_244, %dma_start3A_257, %dma_start3A_258] : memref<8x8x768xf32, #tpu.memory_space<vmem>> -> memref<1x4x768xf32, #tpu.memory_space<vmem>>
      %dma_start3A_260 = tpu.memref_squeeze %dma_start3A_259 : memref<1x4x768xf32, #tpu.memory_space<vmem>> -> memref<4x768xf32, #tpu.memory_space<vmem>>
      tpu.enqueue_dma source(%dma_start3A_260 : memref<4x768xf32, #tpu.memory_space<vmem>>) target(%dma_start3A_256 : memref<4x768xf32, #tpu.memory_space<hbm>>) target_semaphore(%arg11 : memref<!tpu.dma_semaphore, #tpu.memory_space<semaphore_mem>>)
      %dma_start3A_261 = arith.constant 5 : i32
      %dma_start3A_262 = arith.constant 4 : i32
      %dma_start3A_263 = arith.constant 0 : i32
      %dma_start3A_264 = tpu.memref_slice %arg7[%dma_start3A_261, %dma_start3A_262, %dma_start3A_263] : memref<8x8x768xf32, #tpu.memory_space<vmem>> -> memref<1x4x768xf32, #tpu.memory_space<vmem>>
      %dma_start3A_265 = tpu.memref_squeeze %dma_start3A_264 : memref<1x4x768xf32, #tpu.memory_space<vmem>> -> memref<4x768xf32, #tpu.memory_space<vmem>>
      %dma_start3A_266 = arith.constant 20 : i32
      %dma_start3A_267 = arith.constant 0 : i32
      %dma_start3A_268 = tpu.memref_slice %arg5[%add3A_33, %dma_start3A_266, %dma_start3A_267] : memref<1024x32x768xf32, #tpu.memory_space<hbm>> -> memref<1x4x768xf32, #tpu.memory_space<hbm>>
      %dma_start3A_269 = tpu.memref_squeeze %dma_start3A_268 : memref<1x4x768xf32, #tpu.memory_space<hbm>> -> memref<4x768xf32, #tpu.memory_space<hbm>>
      %dma_start3A_270 = arith.constant 20 : i32
      %dma_start3A_271 = arith.constant 0 : i32
      %dma_start3A_272 = tpu.memref_slice %arg5[%add3A_33, %dma_start3A_270, %dma_start3A_271] : memref<1024x32x768xf32, #tpu.memory_space<hbm>> -> memref<1x4x768xf32, #tpu.memory_space<hbm>>
      %dma_start3A_273 = tpu.memref_squeeze %dma_start3A_272 : memref<1x4x768xf32, #tpu.memory_space<hbm>> -> memref<4x768xf32, #tpu.memory_space<hbm>>
      %dma_start3A_274 = arith.constant 4 : i32
      %dma_start3A_275 = arith.constant 0 : i32
      %dma_start3A_276 = tpu.memref_slice %arg7[%dma_start3A_261, %dma_start3A_274, %dma_start3A_275] : memref<8x8x768xf32, #tpu.memory_space<vmem>> -> memref<1x4x768xf32, #tpu.memory_space<vmem>>
      %dma_start3A_277 = tpu.memref_squeeze %dma_start3A_276 : memref<1x4x768xf32, #tpu.memory_space<vmem>> -> memref<4x768xf32, #tpu.memory_space<vmem>>
      tpu.enqueue_dma source(%dma_start3A_277 : memref<4x768xf32, #tpu.memory_space<vmem>>) target(%dma_start3A_273 : memref<4x768xf32, #tpu.memory_space<hbm>>) target_semaphore(%arg11 : memref<!tpu.dma_semaphore, #tpu.memory_space<semaphore_mem>>)
      %dma_start3A_278 = arith.constant 6 : i32
      %dma_start3A_279 = arith.constant 4 : i32
      %dma_start3A_280 = arith.constant 0 : i32
      %dma_start3A_281 = tpu.memref_slice %arg7[%dma_start3A_278, %dma_start3A_279, %dma_start3A_280] : memref<8x8x768xf32, #tpu.memory_space<vmem>> -> memref<1x4x768xf32, #tpu.memory_space<vmem>>
      %dma_start3A_282 = tpu.memref_squeeze %dma_start3A_281 : memref<1x4x768xf32, #tpu.memory_space<vmem>> -> memref<4x768xf32, #tpu.memory_space<vmem>>
      %dma_start3A_283 = arith.constant 24 : i32
      %dma_start3A_284 = arith.constant 0 : i32
      %dma_start3A_285 = tpu.memref_slice %arg5[%add3A_33, %dma_start3A_283, %dma_start3A_284] : memref<1024x32x768xf32, #tpu.memory_space<hbm>> -> memref<1x4x768xf32, #tpu.memory_space<hbm>>
      %dma_start3A_286 = tpu.memref_squeeze %dma_start3A_285 : memref<1x4x768xf32, #tpu.memory_space<hbm>> -> memref<4x768xf32, #tpu.memory_space<hbm>>
      %dma_start3A_287 = arith.constant 24 : i32
      %dma_start3A_288 = arith.constant 0 : i32
      %dma_start3A_289 = tpu.memref_slice %arg5[%add3A_33, %dma_start3A_287, %dma_start3A_288] : memref<1024x32x768xf32, #tpu.memory_space<hbm>> -> memref<1x4x768xf32, #tpu.memory_space<hbm>>
      %dma_start3A_290 = tpu.memref_squeeze %dma_start3A_289 : memref<1x4x768xf32, #tpu.memory_space<hbm>> -> memref<4x768xf32, #tpu.memory_space<hbm>>
      %dma_start3A_291 = arith.constant 4 : i32
      %dma_start3A_292 = arith.constant 0 : i32
      %dma_start3A_293 = tpu.memref_slice %arg7[%dma_start3A_278, %dma_start3A_291, %dma_start3A_292] : memref<8x8x768xf32, #tpu.memory_space<vmem>> -> memref<1x4x768xf32, #tpu.memory_space<vmem>>
      %dma_start3A_294 = tpu.memref_squeeze %dma_start3A_293 : memref<1x4x768xf32, #tpu.memory_space<vmem>> -> memref<4x768xf32, #tpu.memory_space<vmem>>
      tpu.enqueue_dma source(%dma_start3A_294 : memref<4x768xf32, #tpu.memory_space<vmem>>) target(%dma_start3A_290 : memref<4x768xf32, #tpu.memory_space<hbm>>) target_semaphore(%arg11 : memref<!tpu.dma_semaphore, #tpu.memory_space<semaphore_mem>>)
      %dma_start3A_295 = arith.constant 7 : i32
      %dma_start3A_296 = arith.constant 4 : i32
      %dma_start3A_297 = arith.constant 0 : i32
      %dma_start3A_298 = tpu.memref_slice %arg7[%dma_start3A_295, %dma_start3A_296, %dma_start3A_297] : memref<8x8x768xf32, #tpu.memory_space<vmem>> -> memref<1x4x768xf32, #tpu.memory_space<vmem>>
      %dma_start3A_299 = tpu.memref_squeeze %dma_start3A_298 : memref<1x4x768xf32, #tpu.memory_space<vmem>> -> memref<4x768xf32, #tpu.memory_space<vmem>>
      %dma_start3A_300 = arith.constant 28 : i32
      %dma_start3A_301 = arith.constant 0 : i32
      %dma_start3A_302 = tpu.memref_slice %arg5[%add3A_33, %dma_start3A_300, %dma_start3A_301] : memref<1024x32x768xf32, #tpu.memory_space<hbm>> -> memref<1x4x768xf32, #tpu.memory_space<hbm>>
      %dma_start3A_303 = tpu.memref_squeeze %dma_start3A_302 : memref<1x4x768xf32, #tpu.memory_space<hbm>> -> memref<4x768xf32, #tpu.memory_space<hbm>>
      %dma_start3A_304 = arith.constant 28 : i32
      %dma_start3A_305 = arith.constant 0 : i32
      %dma_start3A_306 = tpu.memref_slice %arg5[%add3A_33, %dma_start3A_304, %dma_start3A_305] : memref<1024x32x768xf32, #tpu.memory_space<hbm>> -> memref<1x4x768xf32, #tpu.memory_space<hbm>>
      %dma_start3A_307 = tpu.memref_squeeze %dma_start3A_306 : memref<1x4x768xf32, #tpu.memory_space<hbm>> -> memref<4x768xf32, #tpu.memory_space<hbm>>
      %dma_start3A_308 = arith.constant 4 : i32
      %dma_start3A_309 = arith.constant 0 : i32
      %dma_start3A_310 = tpu.memref_slice %arg7[%dma_start3A_295, %dma_start3A_308, %dma_start3A_309] : memref<8x8x768xf32, #tpu.memory_space<vmem>> -> memref<1x4x768xf32, #tpu.memory_space<vmem>>
      %dma_start3A_311 = tpu.memref_squeeze %dma_start3A_310 : memref<1x4x768xf32, #tpu.memory_space<vmem>> -> memref<4x768xf32, #tpu.memory_space<vmem>>
      tpu.enqueue_dma source(%dma_start3A_311 : memref<4x768xf32, #tpu.memory_space<vmem>>) target(%dma_start3A_307 : memref<4x768xf32, #tpu.memory_space<hbm>>) target_semaphore(%arg11 : memref<!tpu.dma_semaphore, #tpu.memory_space<semaphore_mem>>)
      %dma_wait3A_312 = arith.constant 0 : i32
      %dma_wait3A_313 = arith.constant 0 : i32
      %dma_wait3A_314 = arith.constant 0 : i32
      %dma_wait3A_315 = tpu.memref_slice %arg7[%dma_wait3A_312, %dma_wait3A_313, %dma_wait3A_314] : memref<8x8x768xf32, #tpu.memory_space<vmem>> -> memref<1x4x768xf32, #tpu.memory_space<vmem>>
      %dma_wait3A_316 = tpu.memref_squeeze %dma_wait3A_315 : memref<1x4x768xf32, #tpu.memory_space<vmem>> -> memref<4x768xf32, #tpu.memory_space<vmem>>
      %dma_wait3A_317 = arith.constant 0 : i32
      %dma_wait3A_318 = arith.constant 0 : i32
      %dma_wait3A_319 = tpu.memref_slice %arg4[%add3A_33, %dma_wait3A_317, %dma_wait3A_318] : memref<1024x32x768xf32, #tpu.memory_space<hbm>> -> memref<1x4x768xf32, #tpu.memory_space<hbm>>
      %dma_wait3A_320 = tpu.memref_squeeze %dma_wait3A_319 : memref<1x4x768xf32, #tpu.memory_space<hbm>> -> memref<4x768xf32, #tpu.memory_space<hbm>>
      %dma_wait3A_321 = arith.constant 0 : i32
      %dma_wait3A_322 = arith.constant 0 : i32
      %dma_wait3A_323 = tpu.memref_slice %arg4[%add3A_33, %dma_wait3A_321, %dma_wait3A_322] : memref<1024x32x768xf32, #tpu.memory_space<hbm>> -> memref<1x4x768xf32, #tpu.memory_space<hbm>>
      %dma_wait3A_324 = tpu.memref_squeeze %dma_wait3A_323 : memref<1x4x768xf32, #tpu.memory_space<hbm>> -> memref<4x768xf32, #tpu.memory_space<hbm>>
      %dma_wait3A_325 = arith.constant 0 : i32
      %dma_wait3A_326 = arith.constant 0 : i32
      %dma_wait3A_327 = tpu.memref_slice %arg7[%dma_wait3A_312, %dma_wait3A_325, %dma_wait3A_326] : memref<8x8x768xf32, #tpu.memory_space<vmem>> -> memref<1x4x768xf32, #tpu.memory_space<vmem>>
      %dma_wait3A_328 = tpu.memref_squeeze %dma_wait3A_327 : memref<1x4x768xf32, #tpu.memory_space<vmem>> -> memref<4x768xf32, #tpu.memory_space<vmem>>
      tpu.wait_dma2 semaphore(%arg11 : memref<!tpu.dma_semaphore, #tpu.memory_space<semaphore_mem>>) src(%dma_wait3A_328 : memref<4x768xf32, #tpu.memory_space<vmem>>) dst(%dma_wait3A_324 : memref<4x768xf32, #tpu.memory_space<hbm>>)
      %dma_wait3A_329 = arith.constant 1 : i32
      %dma_wait3A_330 = arith.constant 0 : i32
      %dma_wait3A_331 = arith.constant 0 : i32
      %dma_wait3A_332 = tpu.memref_slice %arg7[%dma_wait3A_329, %dma_wait3A_330, %dma_wait3A_331] : memref<8x8x768xf32, #tpu.memory_space<vmem>> -> memref<1x4x768xf32, #tpu.memory_space<vmem>>
      %dma_wait3A_333 = tpu.memref_squeeze %dma_wait3A_332 : memref<1x4x768xf32, #tpu.memory_space<vmem>> -> memref<4x768xf32, #tpu.memory_space<vmem>>
      %dma_wait3A_334 = arith.constant 4 : i32
      %dma_wait3A_335 = arith.constant 0 : i32
      %dma_wait3A_336 = tpu.memref_slice %arg4[%add3A_33, %dma_wait3A_334, %dma_wait3A_335] : memref<1024x32x768xf32, #tpu.memory_space<hbm>> -> memref<1x4x768xf32, #tpu.memory_space<hbm>>
      %dma_wait3A_337 = tpu.memref_squeeze %dma_wait3A_336 : memref<1x4x768xf32, #tpu.memory_space<hbm>> -> memref<4x768xf32, #tpu.memory_space<hbm>>
      %dma_wait3A_338 = arith.constant 4 : i32
      %dma_wait3A_339 = arith.constant 0 : i32
      %dma_wait3A_340 = tpu.memref_slice %arg4[%add3A_33, %dma_wait3A_338, %dma_wait3A_339] : memref<1024x32x768xf32, #tpu.memory_space<hbm>> -> memref<1x4x768xf32, #tpu.memory_space<hbm>>
      %dma_wait3A_341 = tpu.memref_squeeze %dma_wait3A_340 : memref<1x4x768xf32, #tpu.memory_space<hbm>> -> memref<4x768xf32, #tpu.memory_space<hbm>>
      %dma_wait3A_342 = arith.constant 0 : i32
      %dma_wait3A_343 = arith.constant 0 : i32
      %dma_wait3A_344 = tpu.memref_slice %arg7[%dma_wait3A_329, %dma_wait3A_342, %dma_wait3A_343] : memref<8x8x768xf32, #tpu.memory_space<vmem>> -> memref<1x4x768xf32, #tpu.memory_space<vmem>>
      %dma_wait3A_345 = tpu.memref_squeeze %dma_wait3A_344 : memref<1x4x768xf32, #tpu.memory_space<vmem>> -> memref<4x768xf32, #tpu.memory_space<vmem>>
      tpu.wait_dma2 semaphore(%arg11 : memref<!tpu.dma_semaphore, #tpu.memory_space<semaphore_mem>>) src(%dma_wait3A_345 : memref<4x768xf32, #tpu.memory_space<vmem>>) dst(%dma_wait3A_341 : memref<4x768xf32, #tpu.memory_space<hbm>>)
      %dma_wait3A_346 = arith.constant 2 : i32
      %dma_wait3A_347 = arith.constant 0 : i32
      %dma_wait3A_348 = arith.constant 0 : i32
      %dma_wait3A_349 = tpu.memref_slice %arg7[%dma_wait3A_346, %dma_wait3A_347, %dma_wait3A_348] : memref<8x8x768xf32, #tpu.memory_space<vmem>> -> memref<1x4x768xf32, #tpu.memory_space<vmem>>
      %dma_wait3A_350 = tpu.memref_squeeze %dma_wait3A_349 : memref<1x4x768xf32, #tpu.memory_space<vmem>> -> memref<4x768xf32, #tpu.memory_space<vmem>>
      %dma_wait3A_351 = arith.constant 8 : i32
      %dma_wait3A_352 = arith.constant 0 : i32
      %dma_wait3A_353 = tpu.memref_slice %arg4[%add3A_33, %dma_wait3A_351, %dma_wait3A_352] : memref<1024x32x768xf32, #tpu.memory_space<hbm>> -> memref<1x4x768xf32, #tpu.memory_space<hbm>>
      %dma_wait3A_354 = tpu.memref_squeeze %dma_wait3A_353 : memref<1x4x768xf32, #tpu.memory_space<hbm>> -> memref<4x768xf32, #tpu.memory_space<hbm>>
      %dma_wait3A_355 = arith.constant 8 : i32
      %dma_wait3A_356 = arith.constant 0 : i32
      %dma_wait3A_357 = tpu.memref_slice %arg4[%add3A_33, %dma_wait3A_355, %dma_wait3A_356] : memref<1024x32x768xf32, #tpu.memory_space<hbm>> -> memref<1x4x768xf32, #tpu.memory_space<hbm>>
      %dma_wait3A_358 = tpu.memref_squeeze %dma_wait3A_357 : memref<1x4x768xf32, #tpu.memory_space<hbm>> -> memref<4x768xf32, #tpu.memory_space<hbm>>
      %dma_wait3A_359 = arith.constant 0 : i32
      %dma_wait3A_360 = arith.constant 0 : i32
      %dma_wait3A_361 = tpu.memref_slice %arg7[%dma_wait3A_346, %dma_wait3A_359, %dma_wait3A_360] : memref<8x8x768xf32, #tpu.memory_space<vmem>> -> memref<1x4x768xf32, #tpu.memory_space<vmem>>
      %dma_wait3A_362 = tpu.memref_squeeze %dma_wait3A_361 : memref<1x4x768xf32, #tpu.memory_space<vmem>> -> memref<4x768xf32, #tpu.memory_space<vmem>>
      tpu.wait_dma2 semaphore(%arg11 : memref<!tpu.dma_semaphore, #tpu.memory_space<semaphore_mem>>) src(%dma_wait3A_362 : memref<4x768xf32, #tpu.memory_space<vmem>>) dst(%dma_wait3A_358 : memref<4x768xf32, #tpu.memory_space<hbm>>)
      %dma_wait3A_363 = arith.constant 3 : i32
      %dma_wait3A_364 = arith.constant 0 : i32
      %dma_wait3A_365 = arith.constant 0 : i32
      %dma_wait3A_366 = tpu.memref_slice %arg7[%dma_wait3A_363, %dma_wait3A_364, %dma_wait3A_365] : memref<8x8x768xf32, #tpu.memory_space<vmem>> -> memref<1x4x768xf32, #tpu.memory_space<vmem>>
      %dma_wait3A_367 = tpu.memref_squeeze %dma_wait3A_366 : memref<1x4x768xf32, #tpu.memory_space<vmem>> -> memref<4x768xf32, #tpu.memory_space<vmem>>
      %dma_wait3A_368 = arith.constant 12 : i32
      %dma_wait3A_369 = arith.constant 0 : i32
      %dma_wait3A_370 = tpu.memref_slice %arg4[%add3A_33, %dma_wait3A_368, %dma_wait3A_369] : memref<1024x32x768xf32, #tpu.memory_space<hbm>> -> memref<1x4x768xf32, #tpu.memory_space<hbm>>
      %dma_wait3A_371 = tpu.memref_squeeze %dma_wait3A_370 : memref<1x4x768xf32, #tpu.memory_space<hbm>> -> memref<4x768xf32, #tpu.memory_space<hbm>>
      %dma_wait3A_372 = arith.constant 12 : i32
      %dma_wait3A_373 = arith.constant 0 : i32
      %dma_wait3A_374 = tpu.memref_slice %arg4[%add3A_33, %dma_wait3A_372, %dma_wait3A_373] : memref<1024x32x768xf32, #tpu.memory_space<hbm>> -> memref<1x4x768xf32, #tpu.memory_space<hbm>>
      %dma_wait3A_375 = tpu.memref_squeeze %dma_wait3A_374 : memref<1x4x768xf32, #tpu.memory_space<hbm>> -> memref<4x768xf32, #tpu.memory_space<hbm>>
      %dma_wait3A_376 = arith.constant 0 : i32
      %dma_wait3A_377 = arith.constant 0 : i32
      %dma_wait3A_378 = tpu.memref_slice %arg7[%dma_wait3A_363, %dma_wait3A_376, %dma_wait3A_377] : memref<8x8x768xf32, #tpu.memory_space<vmem>> -> memref<1x4x768xf32, #tpu.memory_space<vmem>>
      %dma_wait3A_379 = tpu.memref_squeeze %dma_wait3A_378 : memref<1x4x768xf32, #tpu.memory_space<vmem>> -> memref<4x768xf32, #tpu.memory_space<vmem>>
      tpu.wait_dma2 semaphore(%arg11 : memref<!tpu.dma_semaphore, #tpu.memory_space<semaphore_mem>>) src(%dma_wait3A_379 : memref<4x768xf32, #tpu.memory_space<vmem>>) dst(%dma_wait3A_375 : memref<4x768xf32, #tpu.memory_space<hbm>>)
      %dma_wait3A_380 = arith.constant 4 : i32
      %dma_wait3A_381 = arith.constant 0 : i32
      %dma_wait3A_382 = arith.constant 0 : i32
      %dma_wait3A_383 = tpu.memref_slice %arg7[%dma_wait3A_380, %dma_wait3A_381, %dma_wait3A_382] : memref<8x8x768xf32, #tpu.memory_space<vmem>> -> memref<1x4x768xf32, #tpu.memory_space<vmem>>
      %dma_wait3A_384 = tpu.memref_squeeze %dma_wait3A_383 : memref<1x4x768xf32, #tpu.memory_space<vmem>> -> memref<4x768xf32, #tpu.memory_space<vmem>>
      %dma_wait3A_385 = arith.constant 16 : i32
      %dma_wait3A_386 = arith.constant 0 : i32
      %dma_wait3A_387 = tpu.memref_slice %arg4[%add3A_33, %dma_wait3A_385, %dma_wait3A_386] : memref<1024x32x768xf32, #tpu.memory_space<hbm>> -> memref<1x4x768xf32, #tpu.memory_space<hbm>>
      %dma_wait3A_388 = tpu.memref_squeeze %dma_wait3A_387 : memref<1x4x768xf32, #tpu.memory_space<hbm>> -> memref<4x768xf32, #tpu.memory_space<hbm>>
      %dma_wait3A_389 = arith.constant 16 : i32
      %dma_wait3A_390 = arith.constant 0 : i32
      %dma_wait3A_391 = tpu.memref_slice %arg4[%add3A_33, %dma_wait3A_389, %dma_wait3A_390] : memref<1024x32x768xf32, #tpu.memory_space<hbm>> -> memref<1x4x768xf32, #tpu.memory_space<hbm>>
      %dma_wait3A_392 = tpu.memref_squeeze %dma_wait3A_391 : memref<1x4x768xf32, #tpu.memory_space<hbm>> -> memref<4x768xf32, #tpu.memory_space<hbm>>
      %dma_wait3A_393 = arith.constant 0 : i32
      %dma_wait3A_394 = arith.constant 0 : i32
      %dma_wait3A_395 = tpu.memref_slice %arg7[%dma_wait3A_380, %dma_wait3A_393, %dma_wait3A_394] : memref<8x8x768xf32, #tpu.memory_space<vmem>> -> memref<1x4x768xf32, #tpu.memory_space<vmem>>
      %dma_wait3A_396 = tpu.memref_squeeze %dma_wait3A_395 : memref<1x4x768xf32, #tpu.memory_space<vmem>> -> memref<4x768xf32, #tpu.memory_space<vmem>>
      tpu.wait_dma2 semaphore(%arg11 : memref<!tpu.dma_semaphore, #tpu.memory_space<semaphore_mem>>) src(%dma_wait3A_396 : memref<4x768xf32, #tpu.memory_space<vmem>>) dst(%dma_wait3A_392 : memref<4x768xf32, #tpu.memory_space<hbm>>)
      %dma_wait3A_397 = arith.constant 5 : i32
      %dma_wait3A_398 = arith.constant 0 : i32
      %dma_wait3A_399 = arith.constant 0 : i32
      %dma_wait3A_400 = tpu.memref_slice %arg7[%dma_wait3A_397, %dma_wait3A_398, %dma_wait3A_399] : memref<8x8x768xf32, #tpu.memory_space<vmem>> -> memref<1x4x768xf32, #tpu.memory_space<vmem>>
      %dma_wait3A_401 = tpu.memref_squeeze %dma_wait3A_400 : memref<1x4x768xf32, #tpu.memory_space<vmem>> -> memref<4x768xf32, #tpu.memory_space<vmem>>
      %dma_wait3A_402 = arith.constant 20 : i32
      %dma_wait3A_403 = arith.constant 0 : i32
      %dma_wait3A_404 = tpu.memref_slice %arg4[%add3A_33, %dma_wait3A_402, %dma_wait3A_403] : memref<1024x32x768xf32, #tpu.memory_space<hbm>> -> memref<1x4x768xf32, #tpu.memory_space<hbm>>
      %dma_wait3A_405 = tpu.memref_squeeze %dma_wait3A_404 : memref<1x4x768xf32, #tpu.memory_space<hbm>> -> memref<4x768xf32, #tpu.memory_space<hbm>>
      %dma_wait3A_406 = arith.constant 20 : i32
      %dma_wait3A_407 = arith.constant 0 : i32
      %dma_wait3A_408 = tpu.memref_slice %arg4[%add3A_33, %dma_wait3A_406, %dma_wait3A_407] : memref<1024x32x768xf32, #tpu.memory_space<hbm>> -> memref<1x4x768xf32, #tpu.memory_space<hbm>>
      %dma_wait3A_409 = tpu.memref_squeeze %dma_wait3A_408 : memref<1x4x768xf32, #tpu.memory_space<hbm>> -> memref<4x768xf32, #tpu.memory_space<hbm>>
      %dma_wait3A_410 = arith.constant 0 : i32
      %dma_wait3A_411 = arith.constant 0 : i32
      %dma_wait3A_412 = tpu.memref_slice %arg7[%dma_wait3A_397, %dma_wait3A_410, %dma_wait3A_411] : memref<8x8x768xf32, #tpu.memory_space<vmem>> -> memref<1x4x768xf32, #tpu.memory_space<vmem>>
      %dma_wait3A_413 = tpu.memref_squeeze %dma_wait3A_412 : memref<1x4x768xf32, #tpu.memory_space<vmem>> -> memref<4x768xf32, #tpu.memory_space<vmem>>
      tpu.wait_dma2 semaphore(%arg11 : memref<!tpu.dma_semaphore, #tpu.memory_space<semaphore_mem>>) src(%dma_wait3A_413 : memref<4x768xf32, #tpu.memory_space<vmem>>) dst(%dma_wait3A_409 : memref<4x768xf32, #tpu.memory_space<hbm>>)
      %dma_wait3A_414 = arith.constant 6 : i32
      %dma_wait3A_415 = arith.constant 0 : i32
      %dma_wait3A_416 = arith.constant 0 : i32
      %dma_wait3A_417 = tpu.memref_slice %arg7[%dma_wait3A_414, %dma_wait3A_415, %dma_wait3A_416] : memref<8x8x768xf32, #tpu.memory_space<vmem>> -> memref<1x4x768xf32, #tpu.memory_space<vmem>>
      %dma_wait3A_418 = tpu.memref_squeeze %dma_wait3A_417 : memref<1x4x768xf32, #tpu.memory_space<vmem>> -> memref<4x768xf32, #tpu.memory_space<vmem>>
      %dma_wait3A_419 = arith.constant 24 : i32
      %dma_wait3A_420 = arith.constant 0 : i32
      %dma_wait3A_421 = tpu.memref_slice %arg4[%add3A_33, %dma_wait3A_419, %dma_wait3A_420] : memref<1024x32x768xf32, #tpu.memory_space<hbm>> -> memref<1x4x768xf32, #tpu.memory_space<hbm>>
      %dma_wait3A_422 = tpu.memref_squeeze %dma_wait3A_421 : memref<1x4x768xf32, #tpu.memory_space<hbm>> -> memref<4x768xf32, #tpu.memory_space<hbm>>
      %dma_wait3A_423 = arith.constant 24 : i32
      %dma_wait3A_424 = arith.constant 0 : i32
      %dma_wait3A_425 = tpu.memref_slice %arg4[%add3A_33, %dma_wait3A_423, %dma_wait3A_424] : memref<1024x32x768xf32, #tpu.memory_space<hbm>> -> memref<1x4x768xf32, #tpu.memory_space<hbm>>
      %dma_wait3A_426 = tpu.memref_squeeze %dma_wait3A_425 : memref<1x4x768xf32, #tpu.memory_space<hbm>> -> memref<4x768xf32, #tpu.memory_space<hbm>>
      %dma_wait3A_427 = arith.constant 0 : i32
      %dma_wait3A_428 = arith.constant 0 : i32
      %dma_wait3A_429 = tpu.memref_slice %arg7[%dma_wait3A_414, %dma_wait3A_427, %dma_wait3A_428] : memref<8x8x768xf32, #tpu.memory_space<vmem>> -> memref<1x4x768xf32, #tpu.memory_space<vmem>>
      %dma_wait3A_430 = tpu.memref_squeeze %dma_wait3A_429 : memref<1x4x768xf32, #tpu.memory_space<vmem>> -> memref<4x768xf32, #tpu.memory_space<vmem>>
      tpu.wait_dma2 semaphore(%arg11 : memref<!tpu.dma_semaphore, #tpu.memory_space<semaphore_mem>>) src(%dma_wait3A_430 : memref<4x768xf32, #tpu.memory_space<vmem>>) dst(%dma_wait3A_426 : memref<4x768xf32, #tpu.memory_space<hbm>>)
      %dma_wait3A_431 = arith.constant 7 : i32
      %dma_wait3A_432 = arith.constant 0 : i32
      %dma_wait3A_433 = arith.constant 0 : i32
      %dma_wait3A_434 = tpu.memref_slice %arg7[%dma_wait3A_431, %dma_wait3A_432, %dma_wait3A_433] : memref<8x8x768xf32, #tpu.memory_space<vmem>> -> memref<1x4x768xf32, #tpu.memory_space<vmem>>
      %dma_wait3A_435 = tpu.memref_squeeze %dma_wait3A_434 : memref<1x4x768xf32, #tpu.memory_space<vmem>> -> memref<4x768xf32, #tpu.memory_space<vmem>>
      %dma_wait3A_436 = arith.constant 28 : i32
      %dma_wait3A_437 = arith.constant 0 : i32
      %dma_wait3A_438 = tpu.memref_slice %arg4[%add3A_33, %dma_wait3A_436, %dma_wait3A_437] : memref<1024x32x768xf32, #tpu.memory_space<hbm>> -> memref<1x4x768xf32, #tpu.memory_space<hbm>>
      %dma_wait3A_439 = tpu.memref_squeeze %dma_wait3A_438 : memref<1x4x768xf32, #tpu.memory_space<hbm>> -> memref<4x768xf32, #tpu.memory_space<hbm>>
      %dma_wait3A_440 = arith.constant 28 : i32
      %dma_wait3A_441 = arith.constant 0 : i32
      %dma_wait3A_442 = tpu.memref_slice %arg4[%add3A_33, %dma_wait3A_440, %dma_wait3A_441] : memref<1024x32x768xf32, #tpu.memory_space<hbm>> -> memref<1x4x768xf32, #tpu.memory_space<hbm>>
      %dma_wait3A_443 = tpu.memref_squeeze %dma_wait3A_442 : memref<1x4x768xf32, #tpu.memory_space<hbm>> -> memref<4x768xf32, #tpu.memory_space<hbm>>
      %dma_wait3A_444 = arith.constant 0 : i32
      %dma_wait3A_445 = arith.constant 0 : i32
      %dma_wait3A_446 = tpu.memref_slice %arg7[%dma_wait3A_431, %dma_wait3A_444, %dma_wait3A_445] : memref<8x8x768xf32, #tpu.memory_space<vmem>> -> memref<1x4x768xf32, #tpu.memory_space<vmem>>
      %dma_wait3A_447 = tpu.memref_squeeze %dma_wait3A_446 : memref<1x4x768xf32, #tpu.memory_space<vmem>> -> memref<4x768xf32, #tpu.memory_space<vmem>>
      tpu.wait_dma2 semaphore(%arg11 : memref<!tpu.dma_semaphore, #tpu.memory_space<semaphore_mem>>) src(%dma_wait3A_447 : memref<4x768xf32, #tpu.memory_space<vmem>>) dst(%dma_wait3A_443 : memref<4x768xf32, #tpu.memory_space<hbm>>)
      %dma_wait3A_448 = arith.constant 0 : i32
      %dma_wait3A_449 = arith.constant 4 : i32
      %dma_wait3A_450 = arith.constant 0 : i32
      %dma_wait3A_451 = tpu.memref_slice %arg7[%dma_wait3A_448, %dma_wait3A_449, %dma_wait3A_450] : memref<8x8x768xf32, #tpu.memory_space<vmem>> -> memref<1x4x768xf32, #tpu.memory_space<vmem>>
      %dma_wait3A_452 = tpu.memref_squeeze %dma_wait3A_451 : memref<1x4x768xf32, #tpu.memory_space<vmem>> -> memref<4x768xf32, #tpu.memory_space<vmem>>
      %dma_wait3A_453 = arith.constant 0 : i32
      %dma_wait3A_454 = arith.constant 0 : i32
      %dma_wait3A_455 = tpu.memref_slice %arg5[%add3A_33, %dma_wait3A_453, %dma_wait3A_454] : memref<1024x32x768xf32, #tpu.memory_space<hbm>> -> memref<1x4x768xf32, #tpu.memory_space<hbm>>
      %dma_wait3A_456 = tpu.memref_squeeze %dma_wait3A_455 : memref<1x4x768xf32, #tpu.memory_space<hbm>> -> memref<4x768xf32, #tpu.memory_space<hbm>>
      %dma_wait3A_457 = arith.constant 0 : i32
      %dma_wait3A_458 = arith.constant 0 : i32
      %dma_wait3A_459 = tpu.memref_slice %arg5[%add3A_33, %dma_wait3A_457, %dma_wait3A_458] : memref<1024x32x768xf32, #tpu.memory_space<hbm>> -> memref<1x4x768xf32, #tpu.memory_space<hbm>>
      %dma_wait3A_460 = tpu.memref_squeeze %dma_wait3A_459 : memref<1x4x768xf32, #tpu.memory_space<hbm>> -> memref<4x768xf32, #tpu.memory_space<hbm>>
      %dma_wait3A_461 = arith.constant 4 : i32
      %dma_wait3A_462 = arith.constant 0 : i32
      %dma_wait3A_463 = tpu.memref_slice %arg7[%dma_wait3A_448, %dma_wait3A_461, %dma_wait3A_462] : memref<8x8x768xf32, #tpu.memory_space<vmem>> -> memref<1x4x768xf32, #tpu.memory_space<vmem>>
      %dma_wait3A_464 = tpu.memref_squeeze %dma_wait3A_463 : memref<1x4x768xf32, #tpu.memory_space<vmem>> -> memref<4x768xf32, #tpu.memory_space<vmem>>
      tpu.wait_dma2 semaphore(%arg11 : memref<!tpu.dma_semaphore, #tpu.memory_space<semaphore_mem>>) src(%dma_wait3A_464 : memref<4x768xf32, #tpu.memory_space<vmem>>) dst(%dma_wait3A_460 : memref<4x768xf32, #tpu.memory_space<hbm>>)
      %dma_wait3A_465 = arith.constant 1 : i32
      %dma_wait3A_466 = arith.constant 4 : i32
      %dma_wait3A_467 = arith.constant 0 : i32
      %dma_wait3A_468 = tpu.memref_slice %arg7[%dma_wait3A_465, %dma_wait3A_466, %dma_wait3A_467] : memref<8x8x768xf32, #tpu.memory_space<vmem>> -> memref<1x4x768xf32, #tpu.memory_space<vmem>>
      %dma_wait3A_469 = tpu.memref_squeeze %dma_wait3A_468 : memref<1x4x768xf32, #tpu.memory_space<vmem>> -> memref<4x768xf32, #tpu.memory_space<vmem>>
      %dma_wait3A_470 = arith.constant 4 : i32
      %dma_wait3A_471 = arith.constant 0 : i32
      %dma_wait3A_472 = tpu.memref_slice %arg5[%add3A_33, %dma_wait3A_470, %dma_wait3A_471] : memref<1024x32x768xf32, #tpu.memory_space<hbm>> -> memref<1x4x768xf32, #tpu.memory_space<hbm>>
      %dma_wait3A_473 = tpu.memref_squeeze %dma_wait3A_472 : memref<1x4x768xf32, #tpu.memory_space<hbm>> -> memref<4x768xf32, #tpu.memory_space<hbm>>
      %dma_wait3A_474 = arith.constant 4 : i32
      %dma_wait3A_475 = arith.constant 0 : i32
      %dma_wait3A_476 = tpu.memref_slice %arg5[%add3A_33, %dma_wait3A_474, %dma_wait3A_475] : memref<1024x32x768xf32, #tpu.memory_space<hbm>> -> memref<1x4x768xf32, #tpu.memory_space<hbm>>
      %dma_wait3A_477 = tpu.memref_squeeze %dma_wait3A_476 : memref<1x4x768xf32, #tpu.memory_space<hbm>> -> memref<4x768xf32, #tpu.memory_space<hbm>>
      %dma_wait3A_478 = arith.constant 4 : i32
      %dma_wait3A_479 = arith.constant 0 : i32
      %dma_wait3A_480 = tpu.memref_slice %arg7[%dma_wait3A_465, %dma_wait3A_478, %dma_wait3A_479] : memref<8x8x768xf32, #tpu.memory_space<vmem>> -> memref<1x4x768xf32, #tpu.memory_space<vmem>>
      %dma_wait3A_481 = tpu.memref_squeeze %dma_wait3A_480 : memref<1x4x768xf32, #tpu.memory_space<vmem>> -> memref<4x768xf32, #tpu.memory_space<vmem>>
      tpu.wait_dma2 semaphore(%arg11 : memref<!tpu.dma_semaphore, #tpu.memory_space<semaphore_mem>>) src(%dma_wait3A_481 : memref<4x768xf32, #tpu.memory_space<vmem>>) dst(%dma_wait3A_477 : memref<4x768xf32, #tpu.memory_space<hbm>>)
      %dma_wait3A_482 = arith.constant 2 : i32
      %dma_wait3A_483 = arith.constant 4 : i32
      %dma_wait3A_484 = arith.constant 0 : i32
      %dma_wait3A_485 = tpu.memref_slice %arg7[%dma_wait3A_482, %dma_wait3A_483, %dma_wait3A_484] : memref<8x8x768xf32, #tpu.memory_space<vmem>> -> memref<1x4x768xf32, #tpu.memory_space<vmem>>
      %dma_wait3A_486 = tpu.memref_squeeze %dma_wait3A_485 : memref<1x4x768xf32, #tpu.memory_space<vmem>> -> memref<4x768xf32, #tpu.memory_space<vmem>>
      %dma_wait3A_487 = arith.constant 8 : i32
      %dma_wait3A_488 = arith.constant 0 : i32
      %dma_wait3A_489 = tpu.memref_slice %arg5[%add3A_33, %dma_wait3A_487, %dma_wait3A_488] : memref<1024x32x768xf32, #tpu.memory_space<hbm>> -> memref<1x4x768xf32, #tpu.memory_space<hbm>>
      %dma_wait3A_490 = tpu.memref_squeeze %dma_wait3A_489 : memref<1x4x768xf32, #tpu.memory_space<hbm>> -> memref<4x768xf32, #tpu.memory_space<hbm>>
      %dma_wait3A_491 = arith.constant 8 : i32
      %dma_wait3A_492 = arith.constant 0 : i32
      %dma_wait3A_493 = tpu.memref_slice %arg5[%add3A_33, %dma_wait3A_491, %dma_wait3A_492] : memref<1024x32x768xf32, #tpu.memory_space<hbm>> -> memref<1x4x768xf32, #tpu.memory_space<hbm>>
      %dma_wait3A_494 = tpu.memref_squeeze %dma_wait3A_493 : memref<1x4x768xf32, #tpu.memory_space<hbm>> -> memref<4x768xf32, #tpu.memory_space<hbm>>
      %dma_wait3A_495 = arith.constant 4 : i32
      %dma_wait3A_496 = arith.constant 0 : i32
      %dma_wait3A_497 = tpu.memref_slice %arg7[%dma_wait3A_482, %dma_wait3A_495, %dma_wait3A_496] : memref<8x8x768xf32, #tpu.memory_space<vmem>> -> memref<1x4x768xf32, #tpu.memory_space<vmem>>
      %dma_wait3A_498 = tpu.memref_squeeze %dma_wait3A_497 : memref<1x4x768xf32, #tpu.memory_space<vmem>> -> memref<4x768xf32, #tpu.memory_space<vmem>>
      tpu.wait_dma2 semaphore(%arg11 : memref<!tpu.dma_semaphore, #tpu.memory_space<semaphore_mem>>) src(%dma_wait3A_498 : memref<4x768xf32, #tpu.memory_space<vmem>>) dst(%dma_wait3A_494 : memref<4x768xf32, #tpu.memory_space<hbm>>)
      %dma_wait3A_499 = arith.constant 3 : i32
      %dma_wait3A_500 = arith.constant 4 : i32
      %dma_wait3A_501 = arith.constant 0 : i32
      %dma_wait3A_502 = tpu.memref_slice %arg7[%dma_wait3A_499, %dma_wait3A_500, %dma_wait3A_501] : memref<8x8x768xf32, #tpu.memory_space<vmem>> -> memref<1x4x768xf32, #tpu.memory_space<vmem>>
      %dma_wait3A_503 = tpu.memref_squeeze %dma_wait3A_502 : memref<1x4x768xf32, #tpu.memory_space<vmem>> -> memref<4x768xf32, #tpu.memory_space<vmem>>
      %dma_wait3A_504 = arith.constant 12 : i32
      %dma_wait3A_505 = arith.constant 0 : i32
      %dma_wait3A_506 = tpu.memref_slice %arg5[%add3A_33, %dma_wait3A_504, %dma_wait3A_505] : memref<1024x32x768xf32, #tpu.memory_space<hbm>> -> memref<1x4x768xf32, #tpu.memory_space<hbm>>
      %dma_wait3A_507 = tpu.memref_squeeze %dma_wait3A_506 : memref<1x4x768xf32, #tpu.memory_space<hbm>> -> memref<4x768xf32, #tpu.memory_space<hbm>>
      %dma_wait3A_508 = arith.constant 12 : i32
      %dma_wait3A_509 = arith.constant 0 : i32
      %dma_wait3A_510 = tpu.memref_slice %arg5[%add3A_33, %dma_wait3A_508, %dma_wait3A_509] : memref<1024x32x768xf32, #tpu.memory_space<hbm>> -> memref<1x4x768xf32, #tpu.memory_space<hbm>>
      %dma_wait3A_511 = tpu.memref_squeeze %dma_wait3A_510 : memref<1x4x768xf32, #tpu.memory_space<hbm>> -> memref<4x768xf32, #tpu.memory_space<hbm>>
      %dma_wait3A_512 = arith.constant 4 : i32
      %dma_wait3A_513 = arith.constant 0 : i32
      %dma_wait3A_514 = tpu.memref_slice %arg7[%dma_wait3A_499, %dma_wait3A_512, %dma_wait3A_513] : memref<8x8x768xf32, #tpu.memory_space<vmem>> -> memref<1x4x768xf32, #tpu.memory_space<vmem>>
      %dma_wait3A_515 = tpu.memref_squeeze %dma_wait3A_514 : memref<1x4x768xf32, #tpu.memory_space<vmem>> -> memref<4x768xf32, #tpu.memory_space<vmem>>
      tpu.wait_dma2 semaphore(%arg11 : memref<!tpu.dma_semaphore, #tpu.memory_space<semaphore_mem>>) src(%dma_wait3A_515 : memref<4x768xf32, #tpu.memory_space<vmem>>) dst(%dma_wait3A_511 : memref<4x768xf32, #tpu.memory_space<hbm>>)
      %dma_wait3A_516 = arith.constant 4 : i32
      %dma_wait3A_517 = arith.constant 4 : i32
      %dma_wait3A_518 = arith.constant 0 : i32
      %dma_wait3A_519 = tpu.memref_slice %arg7[%dma_wait3A_516, %dma_wait3A_517, %dma_wait3A_518] : memref<8x8x768xf32, #tpu.memory_space<vmem>> -> memref<1x4x768xf32, #tpu.memory_space<vmem>>
      %dma_wait3A_520 = tpu.memref_squeeze %dma_wait3A_519 : memref<1x4x768xf32, #tpu.memory_space<vmem>> -> memref<4x768xf32, #tpu.memory_space<vmem>>
      %dma_wait3A_521 = arith.constant 16 : i32
      %dma_wait3A_522 = arith.constant 0 : i32
      %dma_wait3A_523 = tpu.memref_slice %arg5[%add3A_33, %dma_wait3A_521, %dma_wait3A_522] : memref<1024x32x768xf32, #tpu.memory_space<hbm>> -> memref<1x4x768xf32, #tpu.memory_space<hbm>>
      %dma_wait3A_524 = tpu.memref_squeeze %dma_wait3A_523 : memref<1x4x768xf32, #tpu.memory_space<hbm>> -> memref<4x768xf32, #tpu.memory_space<hbm>>
      %dma_wait3A_525 = arith.constant 16 : i32
      %dma_wait3A_526 = arith.constant 0 : i32
      %dma_wait3A_527 = tpu.memref_slice %arg5[%add3A_33, %dma_wait3A_525, %dma_wait3A_526] : memref<1024x32x768xf32, #tpu.memory_space<hbm>> -> memref<1x4x768xf32, #tpu.memory_space<hbm>>
      %dma_wait3A_528 = tpu.memref_squeeze %dma_wait3A_527 : memref<1x4x768xf32, #tpu.memory_space<hbm>> -> memref<4x768xf32, #tpu.memory_space<hbm>>
      %dma_wait3A_529 = arith.constant 4 : i32
      %dma_wait3A_530 = arith.constant 0 : i32
      %dma_wait3A_531 = tpu.memref_slice %arg7[%dma_wait3A_516, %dma_wait3A_529, %dma_wait3A_530] : memref<8x8x768xf32, #tpu.memory_space<vmem>> -> memref<1x4x768xf32, #tpu.memory_space<vmem>>
      %dma_wait3A_532 = tpu.memref_squeeze %dma_wait3A_531 : memref<1x4x768xf32, #tpu.memory_space<vmem>> -> memref<4x768xf32, #tpu.memory_space<vmem>>
      tpu.wait_dma2 semaphore(%arg11 : memref<!tpu.dma_semaphore, #tpu.memory_space<semaphore_mem>>) src(%dma_wait3A_532 : memref<4x768xf32, #tpu.memory_space<vmem>>) dst(%dma_wait3A_528 : memref<4x768xf32, #tpu.memory_space<hbm>>)
      %dma_wait3A_533 = arith.constant 5 : i32
      %dma_wait3A_534 = arith.constant 4 : i32
      %dma_wait3A_535 = arith.constant 0 : i32
      %dma_wait3A_536 = tpu.memref_slice %arg7[%dma_wait3A_533, %dma_wait3A_534, %dma_wait3A_535] : memref<8x8x768xf32, #tpu.memory_space<vmem>> -> memref<1x4x768xf32, #tpu.memory_space<vmem>>
      %dma_wait3A_537 = tpu.memref_squeeze %dma_wait3A_536 : memref<1x4x768xf32, #tpu.memory_space<vmem>> -> memref<4x768xf32, #tpu.memory_space<vmem>>
      %dma_wait3A_538 = arith.constant 20 : i32
      %dma_wait3A_539 = arith.constant 0 : i32
      %dma_wait3A_540 = tpu.memref_slice %arg5[%add3A_33, %dma_wait3A_538, %dma_wait3A_539] : memref<1024x32x768xf32, #tpu.memory_space<hbm>> -> memref<1x4x768xf32, #tpu.memory_space<hbm>>
      %dma_wait3A_541 = tpu.memref_squeeze %dma_wait3A_540 : memref<1x4x768xf32, #tpu.memory_space<hbm>> -> memref<4x768xf32, #tpu.memory_space<hbm>>
      %dma_wait3A_542 = arith.constant 20 : i32
      %dma_wait3A_543 = arith.constant 0 : i32
      %dma_wait3A_544 = tpu.memref_slice %arg5[%add3A_33, %dma_wait3A_542, %dma_wait3A_543] : memref<1024x32x768xf32, #tpu.memory_space<hbm>> -> memref<1x4x768xf32, #tpu.memory_space<hbm>>
      %dma_wait3A_545 = tpu.memref_squeeze %dma_wait3A_544 : memref<1x4x768xf32, #tpu.memory_space<hbm>> -> memref<4x768xf32, #tpu.memory_space<hbm>>
      %dma_wait3A_546 = arith.constant 4 : i32
      %dma_wait3A_547 = arith.constant 0 : i32
      %dma_wait3A_548 = tpu.memref_slice %arg7[%dma_wait3A_533, %dma_wait3A_546, %dma_wait3A_547] : memref<8x8x768xf32, #tpu.memory_space<vmem>> -> memref<1x4x768xf32, #tpu.memory_space<vmem>>
      %dma_wait3A_549 = tpu.memref_squeeze %dma_wait3A_548 : memref<1x4x768xf32, #tpu.memory_space<vmem>> -> memref<4x768xf32, #tpu.memory_space<vmem>>
      tpu.wait_dma2 semaphore(%arg11 : memref<!tpu.dma_semaphore, #tpu.memory_space<semaphore_mem>>) src(%dma_wait3A_549 : memref<4x768xf32, #tpu.memory_space<vmem>>) dst(%dma_wait3A_545 : memref<4x768xf32, #tpu.memory_space<hbm>>)
      %dma_wait3A_550 = arith.constant 6 : i32
      %dma_wait3A_551 = arith.constant 4 : i32
      %dma_wait3A_552 = arith.constant 0 : i32
      %dma_wait3A_553 = tpu.memref_slice %arg7[%dma_wait3A_550, %dma_wait3A_551, %dma_wait3A_552] : memref<8x8x768xf32, #tpu.memory_space<vmem>> -> memref<1x4x768xf32, #tpu.memory_space<vmem>>
      %dma_wait3A_554 = tpu.memref_squeeze %dma_wait3A_553 : memref<1x4x768xf32, #tpu.memory_space<vmem>> -> memref<4x768xf32, #tpu.memory_space<vmem>>
      %dma_wait3A_555 = arith.constant 24 : i32
      %dma_wait3A_556 = arith.constant 0 : i32
      %dma_wait3A_557 = tpu.memref_slice %arg5[%add3A_33, %dma_wait3A_555, %dma_wait3A_556] : memref<1024x32x768xf32, #tpu.memory_space<hbm>> -> memref<1x4x768xf32, #tpu.memory_space<hbm>>
      %dma_wait3A_558 = tpu.memref_squeeze %dma_wait3A_557 : memref<1x4x768xf32, #tpu.memory_space<hbm>> -> memref<4x768xf32, #tpu.memory_space<hbm>>
      %dma_wait3A_559 = arith.constant 24 : i32
      %dma_wait3A_560 = arith.constant 0 : i32
      %dma_wait3A_561 = tpu.memref_slice %arg5[%add3A_33, %dma_wait3A_559, %dma_wait3A_560] : memref<1024x32x768xf32, #tpu.memory_space<hbm>> -> memref<1x4x768xf32, #tpu.memory_space<hbm>>
      %dma_wait3A_562 = tpu.memref_squeeze %dma_wait3A_561 : memref<1x4x768xf32, #tpu.memory_space<hbm>> -> memref<4x768xf32, #tpu.memory_space<hbm>>
      %dma_wait3A_563 = arith.constant 4 : i32
      %dma_wait3A_564 = arith.constant 0 : i32
      %dma_wait3A_565 = tpu.memref_slice %arg7[%dma_wait3A_550, %dma_wait3A_563, %dma_wait3A_564] : memref<8x8x768xf32, #tpu.memory_space<vmem>> -> memref<1x4x768xf32, #tpu.memory_space<vmem>>
      %dma_wait3A_566 = tpu.memref_squeeze %dma_wait3A_565 : memref<1x4x768xf32, #tpu.memory_space<vmem>> -> memref<4x768xf32, #tpu.memory_space<vmem>>
      tpu.wait_dma2 semaphore(%arg11 : memref<!tpu.dma_semaphore, #tpu.memory_space<semaphore_mem>>) src(%dma_wait3A_566 : memref<4x768xf32, #tpu.memory_space<vmem>>) dst(%dma_wait3A_562 : memref<4x768xf32, #tpu.memory_space<hbm>>)
      %dma_wait3A_567 = arith.constant 7 : i32
      %dma_wait3A_568 = arith.constant 4 : i32
      %dma_wait3A_569 = arith.constant 0 : i32
      %dma_wait3A_570 = tpu.memref_slice %arg7[%dma_wait3A_567, %dma_wait3A_568, %dma_wait3A_569] : memref<8x8x768xf32, #tpu.memory_space<vmem>> -> memref<1x4x768xf32, #tpu.memory_space<vmem>>
      %dma_wait3A_571 = tpu.memref_squeeze %dma_wait3A_570 : memref<1x4x768xf32, #tpu.memory_space<vmem>> -> memref<4x768xf32, #tpu.memory_space<vmem>>
      %dma_wait3A_572 = arith.constant 28 : i32
      %dma_wait3A_573 = arith.constant 0 : i32
      %dma_wait3A_574 = tpu.memref_slice %arg5[%add3A_33, %dma_wait3A_572, %dma_wait3A_573] : memref<1024x32x768xf32, #tpu.memory_space<hbm>> -> memref<1x4x768xf32, #tpu.memory_space<hbm>>
      %dma_wait3A_575 = tpu.memref_squeeze %dma_wait3A_574 : memref<1x4x768xf32, #tpu.memory_space<hbm>> -> memref<4x768xf32, #tpu.memory_space<hbm>>
      %dma_wait3A_576 = arith.constant 28 : i32
      %dma_wait3A_577 = arith.constant 0 : i32
      %dma_wait3A_578 = tpu.memref_slice %arg5[%add3A_33, %dma_wait3A_576, %dma_wait3A_577] : memref<1024x32x768xf32, #tpu.memory_space<hbm>> -> memref<1x4x768xf32, #tpu.memory_space<hbm>>
      %dma_wait3A_579 = tpu.memref_squeeze %dma_wait3A_578 : memref<1x4x768xf32, #tpu.memory_space<hbm>> -> memref<4x768xf32, #tpu.memory_space<hbm>>
      %dma_wait3A_580 = arith.constant 4 : i32
      %dma_wait3A_581 = arith.constant 0 : i32
      %dma_wait3A_582 = tpu.memref_slice %arg7[%dma_wait3A_567, %dma_wait3A_580, %dma_wait3A_581] : memref<8x8x768xf32, #tpu.memory_space<vmem>> -> memref<1x4x768xf32, #tpu.memory_space<vmem>>
      %dma_wait3A_583 = tpu.memref_squeeze %dma_wait3A_582 : memref<1x4x768xf32, #tpu.memory_space<vmem>> -> memref<4x768xf32, #tpu.memory_space<vmem>>
      tpu.wait_dma2 semaphore(%arg11 : memref<!tpu.dma_semaphore, #tpu.memory_space<semaphore_mem>>) src(%dma_wait3A_583 : memref<4x768xf32, #tpu.memory_space<vmem>>) dst(%dma_wait3A_579 : memref<4x768xf32, #tpu.memory_space<hbm>>)
      %add3A_584 = arith.constant 2 : i32
      %add3A_585 = arith.addi %add3A_32, %add3A_584 : i32
      %lt3A = arith.constant 32 : i32
      %lt3A_586 = arith.cmpi slt, %add3A_585, %lt3A : i32
      %convert_element_type3A = arith.extui %lt3A_586 : i1 to i32
      %cond3A = arith.constant 0 : i32
      %cond3A_587 = arith.cmpi ne, %convert_element_type3A, %cond3A : i32
      scf.if %cond3A_587 {
        %add3A_1149 = arith.constant 2 : i32
        %add3A_1150 = arith.addi %add3A_32, %add3A_1149 : i32
        %dma_start3A_1151 = arith.constant 0 : i32
        %dma_start3A_1152 = tpu.memref_slice %arg6[%add3A_1150, %dma_start3A_1151] : memref<32x8xi32, #tpu.memory_space<vmem>> -> memref<1x8xi32, #tpu.memory_space<vmem>>
        %dma_start3A_1153 = tpu.memref_squeeze %dma_start3A_1152 : memref<1x8xi32, #tpu.memory_space<vmem>> -> memref<8xi32, #tpu.memory_space<vmem>>
        %dma_start3A_1154 = arith.constant 0 : i32
        %dma_start3A_1155 = arith.constant 0 : i32
        %dma_start3A_1156 = arith.constant 0 : i32
        %dma_start3A_1157 = tpu.memref_slice %arg2[%dma_start3A_1154, %dma_start3A_1155, %dma_start3A_1156] : memref<1024x8x768xf32, #tpu.memory_space<hbm>> -> memref<1024x8x768xf32, #tpu.memory_space<hbm>>
        tpu.enqueue_indirect_dma source(%dma_start3A_1157 : memref<1024x8x768xf32, #tpu.memory_space<hbm>>) target(%arg7 : memref<8x8x768xf32, #tpu.memory_space<vmem>>) offsets(%dma_start3A_1153 : memref<8xi32, #tpu.memory_space<vmem>>) semaphore(%arg9 : memref<!tpu.dma_semaphore, #tpu.memory_space<semaphore_mem>>)
      } else {
      }
      %add3A_588 = arith.constant 1 : i32
      %add3A_589 = arith.addi %add3A_30, %add3A_588 : i32
      %add3A_590 = arith.addi %mul3A_2, %add3A_589 : i32
      %dma_wait3A_591 = arith.constant 0 : i32
      %dma_wait3A_592 = tpu.memref_slice %arg6[%scan3A_20, %dma_wait3A_591] : memref<32x8xi32, #tpu.memory_space<vmem>> -> memref<1x8xi32, #tpu.memory_space<vmem>>
      %dma_wait3A_593 = tpu.memref_squeeze %dma_wait3A_592 : memref<1x8xi32, #tpu.memory_space<vmem>> -> memref<8xi32, #tpu.memory_space<vmem>>
      %dma_wait3A_594 = arith.constant 0 : i32
      %dma_wait3A_595 = arith.constant 0 : i32
      %dma_wait3A_596 = arith.constant 0 : i32
      %dma_wait3A_597 = tpu.memref_slice %arg2[%dma_wait3A_594, %dma_wait3A_595, %dma_wait3A_596] : memref<1024x8x768xf32, #tpu.memory_space<hbm>> -> memref<1024x8x768xf32, #tpu.memory_space<hbm>>
      tpu.wait_indirect_dma semaphore(%arg10 : memref<!tpu.dma_semaphore, #tpu.memory_space<semaphore_mem>>) src(%dma_wait3A_597 : memref<1024x8x768xf32, #tpu.memory_space<hbm>>) dst(%arg8 : memref<8x8x768xf32, #tpu.memory_space<vmem>>)
      %dma_start3A_598 = arith.constant 0 : i32
      %dma_start3A_599 = arith.constant 0 : i32
      %dma_start3A_600 = arith.constant 0 : i32
      %dma_start3A_601 = tpu.memref_slice %arg8[%dma_start3A_598, %dma_start3A_599, %dma_start3A_600] : memref<8x8x768xf32, #tpu.memory_space<vmem>> -> memref<1x4x768xf32, #tpu.memory_space<vmem>>
      %dma_start3A_602 = tpu.memref_squeeze %dma_start3A_601 : memref<1x4x768xf32, #tpu.memory_space<vmem>> -> memref<4x768xf32, #tpu.memory_space<vmem>>
      %dma_start3A_603 = arith.constant 0 : i32
      %dma_start3A_604 = arith.constant 0 : i32
      %dma_start3A_605 = tpu.memref_slice %arg4[%add3A_590, %dma_start3A_603, %dma_start3A_604] : memref<1024x32x768xf32, #tpu.memory_space<hbm>> -> memref<1x4x768xf32, #tpu.memory_space<hbm>>
      %dma_start3A_606 = tpu.memref_squeeze %dma_start3A_605 : memref<1x4x768xf32, #tpu.memory_space<hbm>> -> memref<4x768xf32, #tpu.memory_space<hbm>>
      %dma_start3A_607 = arith.constant 0 : i32
      %dma_start3A_608 = arith.constant 0 : i32
      %dma_start3A_609 = tpu.memref_slice %arg4[%add3A_590, %dma_start3A_607, %dma_start3A_608] : memref<1024x32x768xf32, #tpu.memory_space<hbm>> -> memref<1x4x768xf32, #tpu.memory_space<hbm>>
      %dma_start3A_610 = tpu.memref_squeeze %dma_start3A_609 : memref<1x4x768xf32, #tpu.memory_space<hbm>> -> memref<4x768xf32, #tpu.memory_space<hbm>>
      %dma_start3A_611 = arith.constant 0 : i32
      %dma_start3A_612 = arith.constant 0 : i32
      %dma_start3A_613 = tpu.memref_slice %arg8[%dma_start3A_598, %dma_start3A_611, %dma_start3A_612] : memref<8x8x768xf32, #tpu.memory_space<vmem>> -> memref<1x4x768xf32, #tpu.memory_space<vmem>>
      %dma_start3A_614 = tpu.memref_squeeze %dma_start3A_613 : memref<1x4x768xf32, #tpu.memory_space<vmem>> -> memref<4x768xf32, #tpu.memory_space<vmem>>
      tpu.enqueue_dma source(%dma_start3A_614 : memref<4x768xf32, #tpu.memory_space<vmem>>) target(%dma_start3A_610 : memref<4x768xf32, #tpu.memory_space<hbm>>) target_semaphore(%arg12 : memref<!tpu.dma_semaphore, #tpu.memory_space<semaphore_mem>>)
      %dma_start3A_615 = arith.constant 1 : i32
      %dma_start3A_616 = arith.constant 0 : i32
      %dma_start3A_617 = arith.constant 0 : i32
      %dma_start3A_618 = tpu.memref_slice %arg8[%dma_start3A_615, %dma_start3A_616, %dma_start3A_617] : memref<8x8x768xf32, #tpu.memory_space<vmem>> -> memref<1x4x768xf32, #tpu.memory_space<vmem>>
      %dma_start3A_619 = tpu.memref_squeeze %dma_start3A_618 : memref<1x4x768xf32, #tpu.memory_space<vmem>> -> memref<4x768xf32, #tpu.memory_space<vmem>>
      %dma_start3A_620 = arith.constant 4 : i32
      %dma_start3A_621 = arith.constant 0 : i32
      %dma_start3A_622 = tpu.memref_slice %arg4[%add3A_590, %dma_start3A_620, %dma_start3A_621] : memref<1024x32x768xf32, #tpu.memory_space<hbm>> -> memref<1x4x768xf32, #tpu.memory_space<hbm>>
      %dma_start3A_623 = tpu.memref_squeeze %dma_start3A_622 : memref<1x4x768xf32, #tpu.memory_space<hbm>> -> memref<4x768xf32, #tpu.memory_space<hbm>>
      %dma_start3A_624 = arith.constant 4 : i32
      %dma_start3A_625 = arith.constant 0 : i32
      %dma_start3A_626 = tpu.memref_slice %arg4[%add3A_590, %dma_start3A_624, %dma_start3A_625] : memref<1024x32x768xf32, #tpu.memory_space<hbm>> -> memref<1x4x768xf32, #tpu.memory_space<hbm>>
      %dma_start3A_627 = tpu.memref_squeeze %dma_start3A_626 : memref<1x4x768xf32, #tpu.memory_space<hbm>> -> memref<4x768xf32, #tpu.memory_space<hbm>>
      %dma_start3A_628 = arith.constant 0 : i32
      %dma_start3A_629 = arith.constant 0 : i32
      %dma_start3A_630 = tpu.memref_slice %arg8[%dma_start3A_615, %dma_start3A_628, %dma_start3A_629] : memref<8x8x768xf32, #tpu.memory_space<vmem>> -> memref<1x4x768xf32, #tpu.memory_space<vmem>>
      %dma_start3A_631 = tpu.memref_squeeze %dma_start3A_630 : memref<1x4x768xf32, #tpu.memory_space<vmem>> -> memref<4x768xf32, #tpu.memory_space<vmem>>
      tpu.enqueue_dma source(%dma_start3A_631 : memref<4x768xf32, #tpu.memory_space<vmem>>) target(%dma_start3A_627 : memref<4x768xf32, #tpu.memory_space<hbm>>) target_semaphore(%arg12 : memref<!tpu.dma_semaphore, #tpu.memory_space<semaphore_mem>>)
      %dma_start3A_632 = arith.constant 2 : i32
      %dma_start3A_633 = arith.constant 0 : i32
      %dma_start3A_634 = arith.constant 0 : i32
      %dma_start3A_635 = tpu.memref_slice %arg8[%dma_start3A_632, %dma_start3A_633, %dma_start3A_634] : memref<8x8x768xf32, #tpu.memory_space<vmem>> -> memref<1x4x768xf32, #tpu.memory_space<vmem>>
      %dma_start3A_636 = tpu.memref_squeeze %dma_start3A_635 : memref<1x4x768xf32, #tpu.memory_space<vmem>> -> memref<4x768xf32, #tpu.memory_space<vmem>>
      %dma_start3A_637 = arith.constant 8 : i32
      %dma_start3A_638 = arith.constant 0 : i32
      %dma_start3A_639 = tpu.memref_slice %arg4[%add3A_590, %dma_start3A_637, %dma_start3A_638] : memref<1024x32x768xf32, #tpu.memory_space<hbm>> -> memref<1x4x768xf32, #tpu.memory_space<hbm>>
      %dma_start3A_640 = tpu.memref_squeeze %dma_start3A_639 : memref<1x4x768xf32, #tpu.memory_space<hbm>> -> memref<4x768xf32, #tpu.memory_space<hbm>>
      %dma_start3A_641 = arith.constant 8 : i32
      %dma_start3A_642 = arith.constant 0 : i32
      %dma_start3A_643 = tpu.memref_slice %arg4[%add3A_590, %dma_start3A_641, %dma_start3A_642] : memref<1024x32x768xf32, #tpu.memory_space<hbm>> -> memref<1x4x768xf32, #tpu.memory_space<hbm>>
      %dma_start3A_644 = tpu.memref_squeeze %dma_start3A_643 : memref<1x4x768xf32, #tpu.memory_space<hbm>> -> memref<4x768xf32, #tpu.memory_space<hbm>>
      %dma_start3A_645 = arith.constant 0 : i32
      %dma_start3A_646 = arith.constant 0 : i32
      %dma_start3A_647 = tpu.memref_slice %arg8[%dma_start3A_632, %dma_start3A_645, %dma_start3A_646] : memref<8x8x768xf32, #tpu.memory_space<vmem>> -> memref<1x4x768xf32, #tpu.memory_space<vmem>>
      %dma_start3A_648 = tpu.memref_squeeze %dma_start3A_647 : memref<1x4x768xf32, #tpu.memory_space<vmem>> -> memref<4x768xf32, #tpu.memory_space<vmem>>
      tpu.enqueue_dma source(%dma_start3A_648 : memref<4x768xf32, #tpu.memory_space<vmem>>) target(%dma_start3A_644 : memref<4x768xf32, #tpu.memory_space<hbm>>) target_semaphore(%arg12 : memref<!tpu.dma_semaphore, #tpu.memory_space<semaphore_mem>>)
      %dma_start3A_649 = arith.constant 3 : i32
      %dma_start3A_650 = arith.constant 0 : i32
      %dma_start3A_651 = arith.constant 0 : i32
      %dma_start3A_652 = tpu.memref_slice %arg8[%dma_start3A_649, %dma_start3A_650, %dma_start3A_651] : memref<8x8x768xf32, #tpu.memory_space<vmem>> -> memref<1x4x768xf32, #tpu.memory_space<vmem>>
      %dma_start3A_653 = tpu.memref_squeeze %dma_start3A_652 : memref<1x4x768xf32, #tpu.memory_space<vmem>> -> memref<4x768xf32, #tpu.memory_space<vmem>>
      %dma_start3A_654 = arith.constant 12 : i32
      %dma_start3A_655 = arith.constant 0 : i32
      %dma_start3A_656 = tpu.memref_slice %arg4[%add3A_590, %dma_start3A_654, %dma_start3A_655] : memref<1024x32x768xf32, #tpu.memory_space<hbm>> -> memref<1x4x768xf32, #tpu.memory_space<hbm>>
      %dma_start3A_657 = tpu.memref_squeeze %dma_start3A_656 : memref<1x4x768xf32, #tpu.memory_space<hbm>> -> memref<4x768xf32, #tpu.memory_space<hbm>>
      %dma_start3A_658 = arith.constant 12 : i32
      %dma_start3A_659 = arith.constant 0 : i32
      %dma_start3A_660 = tpu.memref_slice %arg4[%add3A_590, %dma_start3A_658, %dma_start3A_659] : memref<1024x32x768xf32, #tpu.memory_space<hbm>> -> memref<1x4x768xf32, #tpu.memory_space<hbm>>
      %dma_start3A_661 = tpu.memref_squeeze %dma_start3A_660 : memref<1x4x768xf32, #tpu.memory_space<hbm>> -> memref<4x768xf32, #tpu.memory_space<hbm>>
      %dma_start3A_662 = arith.constant 0 : i32
      %dma_start3A_663 = arith.constant 0 : i32
      %dma_start3A_664 = tpu.memref_slice %arg8[%dma_start3A_649, %dma_start3A_662, %dma_start3A_663] : memref<8x8x768xf32, #tpu.memory_space<vmem>> -> memref<1x4x768xf32, #tpu.memory_space<vmem>>
      %dma_start3A_665 = tpu.memref_squeeze %dma_start3A_664 : memref<1x4x768xf32, #tpu.memory_space<vmem>> -> memref<4x768xf32, #tpu.memory_space<vmem>>
      tpu.enqueue_dma source(%dma_start3A_665 : memref<4x768xf32, #tpu.memory_space<vmem>>) target(%dma_start3A_661 : memref<4x768xf32, #tpu.memory_space<hbm>>) target_semaphore(%arg12 : memref<!tpu.dma_semaphore, #tpu.memory_space<semaphore_mem>>)
      %dma_start3A_666 = arith.constant 4 : i32
      %dma_start3A_667 = arith.constant 0 : i32
      %dma_start3A_668 = arith.constant 0 : i32
      %dma_start3A_669 = tpu.memref_slice %arg8[%dma_start3A_666, %dma_start3A_667, %dma_start3A_668] : memref<8x8x768xf32, #tpu.memory_space<vmem>> -> memref<1x4x768xf32, #tpu.memory_space<vmem>>
      %dma_start3A_670 = tpu.memref_squeeze %dma_start3A_669 : memref<1x4x768xf32, #tpu.memory_space<vmem>> -> memref<4x768xf32, #tpu.memory_space<vmem>>
      %dma_start3A_671 = arith.constant 16 : i32
      %dma_start3A_672 = arith.constant 0 : i32
      %dma_start3A_673 = tpu.memref_slice %arg4[%add3A_590, %dma_start3A_671, %dma_start3A_672] : memref<1024x32x768xf32, #tpu.memory_space<hbm>> -> memref<1x4x768xf32, #tpu.memory_space<hbm>>
      %dma_start3A_674 = tpu.memref_squeeze %dma_start3A_673 : memref<1x4x768xf32, #tpu.memory_space<hbm>> -> memref<4x768xf32, #tpu.memory_space<hbm>>
      %dma_start3A_675 = arith.constant 16 : i32
      %dma_start3A_676 = arith.constant 0 : i32
      %dma_start3A_677 = tpu.memref_slice %arg4[%add3A_590, %dma_start3A_675, %dma_start3A_676] : memref<1024x32x768xf32, #tpu.memory_space<hbm>> -> memref<1x4x768xf32, #tpu.memory_space<hbm>>
      %dma_start3A_678 = tpu.memref_squeeze %dma_start3A_677 : memref<1x4x768xf32, #tpu.memory_space<hbm>> -> memref<4x768xf32, #tpu.memory_space<hbm>>
      %dma_start3A_679 = arith.constant 0 : i32
      %dma_start3A_680 = arith.constant 0 : i32
      %dma_start3A_681 = tpu.memref_slice %arg8[%dma_start3A_666, %dma_start3A_679, %dma_start3A_680] : memref<8x8x768xf32, #tpu.memory_space<vmem>> -> memref<1x4x768xf32, #tpu.memory_space<vmem>>
      %dma_start3A_682 = tpu.memref_squeeze %dma_start3A_681 : memref<1x4x768xf32, #tpu.memory_space<vmem>> -> memref<4x768xf32, #tpu.memory_space<vmem>>
      tpu.enqueue_dma source(%dma_start3A_682 : memref<4x768xf32, #tpu.memory_space<vmem>>) target(%dma_start3A_678 : memref<4x768xf32, #tpu.memory_space<hbm>>) target_semaphore(%arg12 : memref<!tpu.dma_semaphore, #tpu.memory_space<semaphore_mem>>)
      %dma_start3A_683 = arith.constant 5 : i32
      %dma_start3A_684 = arith.constant 0 : i32
      %dma_start3A_685 = arith.constant 0 : i32
      %dma_start3A_686 = tpu.memref_slice %arg8[%dma_start3A_683, %dma_start3A_684, %dma_start3A_685] : memref<8x8x768xf32, #tpu.memory_space<vmem>> -> memref<1x4x768xf32, #tpu.memory_space<vmem>>
      %dma_start3A_687 = tpu.memref_squeeze %dma_start3A_686 : memref<1x4x768xf32, #tpu.memory_space<vmem>> -> memref<4x768xf32, #tpu.memory_space<vmem>>
      %dma_start3A_688 = arith.constant 20 : i32
      %dma_start3A_689 = arith.constant 0 : i32
      %dma_start3A_690 = tpu.memref_slice %arg4[%add3A_590, %dma_start3A_688, %dma_start3A_689] : memref<1024x32x768xf32, #tpu.memory_space<hbm>> -> memref<1x4x768xf32, #tpu.memory_space<hbm>>
      %dma_start3A_691 = tpu.memref_squeeze %dma_start3A_690 : memref<1x4x768xf32, #tpu.memory_space<hbm>> -> memref<4x768xf32, #tpu.memory_space<hbm>>
      %dma_start3A_692 = arith.constant 20 : i32
      %dma_start3A_693 = arith.constant 0 : i32
      %dma_start3A_694 = tpu.memref_slice %arg4[%add3A_590, %dma_start3A_692, %dma_start3A_693] : memref<1024x32x768xf32, #tpu.memory_space<hbm>> -> memref<1x4x768xf32, #tpu.memory_space<hbm>>
      %dma_start3A_695 = tpu.memref_squeeze %dma_start3A_694 : memref<1x4x768xf32, #tpu.memory_space<hbm>> -> memref<4x768xf32, #tpu.memory_space<hbm>>
      %dma_start3A_696 = arith.constant 0 : i32
      %dma_start3A_697 = arith.constant 0 : i32
      %dma_start3A_698 = tpu.memref_slice %arg8[%dma_start3A_683, %dma_start3A_696, %dma_start3A_697] : memref<8x8x768xf32, #tpu.memory_space<vmem>> -> memref<1x4x768xf32, #tpu.memory_space<vmem>>
      %dma_start3A_699 = tpu.memref_squeeze %dma_start3A_698 : memref<1x4x768xf32, #tpu.memory_space<vmem>> -> memref<4x768xf32, #tpu.memory_space<vmem>>
      tpu.enqueue_dma source(%dma_start3A_699 : memref<4x768xf32, #tpu.memory_space<vmem>>) target(%dma_start3A_695 : memref<4x768xf32, #tpu.memory_space<hbm>>) target_semaphore(%arg12 : memref<!tpu.dma_semaphore, #tpu.memory_space<semaphore_mem>>)
      %dma_start3A_700 = arith.constant 6 : i32
      %dma_start3A_701 = arith.constant 0 : i32
      %dma_start3A_702 = arith.constant 0 : i32
      %dma_start3A_703 = tpu.memref_slice %arg8[%dma_start3A_700, %dma_start3A_701, %dma_start3A_702] : memref<8x8x768xf32, #tpu.memory_space<vmem>> -> memref<1x4x768xf32, #tpu.memory_space<vmem>>
      %dma_start3A_704 = tpu.memref_squeeze %dma_start3A_703 : memref<1x4x768xf32, #tpu.memory_space<vmem>> -> memref<4x768xf32, #tpu.memory_space<vmem>>
      %dma_start3A_705 = arith.constant 24 : i32
      %dma_start3A_706 = arith.constant 0 : i32
      %dma_start3A_707 = tpu.memref_slice %arg4[%add3A_590, %dma_start3A_705, %dma_start3A_706] : memref<1024x32x768xf32, #tpu.memory_space<hbm>> -> memref<1x4x768xf32, #tpu.memory_space<hbm>>
      %dma_start3A_708 = tpu.memref_squeeze %dma_start3A_707 : memref<1x4x768xf32, #tpu.memory_space<hbm>> -> memref<4x768xf32, #tpu.memory_space<hbm>>
      %dma_start3A_709 = arith.constant 24 : i32
      %dma_start3A_710 = arith.constant 0 : i32
      %dma_start3A_711 = tpu.memref_slice %arg4[%add3A_590, %dma_start3A_709, %dma_start3A_710] : memref<1024x32x768xf32, #tpu.memory_space<hbm>> -> memref<1x4x768xf32, #tpu.memory_space<hbm>>
      %dma_start3A_712 = tpu.memref_squeeze %dma_start3A_711 : memref<1x4x768xf32, #tpu.memory_space<hbm>> -> memref<4x768xf32, #tpu.memory_space<hbm>>
      %dma_start3A_713 = arith.constant 0 : i32
      %dma_start3A_714 = arith.constant 0 : i32
      %dma_start3A_715 = tpu.memref_slice %arg8[%dma_start3A_700, %dma_start3A_713, %dma_start3A_714] : memref<8x8x768xf32, #tpu.memory_space<vmem>> -> memref<1x4x768xf32, #tpu.memory_space<vmem>>
      %dma_start3A_716 = tpu.memref_squeeze %dma_start3A_715 : memref<1x4x768xf32, #tpu.memory_space<vmem>> -> memref<4x768xf32, #tpu.memory_space<vmem>>
      tpu.enqueue_dma source(%dma_start3A_716 : memref<4x768xf32, #tpu.memory_space<vmem>>) target(%dma_start3A_712 : memref<4x768xf32, #tpu.memory_space<hbm>>) target_semaphore(%arg12 : memref<!tpu.dma_semaphore, #tpu.memory_space<semaphore_mem>>)
      %dma_start3A_717 = arith.constant 7 : i32
      %dma_start3A_718 = arith.constant 0 : i32
      %dma_start3A_719 = arith.constant 0 : i32
      %dma_start3A_720 = tpu.memref_slice %arg8[%dma_start3A_717, %dma_start3A_718, %dma_start3A_719] : memref<8x8x768xf32, #tpu.memory_space<vmem>> -> memref<1x4x768xf32, #tpu.memory_space<vmem>>
      %dma_start3A_721 = tpu.memref_squeeze %dma_start3A_720 : memref<1x4x768xf32, #tpu.memory_space<vmem>> -> memref<4x768xf32, #tpu.memory_space<vmem>>
      %dma_start3A_722 = arith.constant 28 : i32
      %dma_start3A_723 = arith.constant 0 : i32
      %dma_start3A_724 = tpu.memref_slice %arg4[%add3A_590, %dma_start3A_722, %dma_start3A_723] : memref<1024x32x768xf32, #tpu.memory_space<hbm>> -> memref<1x4x768xf32, #tpu.memory_space<hbm>>
      %dma_start3A_725 = tpu.memref_squeeze %dma_start3A_724 : memref<1x4x768xf32, #tpu.memory_space<hbm>> -> memref<4x768xf32, #tpu.memory_space<hbm>>
      %dma_start3A_726 = arith.constant 28 : i32
      %dma_start3A_727 = arith.constant 0 : i32
      %dma_start3A_728 = tpu.memref_slice %arg4[%add3A_590, %dma_start3A_726, %dma_start3A_727] : memref<1024x32x768xf32, #tpu.memory_space<hbm>> -> memref<1x4x768xf32, #tpu.memory_space<hbm>>
      %dma_start3A_729 = tpu.memref_squeeze %dma_start3A_728 : memref<1x4x768xf32, #tpu.memory_space<hbm>> -> memref<4x768xf32, #tpu.memory_space<hbm>>
      %dma_start3A_730 = arith.constant 0 : i32
      %dma_start3A_731 = arith.constant 0 : i32
      %dma_start3A_732 = tpu.memref_slice %arg8[%dma_start3A_717, %dma_start3A_730, %dma_start3A_731] : memref<8x8x768xf32, #tpu.memory_space<vmem>> -> memref<1x4x768xf32, #tpu.memory_space<vmem>>
      %dma_start3A_733 = tpu.memref_squeeze %dma_start3A_732 : memref<1x4x768xf32, #tpu.memory_space<vmem>> -> memref<4x768xf32, #tpu.memory_space<vmem>>
      tpu.enqueue_dma source(%dma_start3A_733 : memref<4x768xf32, #tpu.memory_space<vmem>>) target(%dma_start3A_729 : memref<4x768xf32, #tpu.memory_space<hbm>>) target_semaphore(%arg12 : memref<!tpu.dma_semaphore, #tpu.memory_space<semaphore_mem>>)
      %dma_start3A_734 = arith.constant 0 : i32
      %dma_start3A_735 = arith.constant 4 : i32
      %dma_start3A_736 = arith.constant 0 : i32
      %dma_start3A_737 = tpu.memref_slice %arg8[%dma_start3A_734, %dma_start3A_735, %dma_start3A_736] : memref<8x8x768xf32, #tpu.memory_space<vmem>> -> memref<1x4x768xf32, #tpu.memory_space<vmem>>
      %dma_start3A_738 = tpu.memref_squeeze %dma_start3A_737 : memref<1x4x768xf32, #tpu.memory_space<vmem>> -> memref<4x768xf32, #tpu.memory_space<vmem>>
      %dma_start3A_739 = arith.constant 0 : i32
      %dma_start3A_740 = arith.constant 0 : i32
      %dma_start3A_741 = tpu.memref_slice %arg5[%add3A_590, %dma_start3A_739, %dma_start3A_740] : memref<1024x32x768xf32, #tpu.memory_space<hbm>> -> memref<1x4x768xf32, #tpu.memory_space<hbm>>
      %dma_start3A_742 = tpu.memref_squeeze %dma_start3A_741 : memref<1x4x768xf32, #tpu.memory_space<hbm>> -> memref<4x768xf32, #tpu.memory_space<hbm>>
      %dma_start3A_743 = arith.constant 0 : i32
      %dma_start3A_744 = arith.constant 0 : i32
      %dma_start3A_745 = tpu.memref_slice %arg5[%add3A_590, %dma_start3A_743, %dma_start3A_744] : memref<1024x32x768xf32, #tpu.memory_space<hbm>> -> memref<1x4x768xf32, #tpu.memory_space<hbm>>
      %dma_start3A_746 = tpu.memref_squeeze %dma_start3A_745 : memref<1x4x768xf32, #tpu.memory_space<hbm>> -> memref<4x768xf32, #tpu.memory_space<hbm>>
      %dma_start3A_747 = arith.constant 4 : i32
      %dma_start3A_748 = arith.constant 0 : i32
      %dma_start3A_749 = tpu.memref_slice %arg8[%dma_start3A_734, %dma_start3A_747, %dma_start3A_748] : memref<8x8x768xf32, #tpu.memory_space<vmem>> -> memref<1x4x768xf32, #tpu.memory_space<vmem>>
      %dma_start3A_750 = tpu.memref_squeeze %dma_start3A_749 : memref<1x4x768xf32, #tpu.memory_space<vmem>> -> memref<4x768xf32, #tpu.memory_space<vmem>>
      tpu.enqueue_dma source(%dma_start3A_750 : memref<4x768xf32, #tpu.memory_space<vmem>>) target(%dma_start3A_746 : memref<4x768xf32, #tpu.memory_space<hbm>>) target_semaphore(%arg12 : memref<!tpu.dma_semaphore, #tpu.memory_space<semaphore_mem>>)
      %dma_start3A_751 = arith.constant 1 : i32
      %dma_start3A_752 = arith.constant 4 : i32
      %dma_start3A_753 = arith.constant 0 : i32
      %dma_start3A_754 = tpu.memref_slice %arg8[%dma_start3A_751, %dma_start3A_752, %dma_start3A_753] : memref<8x8x768xf32, #tpu.memory_space<vmem>> -> memref<1x4x768xf32, #tpu.memory_space<vmem>>
      %dma_start3A_755 = tpu.memref_squeeze %dma_start3A_754 : memref<1x4x768xf32, #tpu.memory_space<vmem>> -> memref<4x768xf32, #tpu.memory_space<vmem>>
      %dma_start3A_756 = arith.constant 4 : i32
      %dma_start3A_757 = arith.constant 0 : i32
      %dma_start3A_758 = tpu.memref_slice %arg5[%add3A_590, %dma_start3A_756, %dma_start3A_757] : memref<1024x32x768xf32, #tpu.memory_space<hbm>> -> memref<1x4x768xf32, #tpu.memory_space<hbm>>
      %dma_start3A_759 = tpu.memref_squeeze %dma_start3A_758 : memref<1x4x768xf32, #tpu.memory_space<hbm>> -> memref<4x768xf32, #tpu.memory_space<hbm>>
      %dma_start3A_760 = arith.constant 4 : i32
      %dma_start3A_761 = arith.constant 0 : i32
      %dma_start3A_762 = tpu.memref_slice %arg5[%add3A_590, %dma_start3A_760, %dma_start3A_761] : memref<1024x32x768xf32, #tpu.memory_space<hbm>> -> memref<1x4x768xf32, #tpu.memory_space<hbm>>
      %dma_start3A_763 = tpu.memref_squeeze %dma_start3A_762 : memref<1x4x768xf32, #tpu.memory_space<hbm>> -> memref<4x768xf32, #tpu.memory_space<hbm>>
      %dma_start3A_764 = arith.constant 4 : i32
      %dma_start3A_765 = arith.constant 0 : i32
      %dma_start3A_766 = tpu.memref_slice %arg8[%dma_start3A_751, %dma_start3A_764, %dma_start3A_765] : memref<8x8x768xf32, #tpu.memory_space<vmem>> -> memref<1x4x768xf32, #tpu.memory_space<vmem>>
      %dma_start3A_767 = tpu.memref_squeeze %dma_start3A_766 : memref<1x4x768xf32, #tpu.memory_space<vmem>> -> memref<4x768xf32, #tpu.memory_space<vmem>>
      tpu.enqueue_dma source(%dma_start3A_767 : memref<4x768xf32, #tpu.memory_space<vmem>>) target(%dma_start3A_763 : memref<4x768xf32, #tpu.memory_space<hbm>>) target_semaphore(%arg12 : memref<!tpu.dma_semaphore, #tpu.memory_space<semaphore_mem>>)
      %dma_start3A_768 = arith.constant 2 : i32
      %dma_start3A_769 = arith.constant 4 : i32
      %dma_start3A_770 = arith.constant 0 : i32
      %dma_start3A_771 = tpu.memref_slice %arg8[%dma_start3A_768, %dma_start3A_769, %dma_start3A_770] : memref<8x8x768xf32, #tpu.memory_space<vmem>> -> memref<1x4x768xf32, #tpu.memory_space<vmem>>
      %dma_start3A_772 = tpu.memref_squeeze %dma_start3A_771 : memref<1x4x768xf32, #tpu.memory_space<vmem>> -> memref<4x768xf32, #tpu.memory_space<vmem>>
      %dma_start3A_773 = arith.constant 8 : i32
      %dma_start3A_774 = arith.constant 0 : i32
      %dma_start3A_775 = tpu.memref_slice %arg5[%add3A_590, %dma_start3A_773, %dma_start3A_774] : memref<1024x32x768xf32, #tpu.memory_space<hbm>> -> memref<1x4x768xf32, #tpu.memory_space<hbm>>
      %dma_start3A_776 = tpu.memref_squeeze %dma_start3A_775 : memref<1x4x768xf32, #tpu.memory_space<hbm>> -> memref<4x768xf32, #tpu.memory_space<hbm>>
      %dma_start3A_777 = arith.constant 8 : i32
      %dma_start3A_778 = arith.constant 0 : i32
      %dma_start3A_779 = tpu.memref_slice %arg5[%add3A_590, %dma_start3A_777, %dma_start3A_778] : memref<1024x32x768xf32, #tpu.memory_space<hbm>> -> memref<1x4x768xf32, #tpu.memory_space<hbm>>
      %dma_start3A_780 = tpu.memref_squeeze %dma_start3A_779 : memref<1x4x768xf32, #tpu.memory_space<hbm>> -> memref<4x768xf32, #tpu.memory_space<hbm>>
      %dma_start3A_781 = arith.constant 4 : i32
      %dma_start3A_782 = arith.constant 0 : i32
      %dma_start3A_783 = tpu.memref_slice %arg8[%dma_start3A_768, %dma_start3A_781, %dma_start3A_782] : memref<8x8x768xf32, #tpu.memory_space<vmem>> -> memref<1x4x768xf32, #tpu.memory_space<vmem>>
      %dma_start3A_784 = tpu.memref_squeeze %dma_start3A_783 : memref<1x4x768xf32, #tpu.memory_space<vmem>> -> memref<4x768xf32, #tpu.memory_space<vmem>>
      tpu.enqueue_dma source(%dma_start3A_784 : memref<4x768xf32, #tpu.memory_space<vmem>>) target(%dma_start3A_780 : memref<4x768xf32, #tpu.memory_space<hbm>>) target_semaphore(%arg12 : memref<!tpu.dma_semaphore, #tpu.memory_space<semaphore_mem>>)
      %dma_start3A_785 = arith.constant 3 : i32
      %dma_start3A_786 = arith.constant 4 : i32
      %dma_start3A_787 = arith.constant 0 : i32
      %dma_start3A_788 = tpu.memref_slice %arg8[%dma_start3A_785, %dma_start3A_786, %dma_start3A_787] : memref<8x8x768xf32, #tpu.memory_space<vmem>> -> memref<1x4x768xf32, #tpu.memory_space<vmem>>
      %dma_start3A_789 = tpu.memref_squeeze %dma_start3A_788 : memref<1x4x768xf32, #tpu.memory_space<vmem>> -> memref<4x768xf32, #tpu.memory_space<vmem>>
      %dma_start3A_790 = arith.constant 12 : i32
      %dma_start3A_791 = arith.constant 0 : i32
      %dma_start3A_792 = tpu.memref_slice %arg5[%add3A_590, %dma_start3A_790, %dma_start3A_791] : memref<1024x32x768xf32, #tpu.memory_space<hbm>> -> memref<1x4x768xf32, #tpu.memory_space<hbm>>
      %dma_start3A_793 = tpu.memref_squeeze %dma_start3A_792 : memref<1x4x768xf32, #tpu.memory_space<hbm>> -> memref<4x768xf32, #tpu.memory_space<hbm>>
      %dma_start3A_794 = arith.constant 12 : i32
      %dma_start3A_795 = arith.constant 0 : i32
      %dma_start3A_796 = tpu.memref_slice %arg5[%add3A_590, %dma_start3A_794, %dma_start3A_795] : memref<1024x32x768xf32, #tpu.memory_space<hbm>> -> memref<1x4x768xf32, #tpu.memory_space<hbm>>
      %dma_start3A_797 = tpu.memref_squeeze %dma_start3A_796 : memref<1x4x768xf32, #tpu.memory_space<hbm>> -> memref<4x768xf32, #tpu.memory_space<hbm>>
      %dma_start3A_798 = arith.constant 4 : i32
      %dma_start3A_799 = arith.constant 0 : i32
      %dma_start3A_800 = tpu.memref_slice %arg8[%dma_start3A_785, %dma_start3A_798, %dma_start3A_799] : memref<8x8x768xf32, #tpu.memory_space<vmem>> -> memref<1x4x768xf32, #tpu.memory_space<vmem>>
      %dma_start3A_801 = tpu.memref_squeeze %dma_start3A_800 : memref<1x4x768xf32, #tpu.memory_space<vmem>> -> memref<4x768xf32, #tpu.memory_space<vmem>>
      tpu.enqueue_dma source(%dma_start3A_801 : memref<4x768xf32, #tpu.memory_space<vmem>>) target(%dma_start3A_797 : memref<4x768xf32, #tpu.memory_space<hbm>>) target_semaphore(%arg12 : memref<!tpu.dma_semaphore, #tpu.memory_space<semaphore_mem>>)
      %dma_start3A_802 = arith.constant 4 : i32
      %dma_start3A_803 = arith.constant 4 : i32
      %dma_start3A_804 = arith.constant 0 : i32
      %dma_start3A_805 = tpu.memref_slice %arg8[%dma_start3A_802, %dma_start3A_803, %dma_start3A_804] : memref<8x8x768xf32, #tpu.memory_space<vmem>> -> memref<1x4x768xf32, #tpu.memory_space<vmem>>
      %dma_start3A_806 = tpu.memref_squeeze %dma_start3A_805 : memref<1x4x768xf32, #tpu.memory_space<vmem>> -> memref<4x768xf32, #tpu.memory_space<vmem>>
      %dma_start3A_807 = arith.constant 16 : i32
      %dma_start3A_808 = arith.constant 0 : i32
      %dma_start3A_809 = tpu.memref_slice %arg5[%add3A_590, %dma_start3A_807, %dma_start3A_808] : memref<1024x32x768xf32, #tpu.memory_space<hbm>> -> memref<1x4x768xf32, #tpu.memory_space<hbm>>
      %dma_start3A_810 = tpu.memref_squeeze %dma_start3A_809 : memref<1x4x768xf32, #tpu.memory_space<hbm>> -> memref<4x768xf32, #tpu.memory_space<hbm>>
      %dma_start3A_811 = arith.constant 16 : i32
      %dma_start3A_812 = arith.constant 0 : i32
      %dma_start3A_813 = tpu.memref_slice %arg5[%add3A_590, %dma_start3A_811, %dma_start3A_812] : memref<1024x32x768xf32, #tpu.memory_space<hbm>> -> memref<1x4x768xf32, #tpu.memory_space<hbm>>
      %dma_start3A_814 = tpu.memref_squeeze %dma_start3A_813 : memref<1x4x768xf32, #tpu.memory_space<hbm>> -> memref<4x768xf32, #tpu.memory_space<hbm>>
      %dma_start3A_815 = arith.constant 4 : i32
      %dma_start3A_816 = arith.constant 0 : i32
      %dma_start3A_817 = tpu.memref_slice %arg8[%dma_start3A_802, %dma_start3A_815, %dma_start3A_816] : memref<8x8x768xf32, #tpu.memory_space<vmem>> -> memref<1x4x768xf32, #tpu.memory_space<vmem>>
      %dma_start3A_818 = tpu.memref_squeeze %dma_start3A_817 : memref<1x4x768xf32, #tpu.memory_space<vmem>> -> memref<4x768xf32, #tpu.memory_space<vmem>>
      tpu.enqueue_dma source(%dma_start3A_818 : memref<4x768xf32, #tpu.memory_space<vmem>>) target(%dma_start3A_814 : memref<4x768xf32, #tpu.memory_space<hbm>>) target_semaphore(%arg12 : memref<!tpu.dma_semaphore, #tpu.memory_space<semaphore_mem>>)
      %dma_start3A_819 = arith.constant 5 : i32
      %dma_start3A_820 = arith.constant 4 : i32
      %dma_start3A_821 = arith.constant 0 : i32
      %dma_start3A_822 = tpu.memref_slice %arg8[%dma_start3A_819, %dma_start3A_820, %dma_start3A_821] : memref<8x8x768xf32, #tpu.memory_space<vmem>> -> memref<1x4x768xf32, #tpu.memory_space<vmem>>
      %dma_start3A_823 = tpu.memref_squeeze %dma_start3A_822 : memref<1x4x768xf32, #tpu.memory_space<vmem>> -> memref<4x768xf32, #tpu.memory_space<vmem>>
      %dma_start3A_824 = arith.constant 20 : i32
      %dma_start3A_825 = arith.constant 0 : i32
      %dma_start3A_826 = tpu.memref_slice %arg5[%add3A_590, %dma_start3A_824, %dma_start3A_825] : memref<1024x32x768xf32, #tpu.memory_space<hbm>> -> memref<1x4x768xf32, #tpu.memory_space<hbm>>
      %dma_start3A_827 = tpu.memref_squeeze %dma_start3A_826 : memref<1x4x768xf32, #tpu.memory_space<hbm>> -> memref<4x768xf32, #tpu.memory_space<hbm>>
      %dma_start3A_828 = arith.constant 20 : i32
      %dma_start3A_829 = arith.constant 0 : i32
      %dma_start3A_830 = tpu.memref_slice %arg5[%add3A_590, %dma_start3A_828, %dma_start3A_829] : memref<1024x32x768xf32, #tpu.memory_space<hbm>> -> memref<1x4x768xf32, #tpu.memory_space<hbm>>
      %dma_start3A_831 = tpu.memref_squeeze %dma_start3A_830 : memref<1x4x768xf32, #tpu.memory_space<hbm>> -> memref<4x768xf32, #tpu.memory_space<hbm>>
      %dma_start3A_832 = arith.constant 4 : i32
      %dma_start3A_833 = arith.constant 0 : i32
      %dma_start3A_834 = tpu.memref_slice %arg8[%dma_start3A_819, %dma_start3A_832, %dma_start3A_833] : memref<8x8x768xf32, #tpu.memory_space<vmem>> -> memref<1x4x768xf32, #tpu.memory_space<vmem>>
      %dma_start3A_835 = tpu.memref_squeeze %dma_start3A_834 : memref<1x4x768xf32, #tpu.memory_space<vmem>> -> memref<4x768xf32, #tpu.memory_space<vmem>>
      tpu.enqueue_dma source(%dma_start3A_835 : memref<4x768xf32, #tpu.memory_space<vmem>>) target(%dma_start3A_831 : memref<4x768xf32, #tpu.memory_space<hbm>>) target_semaphore(%arg12 : memref<!tpu.dma_semaphore, #tpu.memory_space<semaphore_mem>>)
      %dma_start3A_836 = arith.constant 6 : i32
      %dma_start3A_837 = arith.constant 4 : i32
      %dma_start3A_838 = arith.constant 0 : i32
      %dma_start3A_839 = tpu.memref_slice %arg8[%dma_start3A_836, %dma_start3A_837, %dma_start3A_838] : memref<8x8x768xf32, #tpu.memory_space<vmem>> -> memref<1x4x768xf32, #tpu.memory_space<vmem>>
      %dma_start3A_840 = tpu.memref_squeeze %dma_start3A_839 : memref<1x4x768xf32, #tpu.memory_space<vmem>> -> memref<4x768xf32, #tpu.memory_space<vmem>>
      %dma_start3A_841 = arith.constant 24 : i32
      %dma_start3A_842 = arith.constant 0 : i32
      %dma_start3A_843 = tpu.memref_slice %arg5[%add3A_590, %dma_start3A_841, %dma_start3A_842] : memref<1024x32x768xf32, #tpu.memory_space<hbm>> -> memref<1x4x768xf32, #tpu.memory_space<hbm>>
      %dma_start3A_844 = tpu.memref_squeeze %dma_start3A_843 : memref<1x4x768xf32, #tpu.memory_space<hbm>> -> memref<4x768xf32, #tpu.memory_space<hbm>>
      %dma_start3A_845 = arith.constant 24 : i32
      %dma_start3A_846 = arith.constant 0 : i32
      %dma_start3A_847 = tpu.memref_slice %arg5[%add3A_590, %dma_start3A_845, %dma_start3A_846] : memref<1024x32x768xf32, #tpu.memory_space<hbm>> -> memref<1x4x768xf32, #tpu.memory_space<hbm>>
      %dma_start3A_848 = tpu.memref_squeeze %dma_start3A_847 : memref<1x4x768xf32, #tpu.memory_space<hbm>> -> memref<4x768xf32, #tpu.memory_space<hbm>>
      %dma_start3A_849 = arith.constant 4 : i32
      %dma_start3A_850 = arith.constant 0 : i32
      %dma_start3A_851 = tpu.memref_slice %arg8[%dma_start3A_836, %dma_start3A_849, %dma_start3A_850] : memref<8x8x768xf32, #tpu.memory_space<vmem>> -> memref<1x4x768xf32, #tpu.memory_space<vmem>>
      %dma_start3A_852 = tpu.memref_squeeze %dma_start3A_851 : memref<1x4x768xf32, #tpu.memory_space<vmem>> -> memref<4x768xf32, #tpu.memory_space<vmem>>
      tpu.enqueue_dma source(%dma_start3A_852 : memref<4x768xf32, #tpu.memory_space<vmem>>) target(%dma_start3A_848 : memref<4x768xf32, #tpu.memory_space<hbm>>) target_semaphore(%arg12 : memref<!tpu.dma_semaphore, #tpu.memory_space<semaphore_mem>>)
      %dma_start3A_853 = arith.constant 7 : i32
      %dma_start3A_854 = arith.constant 4 : i32
      %dma_start3A_855 = arith.constant 0 : i32
      %dma_start3A_856 = tpu.memref_slice %arg8[%dma_start3A_853, %dma_start3A_854, %dma_start3A_855] : memref<8x8x768xf32, #tpu.memory_space<vmem>> -> memref<1x4x768xf32, #tpu.memory_space<vmem>>
      %dma_start3A_857 = tpu.memref_squeeze %dma_start3A_856 : memref<1x4x768xf32, #tpu.memory_space<vmem>> -> memref<4x768xf32, #tpu.memory_space<vmem>>
      %dma_start3A_858 = arith.constant 28 : i32
      %dma_start3A_859 = arith.constant 0 : i32
      %dma_start3A_860 = tpu.memref_slice %arg5[%add3A_590, %dma_start3A_858, %dma_start3A_859] : memref<1024x32x768xf32, #tpu.memory_space<hbm>> -> memref<1x4x768xf32, #tpu.memory_space<hbm>>
      %dma_start3A_861 = tpu.memref_squeeze %dma_start3A_860 : memref<1x4x768xf32, #tpu.memory_space<hbm>> -> memref<4x768xf32, #tpu.memory_space<hbm>>
      %dma_start3A_862 = arith.constant 28 : i32
      %dma_start3A_863 = arith.constant 0 : i32
      %dma_start3A_864 = tpu.memref_slice %arg5[%add3A_590, %dma_start3A_862, %dma_start3A_863] : memref<1024x32x768xf32, #tpu.memory_space<hbm>> -> memref<1x4x768xf32, #tpu.memory_space<hbm>>
      %dma_start3A_865 = tpu.memref_squeeze %dma_start3A_864 : memref<1x4x768xf32, #tpu.memory_space<hbm>> -> memref<4x768xf32, #tpu.memory_space<hbm>>
      %dma_start3A_866 = arith.constant 4 : i32
      %dma_start3A_867 = arith.constant 0 : i32
      %dma_start3A_868 = tpu.memref_slice %arg8[%dma_start3A_853, %dma_start3A_866, %dma_start3A_867] : memref<8x8x768xf32, #tpu.memory_space<vmem>> -> memref<1x4x768xf32, #tpu.memory_space<vmem>>
      %dma_start3A_869 = tpu.memref_squeeze %dma_start3A_868 : memref<1x4x768xf32, #tpu.memory_space<vmem>> -> memref<4x768xf32, #tpu.memory_space<vmem>>
      tpu.enqueue_dma source(%dma_start3A_869 : memref<4x768xf32, #tpu.memory_space<vmem>>) target(%dma_start3A_865 : memref<4x768xf32, #tpu.memory_space<hbm>>) target_semaphore(%arg12 : memref<!tpu.dma_semaphore, #tpu.memory_space<semaphore_mem>>)
      %dma_wait3A_870 = arith.constant 0 : i32
      %dma_wait3A_871 = arith.constant 0 : i32
      %dma_wait3A_872 = arith.constant 0 : i32
      %dma_wait3A_873 = tpu.memref_slice %arg8[%dma_wait3A_870, %dma_wait3A_871, %dma_wait3A_872] : memref<8x8x768xf32, #tpu.memory_space<vmem>> -> memref<1x4x768xf32, #tpu.memory_space<vmem>>
      %dma_wait3A_874 = tpu.memref_squeeze %dma_wait3A_873 : memref<1x4x768xf32, #tpu.memory_space<vmem>> -> memref<4x768xf32, #tpu.memory_space<vmem>>
      %dma_wait3A_875 = arith.constant 0 : i32
      %dma_wait3A_876 = arith.constant 0 : i32
      %dma_wait3A_877 = tpu.memref_slice %arg4[%add3A_590, %dma_wait3A_875, %dma_wait3A_876] : memref<1024x32x768xf32, #tpu.memory_space<hbm>> -> memref<1x4x768xf32, #tpu.memory_space<hbm>>
      %dma_wait3A_878 = tpu.memref_squeeze %dma_wait3A_877 : memref<1x4x768xf32, #tpu.memory_space<hbm>> -> memref<4x768xf32, #tpu.memory_space<hbm>>
      %dma_wait3A_879 = arith.constant 0 : i32
      %dma_wait3A_880 = arith.constant 0 : i32
      %dma_wait3A_881 = tpu.memref_slice %arg4[%add3A_590, %dma_wait3A_879, %dma_wait3A_880] : memref<1024x32x768xf32, #tpu.memory_space<hbm>> -> memref<1x4x768xf32, #tpu.memory_space<hbm>>
      %dma_wait3A_882 = tpu.memref_squeeze %dma_wait3A_881 : memref<1x4x768xf32, #tpu.memory_space<hbm>> -> memref<4x768xf32, #tpu.memory_space<hbm>>
      %dma_wait3A_883 = arith.constant 0 : i32
      %dma_wait3A_884 = arith.constant 0 : i32
      %dma_wait3A_885 = tpu.memref_slice %arg8[%dma_wait3A_870, %dma_wait3A_883, %dma_wait3A_884] : memref<8x8x768xf32, #tpu.memory_space<vmem>> -> memref<1x4x768xf32, #tpu.memory_space<vmem>>
      %dma_wait3A_886 = tpu.memref_squeeze %dma_wait3A_885 : memref<1x4x768xf32, #tpu.memory_space<vmem>> -> memref<4x768xf32, #tpu.memory_space<vmem>>
      tpu.wait_dma2 semaphore(%arg12 : memref<!tpu.dma_semaphore, #tpu.memory_space<semaphore_mem>>) src(%dma_wait3A_886 : memref<4x768xf32, #tpu.memory_space<vmem>>) dst(%dma_wait3A_882 : memref<4x768xf32, #tpu.memory_space<hbm>>)
      %dma_wait3A_887 = arith.constant 1 : i32
      %dma_wait3A_888 = arith.constant 0 : i32
      %dma_wait3A_889 = arith.constant 0 : i32
      %dma_wait3A_890 = tpu.memref_slice %arg8[%dma_wait3A_887, %dma_wait3A_888, %dma_wait3A_889] : memref<8x8x768xf32, #tpu.memory_space<vmem>> -> memref<1x4x768xf32, #tpu.memory_space<vmem>>
      %dma_wait3A_891 = tpu.memref_squeeze %dma_wait3A_890 : memref<1x4x768xf32, #tpu.memory_space<vmem>> -> memref<4x768xf32, #tpu.memory_space<vmem>>
      %dma_wait3A_892 = arith.constant 4 : i32
      %dma_wait3A_893 = arith.constant 0 : i32
      %dma_wait3A_894 = tpu.memref_slice %arg4[%add3A_590, %dma_wait3A_892, %dma_wait3A_893] : memref<1024x32x768xf32, #tpu.memory_space<hbm>> -> memref<1x4x768xf32, #tpu.memory_space<hbm>>
      %dma_wait3A_895 = tpu.memref_squeeze %dma_wait3A_894 : memref<1x4x768xf32, #tpu.memory_space<hbm>> -> memref<4x768xf32, #tpu.memory_space<hbm>>
      %dma_wait3A_896 = arith.constant 4 : i32
      %dma_wait3A_897 = arith.constant 0 : i32
      %dma_wait3A_898 = tpu.memref_slice %arg4[%add3A_590, %dma_wait3A_896, %dma_wait3A_897] : memref<1024x32x768xf32, #tpu.memory_space<hbm>> -> memref<1x4x768xf32, #tpu.memory_space<hbm>>
      %dma_wait3A_899 = tpu.memref_squeeze %dma_wait3A_898 : memref<1x4x768xf32, #tpu.memory_space<hbm>> -> memref<4x768xf32, #tpu.memory_space<hbm>>
      %dma_wait3A_900 = arith.constant 0 : i32
      %dma_wait3A_901 = arith.constant 0 : i32
      %dma_wait3A_902 = tpu.memref_slice %arg8[%dma_wait3A_887, %dma_wait3A_900, %dma_wait3A_901] : memref<8x8x768xf32, #tpu.memory_space<vmem>> -> memref<1x4x768xf32, #tpu.memory_space<vmem>>
      %dma_wait3A_903 = tpu.memref_squeeze %dma_wait3A_902 : memref<1x4x768xf32, #tpu.memory_space<vmem>> -> memref<4x768xf32, #tpu.memory_space<vmem>>
      tpu.wait_dma2 semaphore(%arg12 : memref<!tpu.dma_semaphore, #tpu.memory_space<semaphore_mem>>) src(%dma_wait3A_903 : memref<4x768xf32, #tpu.memory_space<vmem>>) dst(%dma_wait3A_899 : memref<4x768xf32, #tpu.memory_space<hbm>>)
      %dma_wait3A_904 = arith.constant 2 : i32
      %dma_wait3A_905 = arith.constant 0 : i32
      %dma_wait3A_906 = arith.constant 0 : i32
      %dma_wait3A_907 = tpu.memref_slice %arg8[%dma_wait3A_904, %dma_wait3A_905, %dma_wait3A_906] : memref<8x8x768xf32, #tpu.memory_space<vmem>> -> memref<1x4x768xf32, #tpu.memory_space<vmem>>
      %dma_wait3A_908 = tpu.memref_squeeze %dma_wait3A_907 : memref<1x4x768xf32, #tpu.memory_space<vmem>> -> memref<4x768xf32, #tpu.memory_space<vmem>>
      %dma_wait3A_909 = arith.constant 8 : i32
      %dma_wait3A_910 = arith.constant 0 : i32
      %dma_wait3A_911 = tpu.memref_slice %arg4[%add3A_590, %dma_wait3A_909, %dma_wait3A_910] : memref<1024x32x768xf32, #tpu.memory_space<hbm>> -> memref<1x4x768xf32, #tpu.memory_space<hbm>>
      %dma_wait3A_912 = tpu.memref_squeeze %dma_wait3A_911 : memref<1x4x768xf32, #tpu.memory_space<hbm>> -> memref<4x768xf32, #tpu.memory_space<hbm>>
      %dma_wait3A_913 = arith.constant 8 : i32
      %dma_wait3A_914 = arith.constant 0 : i32
      %dma_wait3A_915 = tpu.memref_slice %arg4[%add3A_590, %dma_wait3A_913, %dma_wait3A_914] : memref<1024x32x768xf32, #tpu.memory_space<hbm>> -> memref<1x4x768xf32, #tpu.memory_space<hbm>>
      %dma_wait3A_916 = tpu.memref_squeeze %dma_wait3A_915 : memref<1x4x768xf32, #tpu.memory_space<hbm>> -> memref<4x768xf32, #tpu.memory_space<hbm>>
      %dma_wait3A_917 = arith.constant 0 : i32
      %dma_wait3A_918 = arith.constant 0 : i32
      %dma_wait3A_919 = tpu.memref_slice %arg8[%dma_wait3A_904, %dma_wait3A_917, %dma_wait3A_918] : memref<8x8x768xf32, #tpu.memory_space<vmem>> -> memref<1x4x768xf32, #tpu.memory_space<vmem>>
      %dma_wait3A_920 = tpu.memref_squeeze %dma_wait3A_919 : memref<1x4x768xf32, #tpu.memory_space<vmem>> -> memref<4x768xf32, #tpu.memory_space<vmem>>
      tpu.wait_dma2 semaphore(%arg12 : memref<!tpu.dma_semaphore, #tpu.memory_space<semaphore_mem>>) src(%dma_wait3A_920 : memref<4x768xf32, #tpu.memory_space<vmem>>) dst(%dma_wait3A_916 : memref<4x768xf32, #tpu.memory_space<hbm>>)
      %dma_wait3A_921 = arith.constant 3 : i32
      %dma_wait3A_922 = arith.constant 0 : i32
      %dma_wait3A_923 = arith.constant 0 : i32
      %dma_wait3A_924 = tpu.memref_slice %arg8[%dma_wait3A_921, %dma_wait3A_922, %dma_wait3A_923] : memref<8x8x768xf32, #tpu.memory_space<vmem>> -> memref<1x4x768xf32, #tpu.memory_space<vmem>>
      %dma_wait3A_925 = tpu.memref_squeeze %dma_wait3A_924 : memref<1x4x768xf32, #tpu.memory_space<vmem>> -> memref<4x768xf32, #tpu.memory_space<vmem>>
      %dma_wait3A_926 = arith.constant 12 : i32
      %dma_wait3A_927 = arith.constant 0 : i32
      %dma_wait3A_928 = tpu.memref_slice %arg4[%add3A_590, %dma_wait3A_926, %dma_wait3A_927] : memref<1024x32x768xf32, #tpu.memory_space<hbm>> -> memref<1x4x768xf32, #tpu.memory_space<hbm>>
      %dma_wait3A_929 = tpu.memref_squeeze %dma_wait3A_928 : memref<1x4x768xf32, #tpu.memory_space<hbm>> -> memref<4x768xf32, #tpu.memory_space<hbm>>
      %dma_wait3A_930 = arith.constant 12 : i32
      %dma_wait3A_931 = arith.constant 0 : i32
      %dma_wait3A_932 = tpu.memref_slice %arg4[%add3A_590, %dma_wait3A_930, %dma_wait3A_931] : memref<1024x32x768xf32, #tpu.memory_space<hbm>> -> memref<1x4x768xf32, #tpu.memory_space<hbm>>
      %dma_wait3A_933 = tpu.memref_squeeze %dma_wait3A_932 : memref<1x4x768xf32, #tpu.memory_space<hbm>> -> memref<4x768xf32, #tpu.memory_space<hbm>>
      %dma_wait3A_934 = arith.constant 0 : i32
      %dma_wait3A_935 = arith.constant 0 : i32
      %dma_wait3A_936 = tpu.memref_slice %arg8[%dma_wait3A_921, %dma_wait3A_934, %dma_wait3A_935] : memref<8x8x768xf32, #tpu.memory_space<vmem>> -> memref<1x4x768xf32, #tpu.memory_space<vmem>>
      %dma_wait3A_937 = tpu.memref_squeeze %dma_wait3A_936 : memref<1x4x768xf32, #tpu.memory_space<vmem>> -> memref<4x768xf32, #tpu.memory_space<vmem>>
      tpu.wait_dma2 semaphore(%arg12 : memref<!tpu.dma_semaphore, #tpu.memory_space<semaphore_mem>>) src(%dma_wait3A_937 : memref<4x768xf32, #tpu.memory_space<vmem>>) dst(%dma_wait3A_933 : memref<4x768xf32, #tpu.memory_space<hbm>>)
      %dma_wait3A_938 = arith.constant 4 : i32
      %dma_wait3A_939 = arith.constant 0 : i32
      %dma_wait3A_940 = arith.constant 0 : i32
      %dma_wait3A_941 = tpu.memref_slice %arg8[%dma_wait3A_938, %dma_wait3A_939, %dma_wait3A_940] : memref<8x8x768xf32, #tpu.memory_space<vmem>> -> memref<1x4x768xf32, #tpu.memory_space<vmem>>
      %dma_wait3A_942 = tpu.memref_squeeze %dma_wait3A_941 : memref<1x4x768xf32, #tpu.memory_space<vmem>> -> memref<4x768xf32, #tpu.memory_space<vmem>>
      %dma_wait3A_943 = arith.constant 16 : i32
      %dma_wait3A_944 = arith.constant 0 : i32
      %dma_wait3A_945 = tpu.memref_slice %arg4[%add3A_590, %dma_wait3A_943, %dma_wait3A_944] : memref<1024x32x768xf32, #tpu.memory_space<hbm>> -> memref<1x4x768xf32, #tpu.memory_space<hbm>>
      %dma_wait3A_946 = tpu.memref_squeeze %dma_wait3A_945 : memref<1x4x768xf32, #tpu.memory_space<hbm>> -> memref<4x768xf32, #tpu.memory_space<hbm>>
      %dma_wait3A_947 = arith.constant 16 : i32
      %dma_wait3A_948 = arith.constant 0 : i32
      %dma_wait3A_949 = tpu.memref_slice %arg4[%add3A_590, %dma_wait3A_947, %dma_wait3A_948] : memref<1024x32x768xf32, #tpu.memory_space<hbm>> -> memref<1x4x768xf32, #tpu.memory_space<hbm>>
      %dma_wait3A_950 = tpu.memref_squeeze %dma_wait3A_949 : memref<1x4x768xf32, #tpu.memory_space<hbm>> -> memref<4x768xf32, #tpu.memory_space<hbm>>
      %dma_wait3A_951 = arith.constant 0 : i32
      %dma_wait3A_952 = arith.constant 0 : i32
      %dma_wait3A_953 = tpu.memref_slice %arg8[%dma_wait3A_938, %dma_wait3A_951, %dma_wait3A_952] : memref<8x8x768xf32, #tpu.memory_space<vmem>> -> memref<1x4x768xf32, #tpu.memory_space<vmem>>
      %dma_wait3A_954 = tpu.memref_squeeze %dma_wait3A_953 : memref<1x4x768xf32, #tpu.memory_space<vmem>> -> memref<4x768xf32, #tpu.memory_space<vmem>>
      tpu.wait_dma2 semaphore(%arg12 : memref<!tpu.dma_semaphore, #tpu.memory_space<semaphore_mem>>) src(%dma_wait3A_954 : memref<4x768xf32, #tpu.memory_space<vmem>>) dst(%dma_wait3A_950 : memref<4x768xf32, #tpu.memory_space<hbm>>)
      %dma_wait3A_955 = arith.constant 5 : i32
      %dma_wait3A_956 = arith.constant 0 : i32
      %dma_wait3A_957 = arith.constant 0 : i32
      %dma_wait3A_958 = tpu.memref_slice %arg8[%dma_wait3A_955, %dma_wait3A_956, %dma_wait3A_957] : memref<8x8x768xf32, #tpu.memory_space<vmem>> -> memref<1x4x768xf32, #tpu.memory_space<vmem>>
      %dma_wait3A_959 = tpu.memref_squeeze %dma_wait3A_958 : memref<1x4x768xf32, #tpu.memory_space<vmem>> -> memref<4x768xf32, #tpu.memory_space<vmem>>
      %dma_wait3A_960 = arith.constant 20 : i32
      %dma_wait3A_961 = arith.constant 0 : i32
      %dma_wait3A_962 = tpu.memref_slice %arg4[%add3A_590, %dma_wait3A_960, %dma_wait3A_961] : memref<1024x32x768xf32, #tpu.memory_space<hbm>> -> memref<1x4x768xf32, #tpu.memory_space<hbm>>
      %dma_wait3A_963 = tpu.memref_squeeze %dma_wait3A_962 : memref<1x4x768xf32, #tpu.memory_space<hbm>> -> memref<4x768xf32, #tpu.memory_space<hbm>>
      %dma_wait3A_964 = arith.constant 20 : i32
      %dma_wait3A_965 = arith.constant 0 : i32
      %dma_wait3A_966 = tpu.memref_slice %arg4[%add3A_590, %dma_wait3A_964, %dma_wait3A_965] : memref<1024x32x768xf32, #tpu.memory_space<hbm>> -> memref<1x4x768xf32, #tpu.memory_space<hbm>>
      %dma_wait3A_967 = tpu.memref_squeeze %dma_wait3A_966 : memref<1x4x768xf32, #tpu.memory_space<hbm>> -> memref<4x768xf32, #tpu.memory_space<hbm>>
      %dma_wait3A_968 = arith.constant 0 : i32
      %dma_wait3A_969 = arith.constant 0 : i32
      %dma_wait3A_970 = tpu.memref_slice %arg8[%dma_wait3A_955, %dma_wait3A_968, %dma_wait3A_969] : memref<8x8x768xf32, #tpu.memory_space<vmem>> -> memref<1x4x768xf32, #tpu.memory_space<vmem>>
      %dma_wait3A_971 = tpu.memref_squeeze %dma_wait3A_970 : memref<1x4x768xf32, #tpu.memory_space<vmem>> -> memref<4x768xf32, #tpu.memory_space<vmem>>
      tpu.wait_dma2 semaphore(%arg12 : memref<!tpu.dma_semaphore, #tpu.memory_space<semaphore_mem>>) src(%dma_wait3A_971 : memref<4x768xf32, #tpu.memory_space<vmem>>) dst(%dma_wait3A_967 : memref<4x768xf32, #tpu.memory_space<hbm>>)
      %dma_wait3A_972 = arith.constant 6 : i32
      %dma_wait3A_973 = arith.constant 0 : i32
      %dma_wait3A_974 = arith.constant 0 : i32
      %dma_wait3A_975 = tpu.memref_slice %arg8[%dma_wait3A_972, %dma_wait3A_973, %dma_wait3A_974] : memref<8x8x768xf32, #tpu.memory_space<vmem>> -> memref<1x4x768xf32, #tpu.memory_space<vmem>>
      %dma_wait3A_976 = tpu.memref_squeeze %dma_wait3A_975 : memref<1x4x768xf32, #tpu.memory_space<vmem>> -> memref<4x768xf32, #tpu.memory_space<vmem>>
      %dma_wait3A_977 = arith.constant 24 : i32
      %dma_wait3A_978 = arith.constant 0 : i32
      %dma_wait3A_979 = tpu.memref_slice %arg4[%add3A_590, %dma_wait3A_977, %dma_wait3A_978] : memref<1024x32x768xf32, #tpu.memory_space<hbm>> -> memref<1x4x768xf32, #tpu.memory_space<hbm>>
      %dma_wait3A_980 = tpu.memref_squeeze %dma_wait3A_979 : memref<1x4x768xf32, #tpu.memory_space<hbm>> -> memref<4x768xf32, #tpu.memory_space<hbm>>
      %dma_wait3A_981 = arith.constant 24 : i32
      %dma_wait3A_982 = arith.constant 0 : i32
      %dma_wait3A_983 = tpu.memref_slice %arg4[%add3A_590, %dma_wait3A_981, %dma_wait3A_982] : memref<1024x32x768xf32, #tpu.memory_space<hbm>> -> memref<1x4x768xf32, #tpu.memory_space<hbm>>
      %dma_wait3A_984 = tpu.memref_squeeze %dma_wait3A_983 : memref<1x4x768xf32, #tpu.memory_space<hbm>> -> memref<4x768xf32, #tpu.memory_space<hbm>>
      %dma_wait3A_985 = arith.constant 0 : i32
      %dma_wait3A_986 = arith.constant 0 : i32
      %dma_wait3A_987 = tpu.memref_slice %arg8[%dma_wait3A_972, %dma_wait3A_985, %dma_wait3A_986] : memref<8x8x768xf32, #tpu.memory_space<vmem>> -> memref<1x4x768xf32, #tpu.memory_space<vmem>>
      %dma_wait3A_988 = tpu.memref_squeeze %dma_wait3A_987 : memref<1x4x768xf32, #tpu.memory_space<vmem>> -> memref<4x768xf32, #tpu.memory_space<vmem>>
      tpu.wait_dma2 semaphore(%arg12 : memref<!tpu.dma_semaphore, #tpu.memory_space<semaphore_mem>>) src(%dma_wait3A_988 : memref<4x768xf32, #tpu.memory_space<vmem>>) dst(%dma_wait3A_984 : memref<4x768xf32, #tpu.memory_space<hbm>>)
      %dma_wait3A_989 = arith.constant 7 : i32
      %dma_wait3A_990 = arith.constant 0 : i32
      %dma_wait3A_991 = arith.constant 0 : i32
      %dma_wait3A_992 = tpu.memref_slice %arg8[%dma_wait3A_989, %dma_wait3A_990, %dma_wait3A_991] : memref<8x8x768xf32, #tpu.memory_space<vmem>> -> memref<1x4x768xf32, #tpu.memory_space<vmem>>
      %dma_wait3A_993 = tpu.memref_squeeze %dma_wait3A_992 : memref<1x4x768xf32, #tpu.memory_space<vmem>> -> memref<4x768xf32, #tpu.memory_space<vmem>>
      %dma_wait3A_994 = arith.constant 28 : i32
      %dma_wait3A_995 = arith.constant 0 : i32
      %dma_wait3A_996 = tpu.memref_slice %arg4[%add3A_590, %dma_wait3A_994, %dma_wait3A_995] : memref<1024x32x768xf32, #tpu.memory_space<hbm>> -> memref<1x4x768xf32, #tpu.memory_space<hbm>>
      %dma_wait3A_997 = tpu.memref_squeeze %dma_wait3A_996 : memref<1x4x768xf32, #tpu.memory_space<hbm>> -> memref<4x768xf32, #tpu.memory_space<hbm>>
      %dma_wait3A_998 = arith.constant 28 : i32
      %dma_wait3A_999 = arith.constant 0 : i32
      %dma_wait3A_1000 = tpu.memref_slice %arg4[%add3A_590, %dma_wait3A_998, %dma_wait3A_999] : memref<1024x32x768xf32, #tpu.memory_space<hbm>> -> memref<1x4x768xf32, #tpu.memory_space<hbm>>
      %dma_wait3A_1001 = tpu.memref_squeeze %dma_wait3A_1000 : memref<1x4x768xf32, #tpu.memory_space<hbm>> -> memref<4x768xf32, #tpu.memory_space<hbm>>
      %dma_wait3A_1002 = arith.constant 0 : i32
      %dma_wait3A_1003 = arith.constant 0 : i32
      %dma_wait3A_1004 = tpu.memref_slice %arg8[%dma_wait3A_989, %dma_wait3A_1002, %dma_wait3A_1003] : memref<8x8x768xf32, #tpu.memory_space<vmem>> -> memref<1x4x768xf32, #tpu.memory_space<vmem>>
      %dma_wait3A_1005 = tpu.memref_squeeze %dma_wait3A_1004 : memref<1x4x768xf32, #tpu.memory_space<vmem>> -> memref<4x768xf32, #tpu.memory_space<vmem>>
      tpu.wait_dma2 semaphore(%arg12 : memref<!tpu.dma_semaphore, #tpu.memory_space<semaphore_mem>>) src(%dma_wait3A_1005 : memref<4x768xf32, #tpu.memory_space<vmem>>) dst(%dma_wait3A_1001 : memref<4x768xf32, #tpu.memory_space<hbm>>)
      %dma_wait3A_1006 = arith.constant 0 : i32
      %dma_wait3A_1007 = arith.constant 4 : i32
      %dma_wait3A_1008 = arith.constant 0 : i32
      %dma_wait3A_1009 = tpu.memref_slice %arg8[%dma_wait3A_1006, %dma_wait3A_1007, %dma_wait3A_1008] : memref<8x8x768xf32, #tpu.memory_space<vmem>> -> memref<1x4x768xf32, #tpu.memory_space<vmem>>
      %dma_wait3A_1010 = tpu.memref_squeeze %dma_wait3A_1009 : memref<1x4x768xf32, #tpu.memory_space<vmem>> -> memref<4x768xf32, #tpu.memory_space<vmem>>
      %dma_wait3A_1011 = arith.constant 0 : i32
      %dma_wait3A_1012 = arith.constant 0 : i32
      %dma_wait3A_1013 = tpu.memref_slice %arg5[%add3A_590, %dma_wait3A_1011, %dma_wait3A_1012] : memref<1024x32x768xf32, #tpu.memory_space<hbm>> -> memref<1x4x768xf32, #tpu.memory_space<hbm>>
      %dma_wait3A_1014 = tpu.memref_squeeze %dma_wait3A_1013 : memref<1x4x768xf32, #tpu.memory_space<hbm>> -> memref<4x768xf32, #tpu.memory_space<hbm>>
      %dma_wait3A_1015 = arith.constant 0 : i32
      %dma_wait3A_1016 = arith.constant 0 : i32
      %dma_wait3A_1017 = tpu.memref_slice %arg5[%add3A_590, %dma_wait3A_1015, %dma_wait3A_1016] : memref<1024x32x768xf32, #tpu.memory_space<hbm>> -> memref<1x4x768xf32, #tpu.memory_space<hbm>>
      %dma_wait3A_1018 = tpu.memref_squeeze %dma_wait3A_1017 : memref<1x4x768xf32, #tpu.memory_space<hbm>> -> memref<4x768xf32, #tpu.memory_space<hbm>>
      %dma_wait3A_1019 = arith.constant 4 : i32
      %dma_wait3A_1020 = arith.constant 0 : i32
      %dma_wait3A_1021 = tpu.memref_slice %arg8[%dma_wait3A_1006, %dma_wait3A_1019, %dma_wait3A_1020] : memref<8x8x768xf32, #tpu.memory_space<vmem>> -> memref<1x4x768xf32, #tpu.memory_space<vmem>>
      %dma_wait3A_1022 = tpu.memref_squeeze %dma_wait3A_1021 : memref<1x4x768xf32, #tpu.memory_space<vmem>> -> memref<4x768xf32, #tpu.memory_space<vmem>>
      tpu.wait_dma2 semaphore(%arg12 : memref<!tpu.dma_semaphore, #tpu.memory_space<semaphore_mem>>) src(%dma_wait3A_1022 : memref<4x768xf32, #tpu.memory_space<vmem>>) dst(%dma_wait3A_1018 : memref<4x768xf32, #tpu.memory_space<hbm>>)
      %dma_wait3A_1023 = arith.constant 1 : i32
      %dma_wait3A_1024 = arith.constant 4 : i32
      %dma_wait3A_1025 = arith.constant 0 : i32
      %dma_wait3A_1026 = tpu.memref_slice %arg8[%dma_wait3A_1023, %dma_wait3A_1024, %dma_wait3A_1025] : memref<8x8x768xf32, #tpu.memory_space<vmem>> -> memref<1x4x768xf32, #tpu.memory_space<vmem>>
      %dma_wait3A_1027 = tpu.memref_squeeze %dma_wait3A_1026 : memref<1x4x768xf32, #tpu.memory_space<vmem>> -> memref<4x768xf32, #tpu.memory_space<vmem>>
      %dma_wait3A_1028 = arith.constant 4 : i32
      %dma_wait3A_1029 = arith.constant 0 : i32
      %dma_wait3A_1030 = tpu.memref_slice %arg5[%add3A_590, %dma_wait3A_1028, %dma_wait3A_1029] : memref<1024x32x768xf32, #tpu.memory_space<hbm>> -> memref<1x4x768xf32, #tpu.memory_space<hbm>>
      %dma_wait3A_1031 = tpu.memref_squeeze %dma_wait3A_1030 : memref<1x4x768xf32, #tpu.memory_space<hbm>> -> memref<4x768xf32, #tpu.memory_space<hbm>>
      %dma_wait3A_1032 = arith.constant 4 : i32
      %dma_wait3A_1033 = arith.constant 0 : i32
      %dma_wait3A_1034 = tpu.memref_slice %arg5[%add3A_590, %dma_wait3A_1032, %dma_wait3A_1033] : memref<1024x32x768xf32, #tpu.memory_space<hbm>> -> memref<1x4x768xf32, #tpu.memory_space<hbm>>
      %dma_wait3A_1035 = tpu.memref_squeeze %dma_wait3A_1034 : memref<1x4x768xf32, #tpu.memory_space<hbm>> -> memref<4x768xf32, #tpu.memory_space<hbm>>
      %dma_wait3A_1036 = arith.constant 4 : i32
      %dma_wait3A_1037 = arith.constant 0 : i32
      %dma_wait3A_1038 = tpu.memref_slice %arg8[%dma_wait3A_1023, %dma_wait3A_1036, %dma_wait3A_1037] : memref<8x8x768xf32, #tpu.memory_space<vmem>> -> memref<1x4x768xf32, #tpu.memory_space<vmem>>
      %dma_wait3A_1039 = tpu.memref_squeeze %dma_wait3A_1038 : memref<1x4x768xf32, #tpu.memory_space<vmem>> -> memref<4x768xf32, #tpu.memory_space<vmem>>
      tpu.wait_dma2 semaphore(%arg12 : memref<!tpu.dma_semaphore, #tpu.memory_space<semaphore_mem>>) src(%dma_wait3A_1039 : memref<4x768xf32, #tpu.memory_space<vmem>>) dst(%dma_wait3A_1035 : memref<4x768xf32, #tpu.memory_space<hbm>>)
      %dma_wait3A_1040 = arith.constant 2 : i32
      %dma_wait3A_1041 = arith.constant 4 : i32
      %dma_wait3A_1042 = arith.constant 0 : i32
      %dma_wait3A_1043 = tpu.memref_slice %arg8[%dma_wait3A_1040, %dma_wait3A_1041, %dma_wait3A_1042] : memref<8x8x768xf32, #tpu.memory_space<vmem>> -> memref<1x4x768xf32, #tpu.memory_space<vmem>>
      %dma_wait3A_1044 = tpu.memref_squeeze %dma_wait3A_1043 : memref<1x4x768xf32, #tpu.memory_space<vmem>> -> memref<4x768xf32, #tpu.memory_space<vmem>>
      %dma_wait3A_1045 = arith.constant 8 : i32
      %dma_wait3A_1046 = arith.constant 0 : i32
      %dma_wait3A_1047 = tpu.memref_slice %arg5[%add3A_590, %dma_wait3A_1045, %dma_wait3A_1046] : memref<1024x32x768xf32, #tpu.memory_space<hbm>> -> memref<1x4x768xf32, #tpu.memory_space<hbm>>
      %dma_wait3A_1048 = tpu.memref_squeeze %dma_wait3A_1047 : memref<1x4x768xf32, #tpu.memory_space<hbm>> -> memref<4x768xf32, #tpu.memory_space<hbm>>
      %dma_wait3A_1049 = arith.constant 8 : i32
      %dma_wait3A_1050 = arith.constant 0 : i32
      %dma_wait3A_1051 = tpu.memref_slice %arg5[%add3A_590, %dma_wait3A_1049, %dma_wait3A_1050] : memref<1024x32x768xf32, #tpu.memory_space<hbm>> -> memref<1x4x768xf32, #tpu.memory_space<hbm>>
      %dma_wait3A_1052 = tpu.memref_squeeze %dma_wait3A_1051 : memref<1x4x768xf32, #tpu.memory_space<hbm>> -> memref<4x768xf32, #tpu.memory_space<hbm>>
      %dma_wait3A_1053 = arith.constant 4 : i32
      %dma_wait3A_1054 = arith.constant 0 : i32
      %dma_wait3A_1055 = tpu.memref_slice %arg8[%dma_wait3A_1040, %dma_wait3A_1053, %dma_wait3A_1054] : memref<8x8x768xf32, #tpu.memory_space<vmem>> -> memref<1x4x768xf32, #tpu.memory_space<vmem>>
      %dma_wait3A_1056 = tpu.memref_squeeze %dma_wait3A_1055 : memref<1x4x768xf32, #tpu.memory_space<vmem>> -> memref<4x768xf32, #tpu.memory_space<vmem>>
      tpu.wait_dma2 semaphore(%arg12 : memref<!tpu.dma_semaphore, #tpu.memory_space<semaphore_mem>>) src(%dma_wait3A_1056 : memref<4x768xf32, #tpu.memory_space<vmem>>) dst(%dma_wait3A_1052 : memref<4x768xf32, #tpu.memory_space<hbm>>)
      %dma_wait3A_1057 = arith.constant 3 : i32
      %dma_wait3A_1058 = arith.constant 4 : i32
      %dma_wait3A_1059 = arith.constant 0 : i32
      %dma_wait3A_1060 = tpu.memref_slice %arg8[%dma_wait3A_1057, %dma_wait3A_1058, %dma_wait3A_1059] : memref<8x8x768xf32, #tpu.memory_space<vmem>> -> memref<1x4x768xf32, #tpu.memory_space<vmem>>
      %dma_wait3A_1061 = tpu.memref_squeeze %dma_wait3A_1060 : memref<1x4x768xf32, #tpu.memory_space<vmem>> -> memref<4x768xf32, #tpu.memory_space<vmem>>
      %dma_wait3A_1062 = arith.constant 12 : i32
      %dma_wait3A_1063 = arith.constant 0 : i32
      %dma_wait3A_1064 = tpu.memref_slice %arg5[%add3A_590, %dma_wait3A_1062, %dma_wait3A_1063] : memref<1024x32x768xf32, #tpu.memory_space<hbm>> -> memref<1x4x768xf32, #tpu.memory_space<hbm>>
      %dma_wait3A_1065 = tpu.memref_squeeze %dma_wait3A_1064 : memref<1x4x768xf32, #tpu.memory_space<hbm>> -> memref<4x768xf32, #tpu.memory_space<hbm>>
      %dma_wait3A_1066 = arith.constant 12 : i32
      %dma_wait3A_1067 = arith.constant 0 : i32
      %dma_wait3A_1068 = tpu.memref_slice %arg5[%add3A_590, %dma_wait3A_1066, %dma_wait3A_1067] : memref<1024x32x768xf32, #tpu.memory_space<hbm>> -> memref<1x4x768xf32, #tpu.memory_space<hbm>>
      %dma_wait3A_1069 = tpu.memref_squeeze %dma_wait3A_1068 : memref<1x4x768xf32, #tpu.memory_space<hbm>> -> memref<4x768xf32, #tpu.memory_space<hbm>>
      %dma_wait3A_1070 = arith.constant 4 : i32
      %dma_wait3A_1071 = arith.constant 0 : i32
      %dma_wait3A_1072 = tpu.memref_slice %arg8[%dma_wait3A_1057, %dma_wait3A_1070, %dma_wait3A_1071] : memref<8x8x768xf32, #tpu.memory_space<vmem>> -> memref<1x4x768xf32, #tpu.memory_space<vmem>>
      %dma_wait3A_1073 = tpu.memref_squeeze %dma_wait3A_1072 : memref<1x4x768xf32, #tpu.memory_space<vmem>> -> memref<4x768xf32, #tpu.memory_space<vmem>>
      tpu.wait_dma2 semaphore(%arg12 : memref<!tpu.dma_semaphore, #tpu.memory_space<semaphore_mem>>) src(%dma_wait3A_1073 : memref<4x768xf32, #tpu.memory_space<vmem>>) dst(%dma_wait3A_1069 : memref<4x768xf32, #tpu.memory_space<hbm>>)
      %dma_wait3A_1074 = arith.constant 4 : i32
      %dma_wait3A_1075 = arith.constant 4 : i32
      %dma_wait3A_1076 = arith.constant 0 : i32
      %dma_wait3A_1077 = tpu.memref_slice %arg8[%dma_wait3A_1074, %dma_wait3A_1075, %dma_wait3A_1076] : memref<8x8x768xf32, #tpu.memory_space<vmem>> -> memref<1x4x768xf32, #tpu.memory_space<vmem>>
      %dma_wait3A_1078 = tpu.memref_squeeze %dma_wait3A_1077 : memref<1x4x768xf32, #tpu.memory_space<vmem>> -> memref<4x768xf32, #tpu.memory_space<vmem>>
      %dma_wait3A_1079 = arith.constant 16 : i32
      %dma_wait3A_1080 = arith.constant 0 : i32
      %dma_wait3A_1081 = tpu.memref_slice %arg5[%add3A_590, %dma_wait3A_1079, %dma_wait3A_1080] : memref<1024x32x768xf32, #tpu.memory_space<hbm>> -> memref<1x4x768xf32, #tpu.memory_space<hbm>>
      %dma_wait3A_1082 = tpu.memref_squeeze %dma_wait3A_1081 : memref<1x4x768xf32, #tpu.memory_space<hbm>> -> memref<4x768xf32, #tpu.memory_space<hbm>>
      %dma_wait3A_1083 = arith.constant 16 : i32
      %dma_wait3A_1084 = arith.constant 0 : i32
      %dma_wait3A_1085 = tpu.memref_slice %arg5[%add3A_590, %dma_wait3A_1083, %dma_wait3A_1084] : memref<1024x32x768xf32, #tpu.memory_space<hbm>> -> memref<1x4x768xf32, #tpu.memory_space<hbm>>
      %dma_wait3A_1086 = tpu.memref_squeeze %dma_wait3A_1085 : memref<1x4x768xf32, #tpu.memory_space<hbm>> -> memref<4x768xf32, #tpu.memory_space<hbm>>
      %dma_wait3A_1087 = arith.constant 4 : i32
      %dma_wait3A_1088 = arith.constant 0 : i32
      %dma_wait3A_1089 = tpu.memref_slice %arg8[%dma_wait3A_1074, %dma_wait3A_1087, %dma_wait3A_1088] : memref<8x8x768xf32, #tpu.memory_space<vmem>> -> memref<1x4x768xf32, #tpu.memory_space<vmem>>
      %dma_wait3A_1090 = tpu.memref_squeeze %dma_wait3A_1089 : memref<1x4x768xf32, #tpu.memory_space<vmem>> -> memref<4x768xf32, #tpu.memory_space<vmem>>
      tpu.wait_dma2 semaphore(%arg12 : memref<!tpu.dma_semaphore, #tpu.memory_space<semaphore_mem>>) src(%dma_wait3A_1090 : memref<4x768xf32, #tpu.memory_space<vmem>>) dst(%dma_wait3A_1086 : memref<4x768xf32, #tpu.memory_space<hbm>>)
      %dma_wait3A_1091 = arith.constant 5 : i32
      %dma_wait3A_1092 = arith.constant 4 : i32
      %dma_wait3A_1093 = arith.constant 0 : i32
      %dma_wait3A_1094 = tpu.memref_slice %arg8[%dma_wait3A_1091, %dma_wait3A_1092, %dma_wait3A_1093] : memref<8x8x768xf32, #tpu.memory_space<vmem>> -> memref<1x4x768xf32, #tpu.memory_space<vmem>>
      %dma_wait3A_1095 = tpu.memref_squeeze %dma_wait3A_1094 : memref<1x4x768xf32, #tpu.memory_space<vmem>> -> memref<4x768xf32, #tpu.memory_space<vmem>>
      %dma_wait3A_1096 = arith.constant 20 : i32
      %dma_wait3A_1097 = arith.constant 0 : i32
      %dma_wait3A_1098 = tpu.memref_slice %arg5[%add3A_590, %dma_wait3A_1096, %dma_wait3A_1097] : memref<1024x32x768xf32, #tpu.memory_space<hbm>> -> memref<1x4x768xf32, #tpu.memory_space<hbm>>
      %dma_wait3A_1099 = tpu.memref_squeeze %dma_wait3A_1098 : memref<1x4x768xf32, #tpu.memory_space<hbm>> -> memref<4x768xf32, #tpu.memory_space<hbm>>
      %dma_wait3A_1100 = arith.constant 20 : i32
      %dma_wait3A_1101 = arith.constant 0 : i32
      %dma_wait3A_1102 = tpu.memref_slice %arg5[%add3A_590, %dma_wait3A_1100, %dma_wait3A_1101] : memref<1024x32x768xf32, #tpu.memory_space<hbm>> -> memref<1x4x768xf32, #tpu.memory_space<hbm>>
      %dma_wait3A_1103 = tpu.memref_squeeze %dma_wait3A_1102 : memref<1x4x768xf32, #tpu.memory_space<hbm>> -> memref<4x768xf32, #tpu.memory_space<hbm>>
      %dma_wait3A_1104 = arith.constant 4 : i32
      %dma_wait3A_1105 = arith.constant 0 : i32
      %dma_wait3A_1106 = tpu.memref_slice %arg8[%dma_wait3A_1091, %dma_wait3A_1104, %dma_wait3A_1105] : memref<8x8x768xf32, #tpu.memory_space<vmem>> -> memref<1x4x768xf32, #tpu.memory_space<vmem>>
      %dma_wait3A_1107 = tpu.memref_squeeze %dma_wait3A_1106 : memref<1x4x768xf32, #tpu.memory_space<vmem>> -> memref<4x768xf32, #tpu.memory_space<vmem>>
      tpu.wait_dma2 semaphore(%arg12 : memref<!tpu.dma_semaphore, #tpu.memory_space<semaphore_mem>>) src(%dma_wait3A_1107 : memref<4x768xf32, #tpu.memory_space<vmem>>) dst(%dma_wait3A_1103 : memref<4x768xf32, #tpu.memory_space<hbm>>)
      %dma_wait3A_1108 = arith.constant 6 : i32
      %dma_wait3A_1109 = arith.constant 4 : i32
      %dma_wait3A_1110 = arith.constant 0 : i32
      %dma_wait3A_1111 = tpu.memref_slice %arg8[%dma_wait3A_1108, %dma_wait3A_1109, %dma_wait3A_1110] : memref<8x8x768xf32, #tpu.memory_space<vmem>> -> memref<1x4x768xf32, #tpu.memory_space<vmem>>
      %dma_wait3A_1112 = tpu.memref_squeeze %dma_wait3A_1111 : memref<1x4x768xf32, #tpu.memory_space<vmem>> -> memref<4x768xf32, #tpu.memory_space<vmem>>
      %dma_wait3A_1113 = arith.constant 24 : i32
      %dma_wait3A_1114 = arith.constant 0 : i32
      %dma_wait3A_1115 = tpu.memref_slice %arg5[%add3A_590, %dma_wait3A_1113, %dma_wait3A_1114] : memref<1024x32x768xf32, #tpu.memory_space<hbm>> -> memref<1x4x768xf32, #tpu.memory_space<hbm>>
      %dma_wait3A_1116 = tpu.memref_squeeze %dma_wait3A_1115 : memref<1x4x768xf32, #tpu.memory_space<hbm>> -> memref<4x768xf32, #tpu.memory_space<hbm>>
      %dma_wait3A_1117 = arith.constant 24 : i32
      %dma_wait3A_1118 = arith.constant 0 : i32
      %dma_wait3A_1119 = tpu.memref_slice %arg5[%add3A_590, %dma_wait3A_1117, %dma_wait3A_1118] : memref<1024x32x768xf32, #tpu.memory_space<hbm>> -> memref<1x4x768xf32, #tpu.memory_space<hbm>>
      %dma_wait3A_1120 = tpu.memref_squeeze %dma_wait3A_1119 : memref<1x4x768xf32, #tpu.memory_space<hbm>> -> memref<4x768xf32, #tpu.memory_space<hbm>>
      %dma_wait3A_1121 = arith.constant 4 : i32
      %dma_wait3A_1122 = arith.constant 0 : i32
      %dma_wait3A_1123 = tpu.memref_slice %arg8[%dma_wait3A_1108, %dma_wait3A_1121, %dma_wait3A_1122] : memref<8x8x768xf32, #tpu.memory_space<vmem>> -> memref<1x4x768xf32, #tpu.memory_space<vmem>>
      %dma_wait3A_1124 = tpu.memref_squeeze %dma_wait3A_1123 : memref<1x4x768xf32, #tpu.memory_space<vmem>> -> memref<4x768xf32, #tpu.memory_space<vmem>>
      tpu.wait_dma2 semaphore(%arg12 : memref<!tpu.dma_semaphore, #tpu.memory_space<semaphore_mem>>) src(%dma_wait3A_1124 : memref<4x768xf32, #tpu.memory_space<vmem>>) dst(%dma_wait3A_1120 : memref<4x768xf32, #tpu.memory_space<hbm>>)
      %dma_wait3A_1125 = arith.constant 7 : i32
      %dma_wait3A_1126 = arith.constant 4 : i32
      %dma_wait3A_1127 = arith.constant 0 : i32
      %dma_wait3A_1128 = tpu.memref_slice %arg8[%dma_wait3A_1125, %dma_wait3A_1126, %dma_wait3A_1127] : memref<8x8x768xf32, #tpu.memory_space<vmem>> -> memref<1x4x768xf32, #tpu.memory_space<vmem>>
      %dma_wait3A_1129 = tpu.memref_squeeze %dma_wait3A_1128 : memref<1x4x768xf32, #tpu.memory_space<vmem>> -> memref<4x768xf32, #tpu.memory_space<vmem>>
      %dma_wait3A_1130 = arith.constant 28 : i32
      %dma_wait3A_1131 = arith.constant 0 : i32
      %dma_wait3A_1132 = tpu.memref_slice %arg5[%add3A_590, %dma_wait3A_1130, %dma_wait3A_1131] : memref<1024x32x768xf32, #tpu.memory_space<hbm>> -> memref<1x4x768xf32, #tpu.memory_space<hbm>>
      %dma_wait3A_1133 = tpu.memref_squeeze %dma_wait3A_1132 : memref<1x4x768xf32, #tpu.memory_space<hbm>> -> memref<4x768xf32, #tpu.memory_space<hbm>>
      %dma_wait3A_1134 = arith.constant 28 : i32
      %dma_wait3A_1135 = arith.constant 0 : i32
      %dma_wait3A_1136 = tpu.memref_slice %arg5[%add3A_590, %dma_wait3A_1134, %dma_wait3A_1135] : memref<1024x32x768xf32, #tpu.memory_space<hbm>> -> memref<1x4x768xf32, #tpu.memory_space<hbm>>
      %dma_wait3A_1137 = tpu.memref_squeeze %dma_wait3A_1136 : memref<1x4x768xf32, #tpu.memory_space<hbm>> -> memref<4x768xf32, #tpu.memory_space<hbm>>
      %dma_wait3A_1138 = arith.constant 4 : i32
      %dma_wait3A_1139 = arith.constant 0 : i32
      %dma_wait3A_1140 = tpu.memref_slice %arg8[%dma_wait3A_1125, %dma_wait3A_1138, %dma_wait3A_1139] : memref<8x8x768xf32, #tpu.memory_space<vmem>> -> memref<1x4x768xf32, #tpu.memory_space<vmem>>
      %dma_wait3A_1141 = tpu.memref_squeeze %dma_wait3A_1140 : memref<1x4x768xf32, #tpu.memory_space<vmem>> -> memref<4x768xf32, #tpu.memory_space<vmem>>
      tpu.wait_dma2 semaphore(%arg12 : memref<!tpu.dma_semaphore, #tpu.memory_space<semaphore_mem>>) src(%dma_wait3A_1141 : memref<4x768xf32, #tpu.memory_space<vmem>>) dst(%dma_wait3A_1137 : memref<4x768xf32, #tpu.memory_space<hbm>>)
      %add3A_1142 = arith.constant 2 : i32
      %add3A_1143 = arith.addi %add3A_589, %add3A_1142 : i32
      %lt3A_1144 = arith.constant 32 : i32
      %lt3A_1145 = arith.cmpi slt, %add3A_1143, %lt3A_1144 : i32
      %convert_element_type3A_1146 = arith.extui %lt3A_1145 : i1 to i32
      %cond3A_1147 = arith.constant 0 : i32
      %cond3A_1148 = arith.cmpi ne, %convert_element_type3A_1146, %cond3A_1147 : i32
      scf.if %cond3A_1148 {
        %add3A_1149 = arith.constant 2 : i32
        %add3A_1150 = arith.addi %add3A_589, %add3A_1149 : i32
        %dma_start3A_1151 = arith.constant 0 : i32
        %dma_start3A_1152 = tpu.memref_slice %arg6[%add3A_1150, %dma_start3A_1151] : memref<32x8xi32, #tpu.memory_space<vmem>> -> memref<1x8xi32, #tpu.memory_space<vmem>>
        %dma_start3A_1153 = tpu.memref_squeeze %dma_start3A_1152 : memref<1x8xi32, #tpu.memory_space<vmem>> -> memref<8xi32, #tpu.memory_space<vmem>>
        %dma_start3A_1154 = arith.constant 0 : i32
        %dma_start3A_1155 = arith.constant 0 : i32
        %dma_start3A_1156 = arith.constant 0 : i32
        %dma_start3A_1157 = tpu.memref_slice %arg2[%dma_start3A_1154, %dma_start3A_1155, %dma_start3A_1156] : memref<1024x8x768xf32, #tpu.memory_space<hbm>> -> memref<1024x8x768xf32, #tpu.memory_space<hbm>>
        tpu.enqueue_indirect_dma source(%dma_start3A_1157 : memref<1024x8x768xf32, #tpu.memory_space<hbm>>) target(%arg8 : memref<8x8x768xf32, #tpu.memory_space<vmem>>) offsets(%dma_start3A_1153 : memref<8xi32, #tpu.memory_space<vmem>>) semaphore(%arg10 : memref<!tpu.dma_semaphore, #tpu.memory_space<semaphore_mem>>)
      } else {
      }
    }
    %scan3A_25 = arith.constant 16 : i32
    return
  }
}

module attributes {stable_mosaic.version = 14 : i64} {
  func.func @_topk_body(%arg0: i32, %arg1: memref<1024x768xf32, #tpu.memory_space<vmem>>, %arg2: memref<1024x768xf32, #tpu.memory_space<vmem>>, %arg3: memref<1024x8xi32, #tpu.memory_space<vmem>>, %arg4: memref<1x1xf32, #tpu.memory_space<smem>>) attributes {dimension_semantics = [#tpu.dimension_semantics<arbitrary>], iteration_bounds = array<i64: 1>, scalar_prefetch = 0 : i64, scratch_operands = 0 : i64, tpu.core_type = #tpu.core_type<tc>, window_params = [{transform_indices = @transform_0, window_bounds = array<i64: 1024, 768>}, {pipeline_mode = #tpu.pipeline_mode<synchronous>, transform_indices = @transform_1, window_bounds = array<i64: 1024, 768>}, {transform_indices = @transform_2, window_bounds = array<i64: 1024, 8>}, {transform_indices = @transform_3, window_bounds = array<i64: 1, 1>}]} {
    %get3A = arith.constant 0 : index
    %get3A_0 = arith.constant 0 : index
    %get3A_1 = vector.load %arg2[%get3A, %get3A_0] : memref<1024x768xf32, #tpu.memory_space<vmem>>, vector<1024x768xf32>
    %mul3A = arith.mulf %get3A_1, %get3A_1 : vector<1024x768xf32>
    %reduce_sum3A = arith.constant dense<0.000000e+00> : vector<1024xf32>
    %reduce_sum3A_2 = vector.multi_reduction <add>, %mul3A, %reduce_sum3A [1] : vector<1024x768xf32> to vector<1024xf32>
    %broadcast_in_dim3A = vector.shape_cast %reduce_sum3A_2 : vector<1024xf32> to vector<1024x1xf32>
    %sqrt3A = math.sqrt %broadcast_in_dim3A : vector<1024x1xf32>
    %max3A = arith.constant 9.99999996E-13 : f32
    %max3A_3 = vector.broadcast %max3A : f32 to vector<1024x1xf32>
    %max3A_4 = arith.maximumf %sqrt3A, %max3A_3 : vector<1024x1xf32>
    %div3A = vector.broadcast %max3A_4 : vector<1024x1xf32> to vector<1024x768xf32>
    %div3A_5 = arith.divf %get3A_1, %div3A : vector<1024x768xf32>
    %get3A_6 = arith.constant 0 : index
    %get3A_7 = arith.constant 0 : index
    %get3A_8 = vector.load %arg1[%get3A_6, %get3A_7] : memref<1024x768xf32, #tpu.memory_space<vmem>>, vector<1024x768xf32>
    %mul3A_9 = arith.mulf %get3A_8, %get3A_8 : vector<1024x768xf32>
    %reduce_sum3A_10 = arith.constant dense<0.000000e+00> : vector<1024xf32>
    %reduce_sum3A_11 = vector.multi_reduction <add>, %mul3A_9, %reduce_sum3A_10 [1] : vector<1024x768xf32> to vector<1024xf32>
    %broadcast_in_dim3A_12 = vector.shape_cast %reduce_sum3A_11 : vector<1024xf32> to vector<1024x1xf32>
    %sqrt3A_13 = math.sqrt %broadcast_in_dim3A_12 : vector<1024x1xf32>
    %max3A_14 = arith.constant 9.99999996E-13 : f32
    %max3A_15 = vector.broadcast %max3A_14 : f32 to vector<1024x1xf32>
    %max3A_16 = arith.maximumf %sqrt3A_13, %max3A_15 : vector<1024x1xf32>
    %div3A_17 = vector.broadcast %max3A_16 : vector<1024x1xf32> to vector<1024x768xf32>
    %div3A_18 = arith.divf %get3A_8, %div3A_17 : vector<1024x768xf32>
    %dot_general3A = arith.constant dense<0.000000e+00> : vector<1024x1024xf32>
    %dot_general3A_19 = tpu.matmul %div3A_18, %div3A_5, %dot_general3A {dimension_numbers = #tpu.dot_dimension_numbers<[1], [1], [0], [0], [0, 0, 1, 0], [], []>, transpose_lhs_hint = false} : vector<1024x768xf32>, vector<1024x768xf32>, vector<1024x1024xf32> -> vector<1024x1024xf32>
    %iota3A = tpu.iota {dimensions = array<i32: 1>} : vector<1024x1024xi32>
    %reduce_max3A = arith.constant dense<0xFF800000> : vector<1024xf32>
    %reduce_max3A_20 = vector.multi_reduction <maximumf>, %dot_general3A_19, %reduce_max3A [1] : vector<1024x1024xf32> to vector<1024xf32>
    %broadcast_in_dim3A_21 = vector.shape_cast %reduce_max3A_20 : vector<1024xf32> to vector<1024x1xf32>
    %eq3A = vector.broadcast %broadcast_in_dim3A_21 : vector<1024x1xf32> to vector<1024x1024xf32>
    %eq3A_22 = arith.cmpf oeq, %dot_general3A_19, %eq3A : vector<1024x1024xf32>
    %jit3A = arith.constant 1024 : i32
    %broadcast_in_dim3A_23 = vector.broadcast %jit3A : i32 to vector<1024x1024xi32>
    %select_n3A = arith.select %eq3A_22, %iota3A, %broadcast_in_dim3A_23 : vector<1024x1024xi1>, vector<1024x1024xi32>
    %reduce_min3A = arith.constant dense<2147483647> : vector<1024xi32>
    %reduce_min3A_24 = vector.multi_reduction <minsi>, %select_n3A, %reduce_min3A [1] : vector<1024x1024xi32> to vector<1024xi32>
    %broadcast_in_dim3A_25 = vector.shape_cast %reduce_min3A_24 : vector<1024xi32> to vector<1024x1xi32>
    %sub3A = arith.constant 1.000000e+00 : f32
    %sub3A_26 = vector.broadcast %sub3A : f32 to vector<1024x1xf32>
    %sub3A_27 = arith.subf %sub3A_26, %broadcast_in_dim3A_21 : vector<1024x1xf32>
    %reduce_sum3A_28 = vector.shape_cast %sub3A_27 : vector<1024x1xf32> to vector<1x1024x1xf32>
    %reduce_sum3A_29 = arith.constant dense<0.000000e+00> : vector<1xf32>
    %reduce_sum3A_30 = vector.multi_reduction <add>, %reduce_sum3A_28, %reduce_sum3A_29 [1, 2] : vector<1x1024x1xf32> to vector<1xf32>
    %reduce_sum3A_31 = vector.shape_cast %reduce_sum3A_30 : vector<1xf32> to vector<1x1x1xf32>
    %reduce_sum3A_32 = vector.extract %reduce_sum3A_31[0, 0, 0] : f32 from vector<1x1x1xf32>
    %add3A = arith.constant 0.000000e+00 : f32
    %add3A_33 = arith.addf %add3A, %reduce_sum3A_32 : f32
    %eq3A_34 = vector.broadcast %broadcast_in_dim3A_25 : vector<1024x1xi32> to vector<1024x1024xi32>
    %eq3A_35 = arith.cmpi eq, %iota3A, %eq3A_34 : vector<1024x1024xi32>
    %jit3A_36 = arith.constant -3.40282347E+38 : f32
    %broadcast_in_dim3A_37 = vector.broadcast %jit3A_36 : f32 to vector<1024x1024xf32>
    %select_n3A_38 = arith.select %eq3A_35, %broadcast_in_dim3A_37, %dot_general3A_19 : vector<1024x1024xi1>, vector<1024x1024xf32>
    %reduce_max3A_39 = arith.constant dense<0xFF800000> : vector<1024xf32>
    %reduce_max3A_40 = vector.multi_reduction <maximumf>, %select_n3A_38, %reduce_max3A_39 [1] : vector<1024x1024xf32> to vector<1024xf32>
    %broadcast_in_dim3A_41 = vector.shape_cast %reduce_max3A_40 : vector<1024xf32> to vector<1024x1xf32>
    %eq3A_42 = vector.broadcast %broadcast_in_dim3A_41 : vector<1024x1xf32> to vector<1024x1024xf32>
    %eq3A_43 = arith.cmpf oeq, %select_n3A_38, %eq3A_42 : vector<1024x1024xf32>
    %jit3A_44 = arith.constant 1024 : i32
    %broadcast_in_dim3A_45 = vector.broadcast %jit3A_44 : i32 to vector<1024x1024xi32>
    %select_n3A_46 = arith.select %eq3A_43, %iota3A, %broadcast_in_dim3A_45 : vector<1024x1024xi1>, vector<1024x1024xi32>
    %reduce_min3A_47 = arith.constant dense<2147483647> : vector<1024xi32>
    %reduce_min3A_48 = vector.multi_reduction <minsi>, %select_n3A_46, %reduce_min3A_47 [1] : vector<1024x1024xi32> to vector<1024xi32>
    %broadcast_in_dim3A_49 = vector.shape_cast %reduce_min3A_48 : vector<1024xi32> to vector<1024x1xi32>
    %sub3A_50 = arith.constant 1.000000e+00 : f32
    %sub3A_51 = vector.broadcast %sub3A_50 : f32 to vector<1024x1xf32>
    %sub3A_52 = arith.subf %sub3A_51, %broadcast_in_dim3A_41 : vector<1024x1xf32>
    %reduce_sum3A_53 = vector.shape_cast %sub3A_52 : vector<1024x1xf32> to vector<1x1024x1xf32>
    %reduce_sum3A_54 = arith.constant dense<0.000000e+00> : vector<1xf32>
    %reduce_sum3A_55 = vector.multi_reduction <add>, %reduce_sum3A_53, %reduce_sum3A_54 [1, 2] : vector<1x1024x1xf32> to vector<1xf32>
    %reduce_sum3A_56 = vector.shape_cast %reduce_sum3A_55 : vector<1xf32> to vector<1x1x1xf32>
    %reduce_sum3A_57 = vector.extract %reduce_sum3A_56[0, 0, 0] : f32 from vector<1x1x1xf32>
    %add3A_58 = arith.addf %add3A_33, %reduce_sum3A_57 : f32
    %eq3A_59 = vector.broadcast %broadcast_in_dim3A_49 : vector<1024x1xi32> to vector<1024x1024xi32>
    %eq3A_60 = arith.cmpi eq, %iota3A, %eq3A_59 : vector<1024x1024xi32>
    %jit3A_61 = arith.constant -3.40282347E+38 : f32
    %broadcast_in_dim3A_62 = vector.broadcast %jit3A_61 : f32 to vector<1024x1024xf32>
    %select_n3A_63 = arith.select %eq3A_60, %broadcast_in_dim3A_62, %select_n3A_38 : vector<1024x1024xi1>, vector<1024x1024xf32>
    %reduce_max3A_64 = arith.constant dense<0xFF800000> : vector<1024xf32>
    %reduce_max3A_65 = vector.multi_reduction <maximumf>, %select_n3A_63, %reduce_max3A_64 [1] : vector<1024x1024xf32> to vector<1024xf32>
    %broadcast_in_dim3A_66 = vector.shape_cast %reduce_max3A_65 : vector<1024xf32> to vector<1024x1xf32>
    %eq3A_67 = vector.broadcast %broadcast_in_dim3A_66 : vector<1024x1xf32> to vector<1024x1024xf32>
    %eq3A_68 = arith.cmpf oeq, %select_n3A_63, %eq3A_67 : vector<1024x1024xf32>
    %jit3A_69 = arith.constant 1024 : i32
    %broadcast_in_dim3A_70 = vector.broadcast %jit3A_69 : i32 to vector<1024x1024xi32>
    %select_n3A_71 = arith.select %eq3A_68, %iota3A, %broadcast_in_dim3A_70 : vector<1024x1024xi1>, vector<1024x1024xi32>
    %reduce_min3A_72 = arith.constant dense<2147483647> : vector<1024xi32>
    %reduce_min3A_73 = vector.multi_reduction <minsi>, %select_n3A_71, %reduce_min3A_72 [1] : vector<1024x1024xi32> to vector<1024xi32>
    %broadcast_in_dim3A_74 = vector.shape_cast %reduce_min3A_73 : vector<1024xi32> to vector<1024x1xi32>
    %sub3A_75 = arith.constant 1.000000e+00 : f32
    %sub3A_76 = vector.broadcast %sub3A_75 : f32 to vector<1024x1xf32>
    %sub3A_77 = arith.subf %sub3A_76, %broadcast_in_dim3A_66 : vector<1024x1xf32>
    %reduce_sum3A_78 = vector.shape_cast %sub3A_77 : vector<1024x1xf32> to vector<1x1024x1xf32>
    %reduce_sum3A_79 = arith.constant dense<0.000000e+00> : vector<1xf32>
    %reduce_sum3A_80 = vector.multi_reduction <add>, %reduce_sum3A_78, %reduce_sum3A_79 [1, 2] : vector<1x1024x1xf32> to vector<1xf32>
    %reduce_sum3A_81 = vector.shape_cast %reduce_sum3A_80 : vector<1xf32> to vector<1x1x1xf32>
    %reduce_sum3A_82 = vector.extract %reduce_sum3A_81[0, 0, 0] : f32 from vector<1x1x1xf32>
    %add3A_83 = arith.addf %add3A_58, %reduce_sum3A_82 : f32
    %eq3A_84 = vector.broadcast %broadcast_in_dim3A_74 : vector<1024x1xi32> to vector<1024x1024xi32>
    %eq3A_85 = arith.cmpi eq, %iota3A, %eq3A_84 : vector<1024x1024xi32>
    %jit3A_86 = arith.constant -3.40282347E+38 : f32
    %broadcast_in_dim3A_87 = vector.broadcast %jit3A_86 : f32 to vector<1024x1024xf32>
    %select_n3A_88 = arith.select %eq3A_85, %broadcast_in_dim3A_87, %select_n3A_63 : vector<1024x1024xi1>, vector<1024x1024xf32>
    %reduce_max3A_89 = arith.constant dense<0xFF800000> : vector<1024xf32>
    %reduce_max3A_90 = vector.multi_reduction <maximumf>, %select_n3A_88, %reduce_max3A_89 [1] : vector<1024x1024xf32> to vector<1024xf32>
    %broadcast_in_dim3A_91 = vector.shape_cast %reduce_max3A_90 : vector<1024xf32> to vector<1024x1xf32>
    %eq3A_92 = vector.broadcast %broadcast_in_dim3A_91 : vector<1024x1xf32> to vector<1024x1024xf32>
    %eq3A_93 = arith.cmpf oeq, %select_n3A_88, %eq3A_92 : vector<1024x1024xf32>
    %jit3A_94 = arith.constant 1024 : i32
    %broadcast_in_dim3A_95 = vector.broadcast %jit3A_94 : i32 to vector<1024x1024xi32>
    %select_n3A_96 = arith.select %eq3A_93, %iota3A, %broadcast_in_dim3A_95 : vector<1024x1024xi1>, vector<1024x1024xi32>
    %reduce_min3A_97 = arith.constant dense<2147483647> : vector<1024xi32>
    %reduce_min3A_98 = vector.multi_reduction <minsi>, %select_n3A_96, %reduce_min3A_97 [1] : vector<1024x1024xi32> to vector<1024xi32>
    %broadcast_in_dim3A_99 = vector.shape_cast %reduce_min3A_98 : vector<1024xi32> to vector<1024x1xi32>
    %sub3A_100 = arith.constant 1.000000e+00 : f32
    %sub3A_101 = vector.broadcast %sub3A_100 : f32 to vector<1024x1xf32>
    %sub3A_102 = arith.subf %sub3A_101, %broadcast_in_dim3A_91 : vector<1024x1xf32>
    %reduce_sum3A_103 = vector.shape_cast %sub3A_102 : vector<1024x1xf32> to vector<1x1024x1xf32>
    %reduce_sum3A_104 = arith.constant dense<0.000000e+00> : vector<1xf32>
    %reduce_sum3A_105 = vector.multi_reduction <add>, %reduce_sum3A_103, %reduce_sum3A_104 [1, 2] : vector<1x1024x1xf32> to vector<1xf32>
    %reduce_sum3A_106 = vector.shape_cast %reduce_sum3A_105 : vector<1xf32> to vector<1x1x1xf32>
    %reduce_sum3A_107 = vector.extract %reduce_sum3A_106[0, 0, 0] : f32 from vector<1x1x1xf32>
    %add3A_108 = arith.addf %add3A_83, %reduce_sum3A_107 : f32
    %eq3A_109 = vector.broadcast %broadcast_in_dim3A_99 : vector<1024x1xi32> to vector<1024x1024xi32>
    %eq3A_110 = arith.cmpi eq, %iota3A, %eq3A_109 : vector<1024x1024xi32>
    %jit3A_111 = arith.constant -3.40282347E+38 : f32
    %broadcast_in_dim3A_112 = vector.broadcast %jit3A_111 : f32 to vector<1024x1024xf32>
    %select_n3A_113 = arith.select %eq3A_110, %broadcast_in_dim3A_112, %select_n3A_88 : vector<1024x1024xi1>, vector<1024x1024xf32>
    %reduce_max3A_114 = arith.constant dense<0xFF800000> : vector<1024xf32>
    %reduce_max3A_115 = vector.multi_reduction <maximumf>, %select_n3A_113, %reduce_max3A_114 [1] : vector<1024x1024xf32> to vector<1024xf32>
    %broadcast_in_dim3A_116 = vector.shape_cast %reduce_max3A_115 : vector<1024xf32> to vector<1024x1xf32>
    %eq3A_117 = vector.broadcast %broadcast_in_dim3A_116 : vector<1024x1xf32> to vector<1024x1024xf32>
    %eq3A_118 = arith.cmpf oeq, %select_n3A_113, %eq3A_117 : vector<1024x1024xf32>
    %jit3A_119 = arith.constant 1024 : i32
    %broadcast_in_dim3A_120 = vector.broadcast %jit3A_119 : i32 to vector<1024x1024xi32>
    %select_n3A_121 = arith.select %eq3A_118, %iota3A, %broadcast_in_dim3A_120 : vector<1024x1024xi1>, vector<1024x1024xi32>
    %reduce_min3A_122 = arith.constant dense<2147483647> : vector<1024xi32>
    %reduce_min3A_123 = vector.multi_reduction <minsi>, %select_n3A_121, %reduce_min3A_122 [1] : vector<1024x1024xi32> to vector<1024xi32>
    %broadcast_in_dim3A_124 = vector.shape_cast %reduce_min3A_123 : vector<1024xi32> to vector<1024x1xi32>
    %sub3A_125 = arith.constant 1.000000e+00 : f32
    %sub3A_126 = vector.broadcast %sub3A_125 : f32 to vector<1024x1xf32>
    %sub3A_127 = arith.subf %sub3A_126, %broadcast_in_dim3A_116 : vector<1024x1xf32>
    %reduce_sum3A_128 = vector.shape_cast %sub3A_127 : vector<1024x1xf32> to vector<1x1024x1xf32>
    %reduce_sum3A_129 = arith.constant dense<0.000000e+00> : vector<1xf32>
    %reduce_sum3A_130 = vector.multi_reduction <add>, %reduce_sum3A_128, %reduce_sum3A_129 [1, 2] : vector<1x1024x1xf32> to vector<1xf32>
    %reduce_sum3A_131 = vector.shape_cast %reduce_sum3A_130 : vector<1xf32> to vector<1x1x1xf32>
    %reduce_sum3A_132 = vector.extract %reduce_sum3A_131[0, 0, 0] : f32 from vector<1x1x1xf32>
    %add3A_133 = arith.addf %add3A_108, %reduce_sum3A_132 : f32
    %eq3A_134 = vector.broadcast %broadcast_in_dim3A_124 : vector<1024x1xi32> to vector<1024x1024xi32>
    %eq3A_135 = arith.cmpi eq, %iota3A, %eq3A_134 : vector<1024x1024xi32>
    %jit3A_136 = arith.constant -3.40282347E+38 : f32
    %broadcast_in_dim3A_137 = vector.broadcast %jit3A_136 : f32 to vector<1024x1024xf32>
    %select_n3A_138 = arith.select %eq3A_135, %broadcast_in_dim3A_137, %select_n3A_113 : vector<1024x1024xi1>, vector<1024x1024xf32>
    %reduce_max3A_139 = arith.constant dense<0xFF800000> : vector<1024xf32>
    %reduce_max3A_140 = vector.multi_reduction <maximumf>, %select_n3A_138, %reduce_max3A_139 [1] : vector<1024x1024xf32> to vector<1024xf32>
    %broadcast_in_dim3A_141 = vector.shape_cast %reduce_max3A_140 : vector<1024xf32> to vector<1024x1xf32>
    %eq3A_142 = vector.broadcast %broadcast_in_dim3A_141 : vector<1024x1xf32> to vector<1024x1024xf32>
    %eq3A_143 = arith.cmpf oeq, %select_n3A_138, %eq3A_142 : vector<1024x1024xf32>
    %jit3A_144 = arith.constant 1024 : i32
    %broadcast_in_dim3A_145 = vector.broadcast %jit3A_144 : i32 to vector<1024x1024xi32>
    %select_n3A_146 = arith.select %eq3A_143, %iota3A, %broadcast_in_dim3A_145 : vector<1024x1024xi1>, vector<1024x1024xi32>
    %reduce_min3A_147 = arith.constant dense<2147483647> : vector<1024xi32>
    %reduce_min3A_148 = vector.multi_reduction <minsi>, %select_n3A_146, %reduce_min3A_147 [1] : vector<1024x1024xi32> to vector<1024xi32>
    %broadcast_in_dim3A_149 = vector.shape_cast %reduce_min3A_148 : vector<1024xi32> to vector<1024x1xi32>
    %sub3A_150 = arith.constant 1.000000e+00 : f32
    %sub3A_151 = vector.broadcast %sub3A_150 : f32 to vector<1024x1xf32>
    %sub3A_152 = arith.subf %sub3A_151, %broadcast_in_dim3A_141 : vector<1024x1xf32>
    %reduce_sum3A_153 = vector.shape_cast %sub3A_152 : vector<1024x1xf32> to vector<1x1024x1xf32>
    %reduce_sum3A_154 = arith.constant dense<0.000000e+00> : vector<1xf32>
    %reduce_sum3A_155 = vector.multi_reduction <add>, %reduce_sum3A_153, %reduce_sum3A_154 [1, 2] : vector<1x1024x1xf32> to vector<1xf32>
    %reduce_sum3A_156 = vector.shape_cast %reduce_sum3A_155 : vector<1xf32> to vector<1x1x1xf32>
    %reduce_sum3A_157 = vector.extract %reduce_sum3A_156[0, 0, 0] : f32 from vector<1x1x1xf32>
    %add3A_158 = arith.addf %add3A_133, %reduce_sum3A_157 : f32
    %eq3A_159 = vector.broadcast %broadcast_in_dim3A_149 : vector<1024x1xi32> to vector<1024x1024xi32>
    %eq3A_160 = arith.cmpi eq, %iota3A, %eq3A_159 : vector<1024x1024xi32>
    %jit3A_161 = arith.constant -3.40282347E+38 : f32
    %broadcast_in_dim3A_162 = vector.broadcast %jit3A_161 : f32 to vector<1024x1024xf32>
    %select_n3A_163 = arith.select %eq3A_160, %broadcast_in_dim3A_162, %select_n3A_138 : vector<1024x1024xi1>, vector<1024x1024xf32>
    %reduce_max3A_164 = arith.constant dense<0xFF800000> : vector<1024xf32>
    %reduce_max3A_165 = vector.multi_reduction <maximumf>, %select_n3A_163, %reduce_max3A_164 [1] : vector<1024x1024xf32> to vector<1024xf32>
    %broadcast_in_dim3A_166 = vector.shape_cast %reduce_max3A_165 : vector<1024xf32> to vector<1024x1xf32>
    %eq3A_167 = vector.broadcast %broadcast_in_dim3A_166 : vector<1024x1xf32> to vector<1024x1024xf32>
    %eq3A_168 = arith.cmpf oeq, %select_n3A_163, %eq3A_167 : vector<1024x1024xf32>
    %jit3A_169 = arith.constant 1024 : i32
    %broadcast_in_dim3A_170 = vector.broadcast %jit3A_169 : i32 to vector<1024x1024xi32>
    %select_n3A_171 = arith.select %eq3A_168, %iota3A, %broadcast_in_dim3A_170 : vector<1024x1024xi1>, vector<1024x1024xi32>
    %reduce_min3A_172 = arith.constant dense<2147483647> : vector<1024xi32>
    %reduce_min3A_173 = vector.multi_reduction <minsi>, %select_n3A_171, %reduce_min3A_172 [1] : vector<1024x1024xi32> to vector<1024xi32>
    %broadcast_in_dim3A_174 = vector.shape_cast %reduce_min3A_173 : vector<1024xi32> to vector<1024x1xi32>
    %sub3A_175 = arith.constant 1.000000e+00 : f32
    %sub3A_176 = vector.broadcast %sub3A_175 : f32 to vector<1024x1xf32>
    %sub3A_177 = arith.subf %sub3A_176, %broadcast_in_dim3A_166 : vector<1024x1xf32>
    %reduce_sum3A_178 = vector.shape_cast %sub3A_177 : vector<1024x1xf32> to vector<1x1024x1xf32>
    %reduce_sum3A_179 = arith.constant dense<0.000000e+00> : vector<1xf32>
    %reduce_sum3A_180 = vector.multi_reduction <add>, %reduce_sum3A_178, %reduce_sum3A_179 [1, 2] : vector<1x1024x1xf32> to vector<1xf32>
    %reduce_sum3A_181 = vector.shape_cast %reduce_sum3A_180 : vector<1xf32> to vector<1x1x1xf32>
    %reduce_sum3A_182 = vector.extract %reduce_sum3A_181[0, 0, 0] : f32 from vector<1x1x1xf32>
    %add3A_183 = arith.addf %add3A_158, %reduce_sum3A_182 : f32
    %eq3A_184 = vector.broadcast %broadcast_in_dim3A_174 : vector<1024x1xi32> to vector<1024x1024xi32>
    %eq3A_185 = arith.cmpi eq, %iota3A, %eq3A_184 : vector<1024x1024xi32>
    %jit3A_186 = arith.constant -3.40282347E+38 : f32
    %broadcast_in_dim3A_187 = vector.broadcast %jit3A_186 : f32 to vector<1024x1024xf32>
    %select_n3A_188 = arith.select %eq3A_185, %broadcast_in_dim3A_187, %select_n3A_163 : vector<1024x1024xi1>, vector<1024x1024xf32>
    %reduce_max3A_189 = arith.constant dense<0xFF800000> : vector<1024xf32>
    %reduce_max3A_190 = vector.multi_reduction <maximumf>, %select_n3A_188, %reduce_max3A_189 [1] : vector<1024x1024xf32> to vector<1024xf32>
    %broadcast_in_dim3A_191 = vector.shape_cast %reduce_max3A_190 : vector<1024xf32> to vector<1024x1xf32>
    %eq3A_192 = vector.broadcast %broadcast_in_dim3A_191 : vector<1024x1xf32> to vector<1024x1024xf32>
    %eq3A_193 = arith.cmpf oeq, %select_n3A_188, %eq3A_192 : vector<1024x1024xf32>
    %jit3A_194 = arith.constant 1024 : i32
    %broadcast_in_dim3A_195 = vector.broadcast %jit3A_194 : i32 to vector<1024x1024xi32>
    %select_n3A_196 = arith.select %eq3A_193, %iota3A, %broadcast_in_dim3A_195 : vector<1024x1024xi1>, vector<1024x1024xi32>
    %reduce_min3A_197 = arith.constant dense<2147483647> : vector<1024xi32>
    %reduce_min3A_198 = vector.multi_reduction <minsi>, %select_n3A_196, %reduce_min3A_197 [1] : vector<1024x1024xi32> to vector<1024xi32>
    %broadcast_in_dim3A_199 = vector.shape_cast %reduce_min3A_198 : vector<1024xi32> to vector<1024x1xi32>
    %sub3A_200 = arith.constant 1.000000e+00 : f32
    %sub3A_201 = vector.broadcast %sub3A_200 : f32 to vector<1024x1xf32>
    %sub3A_202 = arith.subf %sub3A_201, %broadcast_in_dim3A_191 : vector<1024x1xf32>
    %reduce_sum3A_203 = vector.shape_cast %sub3A_202 : vector<1024x1xf32> to vector<1x1024x1xf32>
    %reduce_sum3A_204 = arith.constant dense<0.000000e+00> : vector<1xf32>
    %reduce_sum3A_205 = vector.multi_reduction <add>, %reduce_sum3A_203, %reduce_sum3A_204 [1, 2] : vector<1x1024x1xf32> to vector<1xf32>
    %reduce_sum3A_206 = vector.shape_cast %reduce_sum3A_205 : vector<1xf32> to vector<1x1x1xf32>
    %reduce_sum3A_207 = vector.extract %reduce_sum3A_206[0, 0, 0] : f32 from vector<1x1x1xf32>
    %add3A_208 = arith.addf %add3A_183, %reduce_sum3A_207 : f32
    %concatenate3A = tpu.concatenate %broadcast_in_dim3A_25, %broadcast_in_dim3A_49, %broadcast_in_dim3A_74, %broadcast_in_dim3A_99, %broadcast_in_dim3A_124, %broadcast_in_dim3A_149, %broadcast_in_dim3A_174, %broadcast_in_dim3A_199 in 1 : vector<1024x1xi32>, vector<1024x1xi32>, vector<1024x1xi32>, vector<1024x1xi32>, vector<1024x1xi32>, vector<1024x1xi32>, vector<1024x1xi32>, vector<1024x1xi32> -> vector<1024x8xi32>
    %swap3A = arith.constant 0 : index
    %swap3A_209 = arith.constant 0 : index
    %swap3A_210 = vector.load %arg3[%swap3A, %swap3A_209] : memref<1024x8xi32, #tpu.memory_space<vmem>>, vector<1024x8xi32>
    tpu.vector_store %arg3[%swap3A, %swap3A_209], %concatenate3A {strides = array<i32>} : memref<1024x8xi32, #tpu.memory_space<vmem>>, vector<1024x8xi32>,
    %eq3A_211 = arith.constant 0 : i32
    %eq3A_212 = arith.cmpi eq, %arg0, %eq3A_211 : i32
    %convert_element_type3A = arith.extui %eq3A_212 : i1 to i32
    %cond3A = arith.constant 0 : i32
    %cond3A_213 = arith.cmpi ne, %convert_element_type3A, %cond3A : i32
    scf.if %cond3A_213 {
      %swap3A_223 = arith.constant 0.000000e+00 : f32
      %swap3A_224 = arith.constant 0 : index
      %swap3A_225 = arith.constant 0 : index
      %swap3A_226 = memref.load %arg4[%swap3A_224, %swap3A_225] : memref<1x1xf32, #tpu.memory_space<smem>>
      memref.store %swap3A_223, %arg4[%swap3A_224, %swap3A_225] : memref<1x1xf32, #tpu.memory_space<smem>>
    } else {
    }
    %get3A_214 = arith.constant 0 : index
    %get3A_215 = arith.constant 0 : index
    %get3A_216 = memref.load %arg4[%get3A_214, %get3A_215] : memref<1x1xf32, #tpu.memory_space<smem>>
    %div3A_217 = arith.constant 1.024000e+03 : f32
    %div3A_218 = arith.divf %add3A_208, %div3A_217 : f32
    %add3A_219 = arith.addf %get3A_216, %div3A_218 : f32
    %swap3A_220 = arith.constant 0 : index
    %swap3A_221 = arith.constant 0 : index
    %swap3A_222 = memref.load %arg4[%swap3A_220, %swap3A_221] : memref<1x1xf32, #tpu.memory_space<smem>>
    memref.store %add3A_219, %arg4[%swap3A_220, %swap3A_221] : memref<1x1xf32, #tpu.memory_space<smem>>
    return
  }
  func.func @transform_0(%arg0: i32) -> (i32, i32) {
    %c0_i32 = arith.constant 0 : i32
    %c0_i32_0 = arith.constant 0 : i32
    return %arg0, %c0_i32 : i32, i32
  }
  func.func @transform_1(%arg0: i32) -> (i32, i32) {
    %c0_i32 = arith.constant 0 : i32
    %c0_i32_0 = arith.constant 0 : i32
    %c0_i32_1 = arith.constant 0 : i32
    return %c0_i32, %c0_i32_0 : i32, i32
  }
  func.func @transform_2(%arg0: i32) -> (i32, i32) {
    %c0_i32 = arith.constant 0 : i32
    %c0_i32_0 = arith.constant 0 : i32
    return %arg0, %c0_i32 : i32, i32
  }
  func.func @transform_3(%arg0: i32) -> (i32, i32) {
    %c0_i32 = arith.constant 0 : i32
    %c0_i32_0 = arith.constant 0 : i32
    %c0_i32_1 = arith.constant 0 : i32
    return %c0_i32, %c0_i32_0 : i32, i32
  }
}

</mosaic_0001>

<sc_bundles>
// kernel: kernel.4.cloned.1.call-start
scs
__scs_entry_jumppad:
0x0: {  	(pc) =	sbr.rel $0x88, $3  }
0x1: {  	(tag) =	ssettag $0x0;
	lr =	simm.s32 $0x1  }
0x2: {  	[smem:$0x3F9E] =	sst lr;
	_ =	strace $0xD0000000  }
0x3: {  	_ = 	snop  }
0x4: {  	_ = 	snop  }
0x5: {  	_ = 	snop  }
0x6: {  	_ = 	snop  }
0x7: {  	_ = 	snop  }
__scs_overlays_trampoline_lowered:
0x8: {  	[smem:$0x3FAD] =	sst s0  }
0x9: {  	[smem:$0x3FAE] =	sst s1  }
0xa: {  	[smem:$0x3FAF] =	sst s2  }
0xb: {  	[smem:$0x3FB0] =	sst s3  }
0xc: {  	[smem:$0x3FB1] =	sst s4  }
0xd: {  	[smem:$0x3FB2] =	sst s5  }
0xe: {  	[smem:$0x3FB3] =	sst s6  }
0xf: {  	[smem:$0x3FB4] =	sst s7  }
0x10: {  	[smem:$0x3FB5] =	sst s8  }
0x11: {  	[smem:$0x3FB6] =	sst s9;
	s0 =	simm.s32 @!p0 $0x0  }
0x12: {  	s1 =	sld [smem:$0x3F9C];
	s0 =	simm.s32 @p0 $0x1  }
0x13: {  	[smem:$0x3FB7] =	sst s0;
	s0 =	simm.s32 @!p1 $0x0  }
0x14: {  	s2 =	sld [smem:$0x3F9B];
	s0 =	simm.s32 @p1 $0x1  }
0x15: {  	[smem:$0x3FB8] =	sst s0;
	s0 =	simm.s32 @!p2 $0x0  }
0x16: {  	s3 =	sld [smem:$0x3FDB];
	s0 =	simm.s32 @p2 $0x1  }
0x17: {  	s4 =	simm.s32 $0x1BF5;
	[smem:$0x3FBA] =	sst s0  }
0x18: {  	s0 =	sld [smem:$0x3F9D];
	_ =	swait.ge [sflag:s4], $0x0  }
0x19: {  	s7 =	sld [smem:$0x3F9E]  }
0x1a: {  	s8 =	sadd.s32 $0xFFFFE003, lr  }
0x1b: {  	s9 =	sadd.s32 $0xFFFFFEF7, lr;
	s5 =	simm.s32 $0xFFFFFFFF;
	p2 =	slt.u32 s8, $0xFFFFF086  }
0x1c: {  	p1 =	slt.u32 s9, $0xF7A;
	s5 =	simm.s32 @!p2 $0x0  }
0x1d: {  	s5 =	simm.s32 @p1 $0x1;
	p0 =	seq.s32 s7, s2  }
0x1e: {  	s7 =	smul.u32 @!p0 $0xF7A, s2;
	p2 =	seq.s32 @!p0 s5, $0x0  }
0x1f: {  	s9 =	smul.u32 $0xF7A, s1;
	s8 =	simm.s32 @!p0 $0x1BF5;
	p2 =	por !p2, p0  }
0x20: {  	[sflag:s8] =	ssyncset.s32 @!p0 $0xFFFFF086;
	s6 =	sadd.s32 @!p0 s3, s7;
	s7 =	simm.s32 @!p0 $0x108  }
0x21: {  	s3 =	sadd.s32 s3, s9;
	s6 =	sadd.s32 @!p0 $0x88, s6;
	s7 =	simm.s32 @p2 $0x1082  }
0x22: {  	[simem:s7], [sflag:s8] =	dma.local @!p0 [hbm:s6], $0xF7A  }
0x23: {  	s9 =	sor.u32 $0xD0000000, s2;
	s6 =	simm.s32 $0x108;
	_ =	swait.ge @!p0 [sflag:s8], $0x0  }
0x24: {  	s3 =	sadd.s32 $0x88, s3;
	s6 =	simm.s32 @!p1 $0x1082;
	[sflag:s4] =	ssyncset.s32 $0xFFFFF086  }
0x25: {  	[simem:s6], [sflag:s4] =	dma.local [hbm:s3], $0xF7A  }
0x26: {  	[smem:$0x3F9E] =	sst s1;
	(tag) =	ssettag s2;
	_ =	strace s9  }
0x27: {  	s1 =	sld [smem:$0x3FAE]  }
0x28: {  	s2 =	sld [smem:$0x3FAF]  }
0x29: {  	s4 =	sld [smem:$0x3FB1]  }
0x2a: {  	p0 =	seq.s32 s5, $0x0;
	s5 =	sld [smem:$0x3FB2]  }
0x2b: {  	s6 =	sld [smem:$0x3FB3]  }
0x2c: {  	s7 =	sld [smem:$0x3FB4]  }
0x2d: {  	s3 =	simm.s32 $0x108;
	s8 =	sld [smem:$0x3FB5]  }
0x2e: {  	s3 =	simm.s32 @!p0 $0x1082;
	s9 =	sld [smem:$0x3FB6]  }
0x2f: {  	lr =	sadd.s32 s0, s3;
	s0 =	sld [smem:$0x3FAD]  }
0x30: {  	s3 =	sld [smem:$0x3FB0]  }
0x31: {  	[smem:$0x3FB9] =	sst s10  }
0x32: {  	s10 =	sld [smem:$0x3FB7];
	_ =	sdelay $0x3  }
0x33: {  	p0 =	seq.s32 s10, $0x1;
	s10 =	sld [smem:$0x3FB9];
	_ =	sdelay $0x3  }
0x34: {  	[smem:$0x3FB9] =	sst s10  }
0x35: {  	s10 =	sld [smem:$0x3FB8];
	_ =	sdelay $0x3  }
0x36: {  	p1 =	seq.s32 s10, $0x1;
	s10 =	sld [smem:$0x3FB9];
	_ =	sdelay $0x3  }
0x37: {  	[smem:$0x3FB9] =	sst s10  }
0x38: {  	s10 =	sld [smem:$0x3FBA]  }
0x39: {  	_ = 	snop;
	(pc) =	sbr.ind lr, $3  }
0x3a: {  	_ = 	snop  }
0x3b: {  	_ = 	snop  }
0x3c: {  	p2 =	seq.s32 s10, $0x1;
	s10 =	sld [smem:$0x3FB9]  }
0x3d: {  	_ =	shalt  }
0x3e: {  	_ =	shalt  }
0x3f: {  	_ =	shalt  }
0x40: {  	_ =	shalt  }
0x41: {  	_ =	shalt  }
0x42: {  	_ =	shalt  }
0x43: {  	_ =	shalt  }
0x44: {  	_ =	shalt  }
0x45: {  	_ =	shalt  }
0x46: {  	_ =	shalt  }
0x47: {  	_ =	shalt  }
0x48: {  	_ =	shalt  }
0x49: {  	_ =	shalt  }
0x4a: {  	_ =	shalt  }
0x4b: {  	_ =	shalt  }
0x4c: {  	_ =	shalt  }
0x4d: {  	_ =	shalt  }
0x4e: {  	_ =	shalt  }
0x4f: {  	_ =	shalt  }
0x50: {  	_ =	shalt  }
0x51: {  	_ =	shalt  }
0x52: {  	_ =	shalt  }
0x53: {  	_ =	shalt  }
0x54: {  	_ =	shalt  }
0x55: {  	_ =	shalt  }
0x56: {  	_ =	shalt  }
0x57: {  	_ =	shalt  }
0x58: {  	_ =	shalt  }
0x59: {  	_ =	shalt  }
0x5a: {  	_ =	shalt  }
0x5b: {  	_ =	shalt  }
0x5c: {  	_ =	shalt  }
0x5d: {  	_ =	shalt  }
0x5e: {  	_ =	shalt  }
0x5f: {  	_ =	shalt  }
0x60: {  	_ =	shalt  }
0x61: {  	_ =	shalt  }
0x62: {  	_ =	shalt  }
0x63: {  	_ =	shalt  }
0x64: {  	_ =	shalt  }
0x65: {  	_ =	shalt  }
0x66: {  	_ =	shalt  }
0x67: {  	_ =	shalt  }
0x68: {  	_ =	shalt  }
0x69: {  	_ =	shalt  }
0x6a: {  	_ =	shalt  }
0x6b: {  	_ =	shalt  }
0x6c: {  	_ =	shalt  }
0x6d: {  	_ =	shalt  }
0x6e: {  	_ =	shalt  }
0x6f: {  	_ =	shalt  }
0x70: {  	_ =	shalt  }
0x71: {  	_ =	shalt  }
0x72: {  	_ =	shalt  }
0x73: {  	_ =	shalt  }
0x74: {  	_ =	shalt  }
0x75: {  	_ =	shalt  }
0x76: {  	_ =	shalt  }
0x77: {  	_ =	shalt  }
0x78: {  	_ =	shalt  }
0x79: {  	_ =	shalt  }
0x7a: {  	_ =	shalt  }
0x7b: {  	_ =	shalt  }
0x7c: {  	_ =	shalt  }
0x7d: {  	_ =	shalt  }
0x7e: {  	_ =	shalt  }
0x7f: {  	_ =	shalt  }
0x80: {  	_ =	shalt  }
0x81: {  	_ =	shalt  }
0x82: {  	_ =	shalt  }
0x83: {  	_ =	shalt  }
0x84: {  	_ =	shalt  }
0x85: {  	_ =	shalt  }
0x86: {  	_ =	shalt  }
0x87: {  	_ =	shalt  }
.Lfunc_end0:
.L_simem_size_0:
called_computation_lowered:
.L_overlay_start_0:
0x88: {  	s2 =	sld [smem:$0x3FD9]  }
0x89: {  	s3 =	sld [smem:$0x3FFE];
	_ =	sdelay $0x1  }
0x8a: {  	s1 =	srdreg.scid  }
0x8b: {  	s0 =	sand.u32 $0x1, s1  }
0x8c: {  	s14 =	sshll.u32 s0, $0xA;
	s2 =	sadd.s32 s3, s2  }
0x8d: {  	s2 =	sadd.s32 s2, s14  }
0x8e: {  	[smem:$0x3FC5] =	sst s2  }
0x8f: {  	_ = 	snop  }
0x90: {  	s2 =	sld [smem:$0x3FD0];
	_ =	sdelay $0x2  }
0x91: {  	s4 =	simm.s32 $0xA;
	s5 =	simm.s32 $0x10;
	s15 =	sld [smem:$0x3FC8]  }
0x92: {  	[smem:s5], [sflag:s4] =	dma.local [hbm:s2], $0x1  }
0x93: {  	_ =	swait.eq [sflag:s4], $0x1  }
0x94: {  	[sflag:s4] =	ssyncset.done $0x0  }
0x95: {  	s16 =	sld [smem:$0x10];
	[sflag:s4] =	ssyncadd.s32 $0xFFFFFFFF  }
0x96: {  	s17 =	sld [smem:$0x11];
	(tm) =	ssettm $0x1  }
0x97: {  	s18 =	sld [smem:$0x3FFB];
	_ =	sdelay $0x3  }
0x98: {  	_ =	strace s18  }
0x99: {  	s5 =	sld [smem:$0x3FFC];
	_ =	sdelay $0x3  }
0x9a: {  	_ =	strace s5  }
0x9b: {  	s5 =	sld [smem:$0x3FFD];
	_ =	sdelay $0x3  }
0x9c: {  	_ =	strace s5  }
0x9d: {  	_ =	strace $0x8FFFFFFF  }
0x9e: {  	s19 =	sld [smem:$0x3FDB];
	_ =	sdelay $0x1  }
0x9f: {  	s6 =	simm.s32 $_scs_section_size  }
0xa0: {  	s7 =	simm.s32 $_size__tile_overlayer_lowered;
	s8 =	simm.s32 $_tile_overlayer_lowered  }
0xa1: {  	s22 =	simm.s32 $0x1BFF;
	s21 =	sshll.u32 s8, $0x1;
	s5 =	sadd.s32 s6, s19  }
0xa2: {  	s9 =	simm.s32 $0x0;
	s20 =	sshll.u32 s7, $0x1;
	s7 =	sadd.s32 s21, s5  }
0xa3: {  	[timem:s9], [sflag:s22] =	dma.local [hbm:s7], s20  }
0xa4: {  	_ =	swait.ge [sflag:s22], s20  }
0xa5: {  	s6 =	ssub.s32 $0x0, s20;
	[sflag:s22] =	ssyncset.done $0x0  }
0xa6: {  	[sflag:s22] =	ssyncadd.s32 s6;
	_ =	sdelay $0x1  }
0xa7: {  	s23 =	simm.s32 $0x1B8B  }
0xa8: {  	_ =	swait.ge [sflag:s23], $0x1  }
0xa9: {  	[sflag:s23] =	ssyncset.done $0x0  }
0xaa: {  	s25 =	simm.s32 $0x1B8E;
	s24 =	sld [smem:$0x3FFE];
	[sflag:s23] =	ssyncadd.s32 $0xFFFFFFFF  }
0xab: {  	s26 =	simm.s32 $execute0_lowered;
	[smem:$0x3FD2] =	sst s25  }
0xac: {  	s7 =	sshll.u32 s26, $0x1;
	_ =	strace $0x80000046;
	[dreg:$0x1] =	wrdreg $0xFFFFFFFF  }
0xad: {  	s28 =	simm.s32 $_size_execute0_lowered;
	s5 =	sadd.s32 s5, s7;
	[dreg:$0x0] =	wrdreg $0x0  }
0xae: {  	s7 =	sshll.u32 s28, $0x1;
	[dreg:$0x2] =	wrdreg s5  }
0xaf: {  	[dreg:$0x3] =	wrdreg s7  }
0xb0: {  	[dreg:$0x4] =	wrdreg $0xC0  }
0xb1: {  	_ =	task [dreg:s9], $0x5FFFF  }
0xb2: {  	[dreg:$0x1] =	wrdreg $0xFFFFFFFF  }
0xb3: {  	[dreg:$0x0] =	wrdreg $0x60  }
0xb4: {  	[dreg:$0x2] =	wrdreg s15  }
0xb5: {  	[dreg:$0x3] =	wrdreg s24  }
0xb6: {  	[dreg:$0x4] =	wrdreg s16  }
0xb7: {  	[dreg:$0x5] =	wrdreg s17  }
0xb8: {  	[dreg:$0x6] =	wrdreg $0x9  }
0xb9: {  	_ =	task.clear_ibuf [dreg:s9], $0x7FFFF;
	_ =	strace $0x90000046  }
0xba: {  	s29 =	simm.s32 $0x9;
	_ =	strace $0x80000048  }
0xbb: {  	_ =	swait.ge [sflag:s29], $0x1  }
0xbc: {  	[sflag:s29] =	ssyncadd.s32 $0xFFFFFFFF  }
0xbd: {  	_ =	strace $0x90000048  }
0xbe: {  	_ =	sfence  }
0xbf: {  	s30 =	sld [smem:$0x0];
	_ =	sdelay $0x2  }
0xc0: {  	s31 =	sshll.u32 s1, $0xD;
	s1 =	sshrl.u32 s1, $0x2  }
0xc1: {  	s3 =	sand.u32 $0x4000, s31;
	s1 =	sadd.s32 s1, s30  }
0xc2: {  	s0 =	sor.u32 s3, s0;
	s1 =	sshll.u32 s1, $0x11  }
0xc3: {  	s0 =	sor.u32 s1, s0  }
0xc4: {  	s0 =	sadd.s32 $0x8F2B, s0  }
0xc5: {  	[sflag:s0] =	ssyncadd.remote.s32 $0x1  }
0xc6: {  	_ =	sfence.sel $0xFFFF  }
0xc7: {  	[dreg:$0x0] =	wrdreg $0xFFFFFFFF;
	(pc) =	sbr.abs _section_cstart, $3  }
0xc8: {  	[dreg:$0x1] =	wrdreg $0xFFFFFFFF  }
0xc9: {  	_ =	task.clear_ibuf [dreg:s9], $0x2FFFF;
	_ =	strace $0x9FFFFFFF  }
0xca: {  	(tm) =	ssettm $0x7FFFFFFF  }
0xcb: {  	_ =	shalt  }
tec
execute0_lowered:
.L_overlay_start_1:
0x0: {  	(tag) =	ssettag $0x1  }
0x1: {  	s1 =	rddreg [dreg:$0x0]  }
0x2: {  	s0 =	rddreg [dreg:$0x1]  }
0x3: {  	s2 =	rddreg [dreg:$0x2]  }
0x4: {  	s4 =	rddreg [dreg:$0x3];
	s5 =	srdreg.scid  }
0x5: {  	s8 =	stileid.u32;
	s3 =	simm.s32 $0x0;
	s29 =	simm.s32 $0x18600  }
0x6: {  	s30 =	simm.s32 $0x18A00;
	s31 =	simm.s32 $0x18E00;
	s5 =	sand.u32 $0x1, s5  }
0x7: {  	s6 =	smul.u32 $0x180000, s8;
	[smem:$0x7FF] =	sst s3;
	s8 =	sshll.u32 s8, $0xA  }
0x8: {  	s7 =	smul.u32 $0xC0000, s5;
	s9 =	sshll.u32 s5, $0x9;
	s5 =	ssub.s32 $0x2, s5  }
0x9: {  	_ =	strace $0x80000047;
	s8 =	sor.u32 s9, s8;
	s15 =	sshrl.u32 s5, $0x1  }
0xa: {  	s17 =	sadd.s32 s7, s6;
	s0 =	sadd.s32 s8, s0;
	s5 =	ssub.s32 s5, s15  }
0xb: {  	s7 =	sor.u32 $0x6000, s17;
	s0 =	sadd.s32 $0x1000, s0;
	s5 =	smax.u32 s5, $0x1  }
0xc: {  	s18 =	sor.u32 $0x9000, s17;
	s20 =	sor.u32 $0x9200, s17;
	s22 =	sor.u32 $0xA800, s17  }
0xd: {  	s12 =	sor.u32 $0xAA00, s17;
	s25 =	sshrl.u32 s17, $0x3;
	[dreg:$0x5] =	wrdreg s0  }
0xe: {  	s26 =	sor.u32 $0x4A00, s17;
	s16 =	sshrl.u32 s7, $0x3;
	[dreg:$0x6] =	wrdreg s5  }
0xf: {  	s19 =	sshrl.u32 s18, $0x3;
	s21 =	sshrl.u32 s20, $0x3;
	s23 =	sshrl.u32 s22, $0x3  }
0x10: {  	s24 =	sshrl.u32 s12, $0x3;
	s5 =	sshrl.u32 s26, $0x3;
	s22 =	simm.s32 $0x3  }
0x11: {  	s0 =	simm.s32 $0x4;
	s6 =	sadd.s32 s16, s2;
	s7 =	sadd.s32 s16, s4  }
0x12: {  	s8 =	sadd.s32 s19, s4;
	s9 =	sadd.s32 s19, s2;
	s10 =	sadd.s32 s21, s4  }
0x13: {  	s11 =	sadd.s32 s21, s2;
	s12 =	sadd.s32 s23, s4;
	s13 =	sadd.s32 s23, s2  }
.Ltmp0:
0x14: {  	s14 =	sadd.s32 s24, s4;
	s15 =	sadd.s32 s24, s2;
	(pc) =	sbr.rel .LBB2_1-.Ltmp0, $4  }
0x15: {  	s16 =	sadd.s32 s25, s2;
	s19 =	sor.u32 $0x4800, s17;
	s17 =	sadd.s32 s25, s4  }
0x16: {  	s18 =	sadd.s32 s5, s4;
	s24 =	simm.s32 $0xD000;
	s25 =	simm.s32 $0x1  }
0x17: {  	s23 =	simm.s32 $0x2;
	s28 =	sshrl.u32 s19, $0x3;
	s19 =	sadd.s32 s5, s2  }
0x18: {  	vm0 =	vmmov $0xff;
	v0 =	vlaneseq.u32;
	s20 =	sadd.s32 s28, s4;
	s21 =	sadd.s32 s28, s2;
	s4 =	simm.s32 $0x0  }
.LBB2_4:
0x19: {  	s4 =	rddreg [dreg:$0x7]  }
0x1a: {  	s2 =	rddreg [dreg:$0x6];
	s4 =	sadd.s32 $0x1, s4  }
0x1b: {  	p0 =	sne.s32 s4, s2  }
.Ltmp1:
0x1c: {  	_ = 	snop;
	(pc) =	sbr.rel @!p0 .LBB2_5-.Ltmp1, $1  }
0x1d: {  	_ =	sdelay $0x3  }
.LBB2_1:
0x1e: {  	[dreg:$0x7] =	wrdreg s4  }
0x1f: {  	s2 =	rddreg [dreg:$0x5];
	s26 =	simm.s32 $0x5  }
0x20: {  	[tilespmem:s3], [sflag:$0x5] =	stream.linear.gather [hbm4b:s2+s3], $0x1000, $0x38;
	[tilespmem:$0x19000] =	vst v63  }
0x21: {  	_ =	swait.ge [sflag:s26], $0x1000  }
0x22: {  	[sflag:s26] =	ssyncset.done $0x0  }
0x23: {  	[sflag:s26] =	ssyncadd.s32 $0xFFFFF000  }
0x24: {  	v1 =	vld.msk [tilespmem:$0x0], $0xff;
	_ =	sdelay $0x4  }
0x25: {  	v1 =	vmul.u32 $0x1800, v1;
	_ =	sdelay $0x1  }
0x26: {  	v1 =	vperm.xlane v1, v0;
	_ =	sdelay $0x4  }
0x27: {  	s28 =	simm.s32 $0x1000  }
0x28: {  	[tilespmem:s28], [sflag:$0x1] =	stream.indirect_vreg.gather [hbm4b:s1+s3], $0x1800, v1, vm0, $0x38;
	[tilespmem:$0x19000] =	vst v63  }
0x29: {  	v1 =	vld.msk [tilespmem:$0x80], $0xff;
	_ =	sdelay $0x4  }
0x2a: {  	v1 =	vmul.u32 $0x1800, v1;
	_ =	sdelay $0x1  }
0x2b: {  	v1 =	vperm.xlane v1, v0;
	_ =	sdelay $0x4  }
0x2c: {  	s4 =	simm.s32 $0x0;
	s2 =	simm.s32 $0x180  }
0x2d: {  	[tilespmem:s24], [sflag:$0x2] =	stream.indirect_vreg.gather [hbm4b:s1+s3], $0x1800, v1, vm0, $0x38;
	[tilespmem:$0x19000] =	vst v63  }
.LBB2_2:
0x2e: {  	_ =	swait.ge [sflag:s25], $0xC000  }
0x2f: {  	[sflag:s25] =	ssyncset.done $0x0  }
0x30: {  	s5 =	sadd.s32 s4, s16;
	s26 =	simm.s32 $0x1000;
	[sflag:s25] =	ssyncadd.s32 $0xFFFF4000  }
0x31: {  	[hbm4b:s5+s3] =	stream.linear.scatter [tilespmem:s26], [sflag:$0x3], $0x200, $0x38;
	[tilespmem:$0x19000] =	vst v63  }
0x32: {  	s28 =	simm.s32 $0x1400;
	s26 =	sadd.s32 $0x80, s5  }
0x33: {  	[hbm4b:s26+s3] =	stream.linear.scatter [tilespmem:s28], [sflag:$0x3], $0x200, $0x38;
	[tilespmem:$0x19000] =	vst v63  }
0x34: {  	s26 =	sadd.s32 $0x100, s5;
	s28 =	simm.s32 $0x1800  }
0x35: {  	[hbm4b:s26+s3] =	stream.linear.scatter [tilespmem:s28], [sflag:$0x3], $0x200, $0x38;
	[tilespmem:$0x19000] =	vst v63  }
0x36: {  	s26 =	sadd.s32 $0x180, s5;
	s28 =	simm.s32 $0x1C00  }
0x37: {  	[hbm4b:s26+s3] =	stream.linear.scatter [tilespmem:s28], [sflag:$0x3], $0x200, $0x38;
	[tilespmem:$0x19000] =	vst v63  }
0x38: {  	s26 =	sadd.s32 $0x200, s5;
	s28 =	simm.s32 $0x2000  }
0x39: {  	[hbm4b:s26+s3] =	stream.linear.scatter [tilespmem:s28], [sflag:$0x3], $0x200, $0x38;
	[tilespmem:$0x19000] =	vst v63  }
0x3a: {  	s26 =	sadd.s32 $0x280, s5;
	s28 =	simm.s32 $0x2400  }
0x3b: {  	[hbm4b:s26+s3] =	stream.linear.scatter [tilespmem:s28], [sflag:$0x3], $0x200, $0x38;
	[tilespmem:$0x19000] =	vst v63  }
0x3c: {  	s26 =	sadd.s32 $0x40, s5;
	s28 =	simm.s32 $0x2800  }
0x3d: {  	[hbm4b:s26+s3] =	stream.linear.scatter [tilespmem:s28], [sflag:$0x3], $0x200, $0x38;
	[tilespmem:$0x19000] =	vst v63  }
0x3e: {  	s26 =	sadd.s32 $0xC0, s5;
	s28 =	simm.s32 $0x2C00  }
0x3f: {  	[hbm4b:s26+s3] =	stream.linear.scatter [tilespmem:s28], [sflag:$0x3], $0x200, $0x38;
	[tilespmem:$0x19000] =	vst v63  }
0x40: {  	s26 =	sadd.s32 $0x140, s5;
	s28 =	simm.s32 $0x3000  }
0x41: {  	[hbm4b:s26+s3] =	stream.linear.scatter [tilespmem:s28], [sflag:$0x3], $0x200, $0x38;
	[tilespmem:$0x19000] =	vst v63  }
0x42: {  	s26 =	sadd.s32 $0x1C0, s5;
	s28 =	simm.s32 $0x3400  }
0x43: {  	[hbm4b:s26+s3] =	stream.linear.scatter [tilespmem:s28], [sflag:$0x3], $0x200, $0x38;
	[tilespmem:$0x19000] =	vst v63  }
0x44: {  	s26 =	sadd.s32 $0x240, s5;
	s28 =	simm.s32 $0x3800  }
0x45: {  	[hbm4b:s26+s3] =	stream.linear.scatter [tilespmem:s28], [sflag:$0x3], $0x200, $0x38;
	[tilespmem:$0x19000] =	vst v63  }
0x46: {  	s26 =	sadd.s32 $0x2C0, s5;
	s28 =	simm.s32 $0x3C00  }
0x47: {  	[hbm4b:s26+s3] =	stream.linear.scatter [tilespmem:s28], [sflag:$0x3], $0x200, $0x38;
	[tilespmem:$0x19000] =	vst v63  }
0x48: {  	s26 =	sadd.s32 $0x300, s5;
	s28 =	simm.s32 $0x4000  }
0x49: {  	[hbm4b:s26+s3] =	stream.linear.scatter [tilespmem:s28], [sflag:$0x3], $0x200, $0x38;
	[tilespmem:$0x19000] =	vst v63  }
0x4a: {  	s26 =	sadd.s32 $0x380, s5;
	s28 =	simm.s32 $0x4400  }
0x4b: {  	[hbm4b:s26+s3] =	stream.linear.scatter [tilespmem:s28], [sflag:$0x3], $0x200, $0x38;
	[tilespmem:$0x19000] =	vst v63  }
0x4c: {  	s26 =	sadd.s32 $0x400, s5;
	s28 =	simm.s32 $0x4800  }
0x4d: {  	[hbm4b:s26+s3] =	stream.linear.scatter [tilespmem:s28], [sflag:$0x3], $0x200, $0x38;
	[tilespmem:$0x19000] =	vst v63  }
0x4e: {  	s26 =	sadd.s32 $0x480, s5;
	s28 =	simm.s32 $0x4C00  }
0x4f: {  	[hbm4b:s26+s3] =	stream.linear.scatter [tilespmem:s28], [sflag:$0x3], $0x200, $0x38;
	[tilespmem:$0x19000] =	vst v63  }
0x50: {  	s26 =	sadd.s32 $0x500, s5;
	s28 =	simm.s32 $0x5000  }
0x51: {  	[hbm4b:s26+s3] =	stream.linear.scatter [tilespmem:s28], [sflag:$0x3], $0x200, $0x38;
	[tilespmem:$0x19000] =	vst v63  }
0x52: {  	s26 =	sadd.s32 $0x580, s5;
	s28 =	simm.s32 $0x5400  }
0x53: {  	[hbm4b:s26+s3] =	stream.linear.scatter [tilespmem:s28], [sflag:$0x3], $0x200, $0x38;
	[tilespmem:$0x19000] =	vst v63  }
0x54: {  	s26 =	sadd.s32 $0x340, s5;
	s28 =	simm.s32 $0x5800  }
0x55: {  	[hbm4b:s26+s3] =	stream.linear.scatter [tilespmem:s28], [sflag:$0x3], $0x200, $0x38;
	[tilespmem:$0x19000] =	vst v63  }
0x56: {  	s26 =	sadd.s32 $0x3C0, s5;
	s28 =	simm.s32 $0x5C00  }
0x57: {  	[hbm4b:s26+s3] =	stream.linear.scatter [tilespmem:s28], [sflag:$0x3], $0x200, $0x38;
	[tilespmem:$0x19000] =	vst v63  }
0x58: {  	s26 =	sadd.s32 $0x440, s5;
	s28 =	simm.s32 $0x6000  }
0x59: {  	[hbm4b:s26+s3] =	stream.linear.scatter [tilespmem:s28], [sflag:$0x3], $0x200, $0x38;
	[tilespmem:$0x19000] =	vst v63  }
0x5a: {  	s26 =	sadd.s32 $0x4C0, s5;
	s28 =	simm.s32 $0x6400  }
0x5b: {  	[hbm4b:s26+s3] =	stream.linear.scatter [tilespmem:s28], [sflag:$0x3], $0x200, $0x38;
	[tilespmem:$0x19000] =	vst v63  }
0x5c: {  	s26 =	sadd.s32 $0x540, s5;
	s28 =	simm.s32 $0x6800  }
0x5d: {  	[hbm4b:s26+s3] =	stream.linear.scatter [tilespmem:s28], [sflag:$0x3], $0x200, $0x38;
	[tilespmem:$0x19000] =	vst v63  }
0x5e: {  	s26 =	sadd.s32 $0x5C0, s5;
	s28 =	simm.s32 $0x6C00  }
0x5f: {  	[hbm4b:s26+s3] =	stream.linear.scatter [tilespmem:s28], [sflag:$0x3], $0x200, $0x38;
	[tilespmem:$0x19000] =	vst v63  }
0x60: {  	s26 =	sadd.s32 $0x600, s5;
	s28 =	simm.s32 $0x7000  }
0x61: {  	[hbm4b:s26+s3] =	stream.linear.scatter [tilespmem:s28], [sflag:$0x3], $0x200, $0x38;
	[tilespmem:$0x19000] =	vst v63  }
0x62: {  	s26 =	sadd.s32 $0x680, s5;
	s28 =	simm.s32 $0x7400  }
0x63: {  	[hbm4b:s26+s3] =	stream.linear.scatter [tilespmem:s28], [sflag:$0x3], $0x200, $0x38;
	[tilespmem:$0x19000] =	vst v63  }
0x64: {  	s26 =	sadd.s32 $0x700, s5;
	s28 =	simm.s32 $0x7800  }
0x65: {  	[hbm4b:s26+s3] =	stream.linear.scatter [tilespmem:s28], [sflag:$0x3], $0x200, $0x38;
	[tilespmem:$0x19000] =	vst v63  }
0x66: {  	s26 =	sadd.s32 $0x780, s5;
	s28 =	simm.s32 $0x7C00  }
0x67: {  	[hbm4b:s26+s3] =	stream.linear.scatter [tilespmem:s28], [sflag:$0x3], $0x200, $0x38;
	[tilespmem:$0x19000] =	vst v63  }
0x68: {  	s26 =	sadd.s32 $0x800, s5;
	s28 =	simm.s32 $0x8000  }
0x69: {  	[hbm4b:s26+s3] =	stream.linear.scatter [tilespmem:s28], [sflag:$0x3], $0x200, $0x38;
	[tilespmem:$0x19000] =	vst v63  }
0x6a: {  	s26 =	sadd.s32 $0x880, s5;
	s28 =	simm.s32 $0x8400  }
0x6b: {  	[hbm4b:s26+s3] =	stream.linear.scatter [tilespmem:s28], [sflag:$0x3], $0x200, $0x38;
	[tilespmem:$0x19000] =	vst v63  }
0x6c: {  	s26 =	sadd.s32 $0x640, s5;
	s28 =	simm.s32 $0x8800  }
0x6d: {  	[hbm4b:s26+s3] =	stream.linear.scatter [tilespmem:s28], [sflag:$0x3], $0x200, $0x38;
	[tilespmem:$0x19000] =	vst v63  }
0x6e: {  	s26 =	sadd.s32 $0x6C0, s5;
	s28 =	simm.s32 $0x8C00  }
0x6f: {  	[hbm4b:s26+s3] =	stream.linear.scatter [tilespmem:s28], [sflag:$0x3], $0x200, $0x38;
	[tilespmem:$0x19000] =	vst v63  }
0x70: {  	s26 =	sadd.s32 $0x740, s5;
	s28 =	simm.s32 $0x9000  }
0x71: {  	[hbm4b:s26+s3] =	stream.linear.scatter [tilespmem:s28], [sflag:$0x3], $0x200, $0x38;
	[tilespmem:$0x19000] =	vst v63  }
0x72: {  	s26 =	sadd.s32 $0x7C0, s5;
	s28 =	simm.s32 $0x9400  }
0x73: {  	[hbm4b:s26+s3] =	stream.linear.scatter [tilespmem:s28], [sflag:$0x3], $0x200, $0x38;
	[tilespmem:$0x19000] =	vst v63  }
0x74: {  	s26 =	sadd.s32 $0x840, s5;
	s28 =	simm.s32 $0x9800  }
0x75: {  	[hbm4b:s26+s3] =	stream.linear.scatter [tilespmem:s28], [sflag:$0x3], $0x200, $0x38;
	[tilespmem:$0x19000] =	vst v63  }
0x76: {  	s5 =	sadd.s32 $0x8C0, s5;
	s28 =	simm.s32 $0x9C00  }
0x77: {  	[hbm4b:s5+s3] =	stream.linear.scatter [tilespmem:s28], [sflag:$0x3], $0x200, $0x38;
	[tilespmem:$0x19000] =	vst v63  }
0x78: {  	s5 =	sadd.s32 s4, s21;
	s28 =	simm.s32 $0xA000  }
0x79: {  	[hbm4b:s5+s3] =	stream.linear.scatter [tilespmem:s28], [sflag:$0x3], $0x200, $0x38;
	[tilespmem:$0x19000] =	vst v63  }
0x7a: {  	s26 =	sadd.s32 $0x80, s5;
	s28 =	simm.s32 $0xA400  }
0x7b: {  	[hbm4b:s26+s3] =	stream.linear.scatter [tilespmem:s28], [sflag:$0x3], $0x200, $0x38;
	[tilespmem:$0x19000] =	vst v63  }
0x7c: {  	s26 =	sadd.s32 $0x100, s5;
	s28 =	simm.s32 $0xA800  }
0x7d: {  	[hbm4b:s26+s3] =	stream.linear.scatter [tilespmem:s28], [sflag:$0x3], $0x200, $0x38;
	[tilespmem:$0x19000] =	vst v63  }
0x7e: {  	s26 =	sadd.s32 $0x180, s5;
	s28 =	simm.s32 $0xAC00  }
0x7f: {  	[hbm4b:s26+s3] =	stream.linear.scatter [tilespmem:s28], [sflag:$0x3], $0x200, $0x38;
	[tilespmem:$0x19000] =	vst v63  }
0x80: {  	s26 =	sadd.s32 $0x200, s5;
	s28 =	simm.s32 $0xB000  }
0x81: {  	[hbm4b:s26+s3] =	stream.linear.scatter [tilespmem:s28], [sflag:$0x3], $0x200, $0x38;
	[tilespmem:$0x19000] =	vst v63  }
0x82: {  	s5 =	sadd.s32 $0x280, s5;
	s28 =	simm.s32 $0xB400  }
0x83: {  	[hbm4b:s5+s3] =	stream.linear.scatter [tilespmem:s28], [sflag:$0x3], $0x200, $0x38;
	[tilespmem:$0x19000] =	vst v63  }
0x84: {  	s5 =	sadd.s32 s4, s19;
	s28 =	simm.s32 $0xB800  }
0x85: {  	[hbm4b:s5+s3] =	stream.linear.scatter [tilespmem:s28], [sflag:$0x3], $0x200, $0x38;
	[tilespmem:$0x19000] =	vst v63  }
0x86: {  	s26 =	sadd.s32 $0x80, s5;
	s28 =	simm.s32 $0xBC00  }
0x87: {  	[hbm4b:s26+s3] =	stream.linear.scatter [tilespmem:s28], [sflag:$0x3], $0x200, $0x38;
	[tilespmem:$0x19000] =	vst v63  }
0x88: {  	s26 =	sadd.s32 $0x100, s5;
	s28 =	simm.s32 $0xC000  }
0x89: {  	[hbm4b:s26+s3] =	stream.linear.scatter [tilespmem:s28], [sflag:$0x3], $0x200, $0x38;
	[tilespmem:$0x19000] =	vst v63  }
0x8a: {  	s26 =	sadd.s32 $0x180, s5;
	s28 =	simm.s32 $0xC400  }
0x8b: {  	[hbm4b:s26+s3] =	stream.linear.scatter [tilespmem:s28], [sflag:$0x3], $0x200, $0x38;
	[tilespmem:$0x19000] =	vst v63  }
0x8c: {  	s26 =	sadd.s32 $0x200, s5;
	s28 =	simm.s32 $0xC800  }
0x8d: {  	[hbm4b:s26+s3] =	stream.linear.scatter [tilespmem:s28], [sflag:$0x3], $0x200, $0x38;
	[tilespmem:$0x19000] =	vst v63  }
0x8e: {  	s5 =	sadd.s32 $0x280, s5;
	s28 =	simm.s32 $0xCC00  }
0x8f: {  	[hbm4b:s5+s3] =	stream.linear.scatter [tilespmem:s28], [sflag:$0x3], $0x200, $0x38;
	[tilespmem:$0x19000] =	vst v63  }
0x90: {  	s5 =	sadd.s32 s4, s17;
	s28 =	simm.s32 $0x1200  }
0x91: {  	[hbm4b:s5+s3] =	stream.linear.scatter [tilespmem:s28], [sflag:$0x3], $0x200, $0x38;
	[tilespmem:$0x19000] =	vst v63  }
0x92: {  	s26 =	sadd.s32 $0x80, s5;
	s28 =	simm.s32 $0x1600  }
0x93: {  	[hbm4b:s26+s3] =	stream.linear.scatter [tilespmem:s28], [sflag:$0x3], $0x200, $0x38;
	[tilespmem:$0x19000] =	vst v63  }
0x94: {  	s26 =	sadd.s32 $0x100, s5;
	s28 =	simm.s32 $0x1A00  }
0x95: {  	[hbm4b:s26+s3] =	stream.linear.scatter [tilespmem:s28], [sflag:$0x3], $0x200, $0x38;
	[tilespmem:$0x19000] =	vst v63  }
0x96: {  	s26 =	sadd.s32 $0x180, s5;
	s28 =	simm.s32 $0x1E00  }
0x97: {  	[hbm4b:s26+s3] =	stream.linear.scatter [tilespmem:s28], [sflag:$0x3], $0x200, $0x38;
	[tilespmem:$0x19000] =	vst v63  }
0x98: {  	s26 =	sadd.s32 $0x200, s5;
	s28 =	simm.s32 $0x2200  }
0x99: {  	[hbm4b:s26+s3] =	stream.linear.scatter [tilespmem:s28], [sflag:$0x3], $0x200, $0x38;
	[tilespmem:$0x19000] =	vst v63  }
0x9a: {  	s26 =	sadd.s32 $0x280, s5;
	s28 =	simm.s32 $0x2600  }
0x9b: {  	[hbm4b:s26+s3] =	stream.linear.scatter [tilespmem:s28], [sflag:$0x3], $0x200, $0x38;
	[tilespmem:$0x19000] =	vst v63  }
0x9c: {  	s26 =	sadd.s32 $0x40, s5;
	s28 =	simm.s32 $0x2A00  }
0x9d: {  	[hbm4b:s26+s3] =	stream.linear.scatter [tilespmem:s28], [sflag:$0x3], $0x200, $0x38;
	[tilespmem:$0x19000] =	vst v63  }
0x9e: {  	s26 =	sadd.s32 $0xC0, s5;
	s28 =	simm.s32 $0x2E00  }
0x9f: {  	[hbm4b:s26+s3] =	stream.linear.scatter [tilespmem:s28], [sflag:$0x3], $0x200, $0x38;
	[tilespmem:$0x19000] =	vst v63  }
0xa0: {  	s26 =	sadd.s32 $0x140, s5;
	s28 =	simm.s32 $0x3200  }
0xa1: {  	[hbm4b:s26+s3] =	stream.linear.scatter [tilespmem:s28], [sflag:$0x3], $0x200, $0x38;
	[tilespmem:$0x19000] =	vst v63  }
0xa2: {  	s26 =	sadd.s32 $0x1C0, s5;
	s28 =	simm.s32 $0x3600  }
0xa3: {  	[hbm4b:s26+s3] =	stream.linear.scatter [tilespmem:s28], [sflag:$0x3], $0x200, $0x38;
	[tilespmem:$0x19000] =	vst v63  }
0xa4: {  	s26 =	sadd.s32 $0x240, s5;
	s28 =	simm.s32 $0x3A00  }
0xa5: {  	[hbm4b:s26+s3] =	stream.linear.scatter [tilespmem:s28], [sflag:$0x3], $0x200, $0x38;
	[tilespmem:$0x19000] =	vst v63  }
0xa6: {  	s26 =	sadd.s32 $0x2C0, s5;
	s28 =	simm.s32 $0x3E00  }
0xa7: {  	[hbm4b:s26+s3] =	stream.linear.scatter [tilespmem:s28], [sflag:$0x3], $0x200, $0x38;
	[tilespmem:$0x19000] =	vst v63  }
0xa8: {  	s26 =	sadd.s32 $0x300, s5;
	s28 =	simm.s32 $0x4200  }
0xa9: {  	[hbm4b:s26+s3] =	stream.linear.scatter [tilespmem:s28], [sflag:$0x3], $0x200, $0x38;
	[tilespmem:$0x19000] =	vst v63  }
0xaa: {  	s26 =	sadd.s32 $0x380, s5;
	s28 =	simm.s32 $0x4600  }
0xab: {  	[hbm4b:s26+s3] =	stream.linear.scatter [tilespmem:s28], [sflag:$0x3], $0x200, $0x38;
	[tilespmem:$0x19000] =	vst v63  }
0xac: {  	s26 =	sadd.s32 $0x400, s5;
	s28 =	simm.s32 $0x4A00  }
0xad: {  	[hbm4b:s26+s3] =	stream.linear.scatter [tilespmem:s28], [sflag:$0x3], $0x200, $0x38;
	[tilespmem:$0x19000] =	vst v63  }
0xae: {  	s26 =	sadd.s32 $0x480, s5;
	s28 =	simm.s32 $0x4E00  }
0xaf: {  	[hbm4b:s26+s3] =	stream.linear.scatter [tilespmem:s28], [sflag:$0x3], $0x200, $0x38;
	[tilespmem:$0x19000] =	vst v63  }
0xb0: {  	s26 =	sadd.s32 $0x500, s5;
	s28 =	simm.s32 $0x5200  }
0xb1: {  	[hbm4b:s26+s3] =	stream.linear.scatter [tilespmem:s28], [sflag:$0x3], $0x200, $0x38;
	[tilespmem:$0x19000] =	vst v63  }
0xb2: {  	s26 =	sadd.s32 $0x580, s5;
	s28 =	simm.s32 $0x5600  }
0xb3: {  	[hbm4b:s26+s3] =	stream.linear.scatter [tilespmem:s28], [sflag:$0x3], $0x200, $0x38;
	[tilespmem:$0x19000] =	vst v63  }
0xb4: {  	s26 =	sadd.s32 $0x340, s5;
	s28 =	simm.s32 $0x5A00  }
0xb5: {  	[hbm4b:s26+s3] =	stream.linear.scatter [tilespmem:s28], [sflag:$0x3], $0x200, $0x38;
	[tilespmem:$0x19000] =	vst v63  }
0xb6: {  	s26 =	sadd.s32 $0x3C0, s5;
	s28 =	simm.s32 $0x5E00  }
0xb7: {  	[hbm4b:s26+s3] =	stream.linear.scatter [tilespmem:s28], [sflag:$0x3], $0x200, $0x38;
	[tilespmem:$0x19000] =	vst v63  }
0xb8: {  	s26 =	sadd.s32 $0x440, s5;
	s28 =	simm.s32 $0x6200  }
0xb9: {  	[hbm4b:s26+s3] =	stream.linear.scatter [tilespmem:s28], [sflag:$0x3], $0x200, $0x38;
	[tilespmem:$0x19000] =	vst v63  }
0xba: {  	s26 =	sadd.s32 $0x4C0, s5;
	s28 =	simm.s32 $0x6600  }
0xbb: {  	[hbm4b:s26+s3] =	stream.linear.scatter [tilespmem:s28], [sflag:$0x3], $0x200, $0x38;
	[tilespmem:$0x19000] =	vst v63  }
0xbc: {  	s26 =	sadd.s32 $0x540, s5;
	s28 =	simm.s32 $0x6A00  }
0xbd: {  	[hbm4b:s26+s3] =	stream.linear.scatter [tilespmem:s28], [sflag:$0x3], $0x200, $0x38;
	[tilespmem:$0x19000] =	vst v63  }
0xbe: {  	s26 =	sadd.s32 $0x5C0, s5;
	s28 =	simm.s32 $0x6E00  }
0xbf: {  	[hbm4b:s26+s3] =	stream.linear.scatter [tilespmem:s28], [sflag:$0x3], $0x200, $0x38;
	[tilespmem:$0x19000] =	vst v63  }
0xc0: {  	s26 =	sadd.s32 $0x600, s5;
	s28 =	simm.s32 $0x7200  }
0xc1: {  	[hbm4b:s26+s3] =	stream.linear.scatter [tilespmem:s28], [sflag:$0x3], $0x200, $0x38;
	[tilespmem:$0x19000] =	vst v63  }
0xc2: {  	s26 =	sadd.s32 $0x680, s5;
	s28 =	simm.s32 $0x7600  }
0xc3: {  	[hbm4b:s26+s3] =	stream.linear.scatter [tilespmem:s28], [sflag:$0x3], $0x200, $0x38;
	[tilespmem:$0x19000] =	vst v63  }
0xc4: {  	s26 =	sadd.s32 $0x700, s5;
	s28 =	simm.s32 $0x7A00  }
0xc5: {  	[hbm4b:s26+s3] =	stream.linear.scatter [tilespmem:s28], [sflag:$0x3], $0x200, $0x38;
	[tilespmem:$0x19000] =	vst v63  }
0xc6: {  	s26 =	sadd.s32 $0x780, s5;
	s28 =	simm.s32 $0x7E00  }
0xc7: {  	[hbm4b:s26+s3] =	stream.linear.scatter [tilespmem:s28], [sflag:$0x3], $0x200, $0x38;
	[tilespmem:$0x19000] =	vst v63  }
0xc8: {  	s26 =	sadd.s32 $0x800, s5;
	s28 =	simm.s32 $0x8200  }
0xc9: {  	[hbm4b:s26+s3] =	stream.linear.scatter [tilespmem:s28], [sflag:$0x3], $0x200, $0x38;
	[tilespmem:$0x19000] =	vst v63  }
0xca: {  	s26 =	sadd.s32 $0x880, s5;
	s28 =	simm.s32 $0x8600  }
0xcb: {  	[hbm4b:s26+s3] =	stream.linear.scatter [tilespmem:s28], [sflag:$0x3], $0x200, $0x38;
	[tilespmem:$0x19000] =	vst v63  }
0xcc: {  	s26 =	sadd.s32 $0x640, s5;
	s28 =	simm.s32 $0x8A00  }
0xcd: {  	[hbm4b:s26+s3] =	stream.linear.scatter [tilespmem:s28], [sflag:$0x3], $0x200, $0x38;
	[tilespmem:$0x19000] =	vst v63  }
0xce: {  	s26 =	sadd.s32 $0x6C0, s5;
	s28 =	simm.s32 $0x8E00  }
0xcf: {  	[hbm4b:s26+s3] =	stream.linear.scatter [tilespmem:s28], [sflag:$0x3], $0x200, $0x38;
	[tilespmem:$0x19000] =	vst v63  }
0xd0: {  	s26 =	sadd.s32 $0x740, s5;
	s28 =	simm.s32 $0x9200  }
0xd1: {  	[hbm4b:s26+s3] =	stream.linear.scatter [tilespmem:s28], [sflag:$0x3], $0x200, $0x38;
	[tilespmem:$0x19000] =	vst v63  }
0xd2: {  	s26 =	sadd.s32 $0x7C0, s5;
	s28 =	simm.s32 $0x9600  }
0xd3: {  	[hbm4b:s26+s3] =	stream.linear.scatter [tilespmem:s28], [sflag:$0x3], $0x200, $0x38;
	[tilespmem:$0x19000] =	vst v63  }
0xd4: {  	s26 =	sadd.s32 $0x840, s5;
	s28 =	simm.s32 $0x9A00  }
0xd5: {  	[hbm4b:s26+s3] =	stream.linear.scatter [tilespmem:s28], [sflag:$0x3], $0x200, $0x38;
	[tilespmem:$0x19000] =	vst v63  }
0xd6: {  	s5 =	sadd.s32 $0x8C0, s5;
	s28 =	simm.s32 $0x9E00  }
0xd7: {  	[hbm4b:s5+s3] =	stream.linear.scatter [tilespmem:s28], [sflag:$0x3], $0x200, $0x38;
	[tilespmem:$0x19000] =	vst v63  }
0xd8: {  	s5 =	sadd.s32 s4, s20;
	s28 =	simm.s32 $0xA200  }
0xd9: {  	[hbm4b:s5+s3] =	stream.linear.scatter [tilespmem:s28], [sflag:$0x3], $0x200, $0x38;
	[tilespmem:$0x19000] =	vst v63  }
0xda: {  	s26 =	sadd.s32 $0x80, s5;
	s28 =	simm.s32 $0xA600  }
0xdb: {  	[hbm4b:s26+s3] =	stream.linear.scatter [tilespmem:s28], [sflag:$0x3], $0x200, $0x38;
	[tilespmem:$0x19000] =	vst v63  }
0xdc: {  	s26 =	sadd.s32 $0x100, s5;
	s28 =	simm.s32 $0xAA00  }
0xdd: {  	[hbm4b:s26+s3] =	stream.linear.scatter [tilespmem:s28], [sflag:$0x3], $0x200, $0x38;
	[tilespmem:$0x19000] =	vst v63  }
0xde: {  	s26 =	sadd.s32 $0x180, s5;
	s28 =	simm.s32 $0xAE00  }
0xdf: {  	[hbm4b:s26+s3] =	stream.linear.scatter [tilespmem:s28], [sflag:$0x3], $0x200, $0x38;
	[tilespmem:$0x19000] =	vst v63  }
0xe0: {  	s26 =	sadd.s32 $0x200, s5;
	s28 =	simm.s32 $0xB200  }
0xe1: {  	[hbm4b:s26+s3] =	stream.linear.scatter [tilespmem:s28], [sflag:$0x3], $0x200, $0x38;
	[tilespmem:$0x19000] =	vst v63  }
0xe2: {  	s5 =	sadd.s32 $0x280, s5;
	s28 =	simm.s32 $0xB600  }
0xe3: {  	[hbm4b:s5+s3] =	stream.linear.scatter [tilespmem:s28], [sflag:$0x3], $0x200, $0x38;
	[tilespmem:$0x19000] =	vst v63  }
0xe4: {  	s5 =	sadd.s32 s4, s18;
	s28 =	simm.s32 $0xBA00  }
0xe5: {  	[hbm4b:s5+s3] =	stream.linear.scatter [tilespmem:s28], [sflag:$0x3], $0x200, $0x38;
	[tilespmem:$0x19000] =	vst v63  }
0xe6: {  	s26 =	sadd.s32 $0x80, s5;
	s28 =	simm.s32 $0xBE00  }
0xe7: {  	[hbm4b:s26+s3] =	stream.linear.scatter [tilespmem:s28], [sflag:$0x3], $0x200, $0x38;
	[tilespmem:$0x19000] =	vst v63  }
0xe8: {  	s26 =	sadd.s32 $0x100, s5;
	s28 =	simm.s32 $0xC200  }
0xe9: {  	[hbm4b:s26+s3] =	stream.linear.scatter [tilespmem:s28], [sflag:$0x3], $0x200, $0x38;
	[tilespmem:$0x19000] =	vst v63  }
0xea: {  	s26 =	sadd.s32 $0x180, s5;
	s28 =	simm.s32 $0xC600  }
0xeb: {  	[hbm4b:s26+s3] =	stream.linear.scatter [tilespmem:s28], [sflag:$0x3], $0x200, $0x38;
	[tilespmem:$0x19000] =	vst v63  }
0xec: {  	s26 =	sadd.s32 $0x200, s5;
	s28 =	simm.s32 $0xCA00  }
0xed: {  	[hbm4b:s26+s3] =	stream.linear.scatter [tilespmem:s28], [sflag:$0x3], $0x200, $0x38;
	[tilespmem:$0x19000] =	vst v63  }
0xee: {  	s5 =	sadd.s32 $0x280, s5;
	s28 =	simm.s32 $0xCE00  }
0xef: {  	[hbm4b:s5+s3] =	stream.linear.scatter [tilespmem:s28], [sflag:$0x3], $0x200, $0x38;
	[tilespmem:$0x19000] =	vst v63  }
0xf0: {  	_ =	swait.ge [sflag:s22], $0xC00  }
0xf1: {  	[sflag:s22] =	ssyncset.done $0x0  }
0xf2: {  	[sflag:s22] =	ssyncadd.s32 $0xFFFFF400  }
0xf3: {  	_ =	swait.ge [sflag:s22], $0xC00  }
0xf4: {  	[sflag:s22] =	ssyncset.done $0x0  }
0xf5: {  	[sflag:s22] =	ssyncadd.s32 $0xFFFFF400  }
0xf6: {  	_ =	swait.ge [sflag:s22], $0xC00  }
0xf7: {  	[sflag:s22] =	ssyncset.done $0x0  }
0xf8: {  	[sflag:s22] =	ssyncadd.s32 $0xFFFFF400  }
0xf9: {  	_ =	swait.ge [sflag:s22], $0xC00  }
0xfa: {  	[sflag:s22] =	ssyncset.done $0x0  }
0xfb: {  	[sflag:s22] =	ssyncadd.s32 $0xFFFFF400  }
0xfc: {  	_ =	swait.ge [sflag:s22], $0xC00  }
0xfd: {  	[sflag:s22] =	ssyncset.done $0x0  }
0xfe: {  	[sflag:s22] =	ssyncadd.s32 $0xFFFFF400  }
0xff: {  	_ =	swait.ge [sflag:s22], $0xC00  }
0x100: {  	[sflag:s22] =	ssyncset.done $0x0  }
0x101: {  	[sflag:s22] =	ssyncadd.s32 $0xFFFFF400  }
0x102: {  	_ =	swait.ge [sflag:s22], $0xC00  }
0x103: {  	[sflag:s22] =	ssyncset.done $0x0  }
0x104: {  	[sflag:s22] =	ssyncadd.s32 $0xFFFFF400  }
0x105: {  	_ =	swait.ge [sflag:s22], $0xC00  }
0x106: {  	[sflag:s22] =	ssyncset.done $0x0  }
0x107: {  	[sflag:s22] =	ssyncadd.s32 $0xFFFFF400  }
0x108: {  	_ =	swait.ge [sflag:s22], $0xC00  }
0x109: {  	[sflag:s22] =	ssyncset.done $0x0  }
0x10a: {  	[sflag:s22] =	ssyncadd.s32 $0xFFFFF400  }
0x10b: {  	_ =	swait.ge [sflag:s22], $0xC00  }
0x10c: {  	[sflag:s22] =	ssyncset.done $0x0  }
0x10d: {  	[sflag:s22] =	ssyncadd.s32 $0xFFFFF400  }
0x10e: {  	_ =	swait.ge [sflag:s22], $0xC00  }
0x10f: {  	[sflag:s22] =	ssyncset.done $0x0  }
0x110: {  	[sflag:s22] =	ssyncadd.s32 $0xFFFFF400  }
0x111: {  	_ =	swait.ge [sflag:s22], $0xC00  }
0x112: {  	[sflag:s22] =	ssyncset.done $0x0  }
0x113: {  	[sflag:s22] =	ssyncadd.s32 $0xFFFFF400  }
0x114: {  	_ =	swait.ge [sflag:s22], $0xC00  }
0x115: {  	[sflag:s22] =	ssyncset.done $0x0  }
0x116: {  	[sflag:s22] =	ssyncadd.s32 $0xFFFFF400  }
0x117: {  	_ =	swait.ge [sflag:s22], $0xC00  }
0x118: {  	[sflag:s22] =	ssyncset.done $0x0  }
0x119: {  	[sflag:s22] =	ssyncadd.s32 $0xFFFFF400  }
0x11a: {  	_ =	swait.ge [sflag:s22], $0xC00  }
0x11b: {  	[sflag:s22] =	ssyncset.done $0x0  }
0x11c: {  	[sflag:s22] =	ssyncadd.s32 $0xFFFFF400  }
0x11d: {  	_ =	swait.ge [sflag:s22], $0xC00  }
0x11e: {  	[sflag:s22] =	ssyncset.done $0x0  }
0x11f: {  	p0 =	seq.s32 s4, $0x16800;
	[sflag:s22] =	ssyncadd.s32 $0xFFFFF400  }
0x120: {  	v1 =	vld.msk @!p0 [tilespmem:s2+$0xFFFFFF80], $0xff;
	_ =	sdelay $0x4  }
0x121: {  	v1 =	vmul.u32 @!p0 $0x1800, v1  }
0x122: {  	v2 =	vlaneseq.u32 @!p0  }
0x123: {  	v1 =	vperm.xlane @!p0 v1, v2;
	_ =	sdelay $0x4  }
0x124: {  	vm1 =	vmmov @!p0 $0xff;
	s26 =	simm.s32 @!p0 $0x1000;
	s5 =	simm.s32 @!p0 $0x0  }
0x125: {  	[tilespmem:s26], [sflag:$0x1] =	stream.indirect_vreg.gather @!p0 [hbm4b:s1+s5], $0x1800, v1, vm1, $0x38;
	[tilespmem:$0x19000] =	vst v63  }
0x126: {  	_ =	swait.ge [sflag:s23], $0xC000  }
0x127: {  	[sflag:s23] =	ssyncset.done $0x0  }
0x128: {  	s5 =	sadd.s32 s4, s6;
	[sflag:s23] =	ssyncadd.s32 $0xFFFF4000  }
0x129: {  	[hbm4b:s5+s3] =	stream.linear.scatter [tilespmem:s24], [sflag:$0x4], $0x200, $0x38;
	[tilespmem:$0x19000] =	vst v63  }
0x12a: {  	s28 =	simm.s32 $0xD400;
	s26 =	sadd.s32 $0x80, s5  }
0x12b: {  	[hbm4b:s26+s3] =	stream.linear.scatter [tilespmem:s28], [sflag:$0x4], $0x200, $0x38;
	[tilespmem:$0x19000] =	vst v63  }
0x12c: {  	s26 =	sadd.s32 $0x100, s5;
	s28 =	simm.s32 $0xD800  }
0x12d: {  	[hbm4b:s26+s3] =	stream.linear.scatter [tilespmem:s28], [sflag:$0x4], $0x200, $0x38;
	[tilespmem:$0x19000] =	vst v63  }
0x12e: {  	s26 =	sadd.s32 $0x180, s5;
	s28 =	simm.s32 $0xDC00  }
0x12f: {  	[hbm4b:s26+s3] =	stream.linear.scatter [tilespmem:s28], [sflag:$0x4], $0x200, $0x38;
	[tilespmem:$0x19000] =	vst v63  }
0x130: {  	s26 =	sadd.s32 $0x200, s5;
	s28 =	simm.s32 $0xE000  }
0x131: {  	[hbm4b:s26+s3] =	stream.linear.scatter [tilespmem:s28], [sflag:$0x4], $0x200, $0x38;
	[tilespmem:$0x19000] =	vst v63  }
0x132: {  	s26 =	sadd.s32 $0x280, s5;
	s28 =	simm.s32 $0xE400  }
0x133: {  	[hbm4b:s26+s3] =	stream.linear.scatter [tilespmem:s28], [sflag:$0x4], $0x200, $0x38;
	[tilespmem:$0x19000] =	vst v63  }
0x134: {  	s26 =	sadd.s32 $0x40, s5;
	s28 =	simm.s32 $0xE800  }
0x135: {  	[hbm4b:s26+s3] =	stream.linear.scatter [tilespmem:s28], [sflag:$0x4], $0x200, $0x38;
	[tilespmem:$0x19000] =	vst v63  }
0x136: {  	s26 =	sadd.s32 $0xC0, s5;
	s28 =	simm.s32 $0xEC00  }
0x137: {  	[hbm4b:s26+s3] =	stream.linear.scatter [tilespmem:s28], [sflag:$0x4], $0x200, $0x38;
	[tilespmem:$0x19000] =	vst v63  }
0x138: {  	s26 =	sadd.s32 $0x140, s5;
	s28 =	simm.s32 $0xF000  }
0x139: {  	[hbm4b:s26+s3] =	stream.linear.scatter [tilespmem:s28], [sflag:$0x4], $0x200, $0x38;
	[tilespmem:$0x19000] =	vst v63  }
0x13a: {  	s26 =	sadd.s32 $0x1C0, s5;
	s28 =	simm.s32 $0xF400  }
0x13b: {  	[hbm4b:s26+s3] =	stream.linear.scatter [tilespmem:s28], [sflag:$0x4], $0x200, $0x38;
	[tilespmem:$0x19000] =	vst v63  }
0x13c: {  	s26 =	sadd.s32 $0x240, s5;
	s28 =	simm.s32 $0xF800  }
0x13d: {  	[hbm4b:s26+s3] =	stream.linear.scatter [tilespmem:s28], [sflag:$0x4], $0x200, $0x38;
	[tilespmem:$0x19000] =	vst v63  }
0x13e: {  	s26 =	sadd.s32 $0x2C0, s5;
	s28 =	simm.s32 $0xFC00  }
0x13f: {  	[hbm4b:s26+s3] =	stream.linear.scatter [tilespmem:s28], [sflag:$0x4], $0x200, $0x38;
	[tilespmem:$0x19000] =	vst v63  }
0x140: {  	s26 =	sadd.s32 $0x300, s5;
	s28 =	simm.s32 $0x10000  }
0x141: {  	[hbm4b:s26+s3] =	stream.linear.scatter [tilespmem:s28], [sflag:$0x4], $0x200, $0x38;
	[tilespmem:$0x19000] =	vst v63  }
0x142: {  	s26 =	sadd.s32 $0x380, s5;
	s28 =	simm.s32 $0x10400  }
0x143: {  	[hbm4b:s26+s3] =	stream.linear.scatter [tilespmem:s28], [sflag:$0x4], $0x200, $0x38;
	[tilespmem:$0x19000] =	vst v63  }
0x144: {  	s26 =	sadd.s32 $0x400, s5;
	s28 =	simm.s32 $0x10800  }
0x145: {  	[hbm4b:s26+s3] =	stream.linear.scatter [tilespmem:s28], [sflag:$0x4], $0x200, $0x38;
	[tilespmem:$0x19000] =	vst v63  }
0x146: {  	s26 =	sadd.s32 $0x480, s5;
	s28 =	simm.s32 $0x10C00  }
0x147: {  	[hbm4b:s26+s3] =	stream.linear.scatter [tilespmem:s28], [sflag:$0x4], $0x200, $0x38;
	[tilespmem:$0x19000] =	vst v63  }
0x148: {  	s26 =	sadd.s32 $0x500, s5;
	s28 =	simm.s32 $0x11000  }
0x149: {  	[hbm4b:s26+s3] =	stream.linear.scatter [tilespmem:s28], [sflag:$0x4], $0x200, $0x38;
	[tilespmem:$0x19000] =	vst v63  }
0x14a: {  	s26 =	sadd.s32 $0x580, s5;
	s28 =	simm.s32 $0x11400  }
0x14b: {  	[hbm4b:s26+s3] =	stream.linear.scatter [tilespmem:s28], [sflag:$0x4], $0x200, $0x38;
	[tilespmem:$0x19000] =	vst v63  }
0x14c: {  	s26 =	sadd.s32 $0x340, s5;
	s28 =	simm.s32 $0x11800  }
0x14d: {  	[hbm4b:s26+s3] =	stream.linear.scatter [tilespmem:s28], [sflag:$0x4], $0x200, $0x38;
	[tilespmem:$0x19000] =	vst v63  }
0x14e: {  	s26 =	sadd.s32 $0x3C0, s5;
	s28 =	simm.s32 $0x11C00  }
0x14f: {  	[hbm4b:s26+s3] =	stream.linear.scatter [tilespmem:s28], [sflag:$0x4], $0x200, $0x38;
	[tilespmem:$0x19000] =	vst v63  }
0x150: {  	s26 =	sadd.s32 $0x440, s5;
	s28 =	simm.s32 $0x12000  }
0x151: {  	[hbm4b:s26+s3] =	stream.linear.scatter [tilespmem:s28], [sflag:$0x4], $0x200, $0x38;
	[tilespmem:$0x19000] =	vst v63  }
0x152: {  	s26 =	sadd.s32 $0x4C0, s5;
	s28 =	simm.s32 $0x12400  }
0x153: {  	[hbm4b:s26+s3] =	stream.linear.scatter [tilespmem:s28], [sflag:$0x4], $0x200, $0x38;
	[tilespmem:$0x19000] =	vst v63  }
0x154: {  	s26 =	sadd.s32 $0x540, s5;
	s28 =	simm.s32 $0x12800  }
0x155: {  	[hbm4b:s26+s3] =	stream.linear.scatter [tilespmem:s28], [sflag:$0x4], $0x200, $0x38;
	[tilespmem:$0x19000] =	vst v63  }
0x156: {  	s5 =	sadd.s32 $0x5C0, s5;
	s28 =	simm.s32 $0x12C00  }
0x157: {  	[hbm4b:s5+s3] =	stream.linear.scatter [tilespmem:s28], [sflag:$0x4], $0x200, $0x38;
	[tilespmem:$0x19000] =	vst v63  }
0x158: {  	s5 =	sadd.s32 s4, s9;
	s28 =	simm.s32 $0x13000  }
0x159: {  	[hbm4b:s5+s3] =	stream.linear.scatter [tilespmem:s28], [sflag:$0x4], $0x200, $0x38;
	[tilespmem:$0x19000] =	vst v63  }
0x15a: {  	s26 =	sadd.s32 $0x80, s5;
	s28 =	simm.s32 $0x13400  }
0x15b: {  	[hbm4b:s26+s3] =	stream.linear.scatter [tilespmem:s28], [sflag:$0x4], $0x200, $0x38;
	[tilespmem:$0x19000] =	vst v63  }
0x15c: {  	s26 =	sadd.s32 $0x100, s5;
	s28 =	simm.s32 $0x13800  }
0x15d: {  	[hbm4b:s26+s3] =	stream.linear.scatter [tilespmem:s28], [sflag:$0x4], $0x200, $0x38;
	[tilespmem:$0x19000] =	vst v63  }
0x15e: {  	s26 =	sadd.s32 $0x180, s5;
	s28 =	simm.s32 $0x13C00  }
0x15f: {  	[hbm4b:s26+s3] =	stream.linear.scatter [tilespmem:s28], [sflag:$0x4], $0x200, $0x38;
	[tilespmem:$0x19000] =	vst v63  }
0x160: {  	s26 =	sadd.s32 $0x200, s5;
	s28 =	simm.s32 $0x14000  }
0x161: {  	[hbm4b:s26+s3] =	stream.linear.scatter [tilespmem:s28], [sflag:$0x4], $0x200, $0x38;
	[tilespmem:$0x19000] =	vst v63  }
0x162: {  	s5 =	sadd.s32 $0x280, s5;
	s28 =	simm.s32 $0x14400  }
0x163: {  	[hbm4b:s5+s3] =	stream.linear.scatter [tilespmem:s28], [sflag:$0x4], $0x200, $0x38;
	[tilespmem:$0x19000] =	vst v63  }
0x164: {  	s5 =	sadd.s32 s4, s11;
	s28 =	simm.s32 $0x14800  }
0x165: {  	[hbm4b:s5+s3] =	stream.linear.scatter [tilespmem:s28], [sflag:$0x4], $0x200, $0x38;
	[tilespmem:$0x19000] =	vst v63  }
0x166: {  	s26 =	sadd.s32 $0x80, s5;
	s28 =	simm.s32 $0x14C00  }
0x167: {  	[hbm4b:s26+s3] =	stream.linear.scatter [tilespmem:s28], [sflag:$0x4], $0x200, $0x38;
	[tilespmem:$0x19000] =	vst v63  }
0x168: {  	s26 =	sadd.s32 $0x100, s5;
	s28 =	simm.s32 $0x15000  }
0x169: {  	[hbm4b:s26+s3] =	stream.linear.scatter [tilespmem:s28], [sflag:$0x4], $0x200, $0x38;
	[tilespmem:$0x19000] =	vst v63  }
0x16a: {  	s26 =	sadd.s32 $0x180, s5;
	s28 =	simm.s32 $0x15400  }
0x16b: {  	[hbm4b:s26+s3] =	stream.linear.scatter [tilespmem:s28], [sflag:$0x4], $0x200, $0x38;
	[tilespmem:$0x19000] =	vst v63  }
0x16c: {  	s26 =	sadd.s32 $0x200, s5;
	s28 =	simm.s32 $0x15800  }
0x16d: {  	[hbm4b:s26+s3] =	stream.linear.scatter [tilespmem:s28], [sflag:$0x4], $0x200, $0x38;
	[tilespmem:$0x19000] =	vst v63  }
0x16e: {  	s5 =	sadd.s32 $0x280, s5;
	s28 =	simm.s32 $0x15C00  }
0x16f: {  	[hbm4b:s5+s3] =	stream.linear.scatter [tilespmem:s28], [sflag:$0x4], $0x200, $0x38;
	[tilespmem:$0x19000] =	vst v63  }
0x170: {  	s5 =	sadd.s32 s4, s13;
	s28 =	simm.s32 $0x16000  }
0x171: {  	[hbm4b:s5+s3] =	stream.linear.scatter [tilespmem:s28], [sflag:$0x4], $0x200, $0x38;
	[tilespmem:$0x19000] =	vst v63  }
0x172: {  	s26 =	sadd.s32 $0x80, s5;
	s28 =	simm.s32 $0x16400  }
0x173: {  	[hbm4b:s26+s3] =	stream.linear.scatter [tilespmem:s28], [sflag:$0x4], $0x200, $0x38;
	[tilespmem:$0x19000] =	vst v63  }
0x174: {  	s26 =	sadd.s32 $0x100, s5;
	s28 =	simm.s32 $0x16800  }
0x175: {  	[hbm4b:s26+s3] =	stream.linear.scatter [tilespmem:s28], [sflag:$0x4], $0x200, $0x38;
	[tilespmem:$0x19000] =	vst v63  }
0x176: {  	s26 =	sadd.s32 $0x180, s5;
	s28 =	simm.s32 $0x16C00  }
0x177: {  	[hbm4b:s26+s3] =	stream.linear.scatter [tilespmem:s28], [sflag:$0x4], $0x200, $0x38;
	[tilespmem:$0x19000] =	vst v63  }
0x178: {  	s26 =	sadd.s32 $0x200, s5;
	s28 =	simm.s32 $0x17000  }
0x179: {  	[hbm4b:s26+s3] =	stream.linear.scatter [tilespmem:s28], [sflag:$0x4], $0x200, $0x38;
	[tilespmem:$0x19000] =	vst v63  }
0x17a: {  	s5 =	sadd.s32 $0x280, s5;
	s28 =	simm.s32 $0x17400  }
0x17b: {  	[hbm4b:s5+s3] =	stream.linear.scatter [tilespmem:s28], [sflag:$0x4], $0x200, $0x38;
	[tilespmem:$0x19000] =	vst v63  }
0x17c: {  	s5 =	sadd.s32 s4, s15;
	s28 =	simm.s32 $0x17800  }
0x17d: {  	[hbm4b:s5+s3] =	stream.linear.scatter [tilespmem:s28], [sflag:$0x4], $0x200, $0x38;
	[tilespmem:$0x19000] =	vst v63  }
0x17e: {  	s26 =	sadd.s32 $0x80, s5;
	s28 =	simm.s32 $0x17C00  }
0x17f: {  	[hbm4b:s26+s3] =	stream.linear.scatter [tilespmem:s28], [sflag:$0x4], $0x200, $0x38;
	[tilespmem:$0x19000] =	vst v63  }
0x180: {  	s26 =	sadd.s32 $0x100, s5;
	s28 =	simm.s32 $0x18000  }
0x181: {  	[hbm4b:s26+s3] =	stream.linear.scatter [tilespmem:s28], [sflag:$0x4], $0x200, $0x38;
	[tilespmem:$0x19000] =	vst v63  }
0x182: {  	s26 =	sadd.s32 $0x180, s5;
	s28 =	simm.s32 $0x18400  }
0x183: {  	[hbm4b:s26+s3] =	stream.linear.scatter [tilespmem:s28], [sflag:$0x4], $0x200, $0x38;
	[tilespmem:$0x19000] =	vst v63  }
0x184: {  	s26 =	sadd.s32 $0x200, s5;
	s28 =	simm.s32 $0x18800  }
0x185: {  	[hbm4b:s26+s3] =	stream.linear.scatter [tilespmem:s28], [sflag:$0x4], $0x200, $0x38;
	[tilespmem:$0x19000] =	vst v63  }
0x186: {  	s5 =	sadd.s32 $0x280, s5;
	s28 =	simm.s32 $0x18C00  }
0x187: {  	[hbm4b:s5+s3] =	stream.linear.scatter [tilespmem:s28], [sflag:$0x4], $0x200, $0x38;
	[tilespmem:$0x19000] =	vst v63  }
0x188: {  	s5 =	sadd.s32 s4, s7;
	s28 =	simm.s32 $0xD200  }
0x189: {  	[hbm4b:s5+s3] =	stream.linear.scatter [tilespmem:s28], [sflag:$0x4], $0x200, $0x38;
	[tilespmem:$0x19000] =	vst v63  }
0x18a: {  	s26 =	sadd.s32 $0x80, s5;
	s28 =	simm.s32 $0xD600  }
0x18b: {  	[hbm4b:s26+s3] =	stream.linear.scatter [tilespmem:s28], [sflag:$0x4], $0x200, $0x38;
	[tilespmem:$0x19000] =	vst v63  }
0x18c: {  	s26 =	sadd.s32 $0x100, s5;
	s28 =	simm.s32 $0xDA00  }
0x18d: {  	[hbm4b:s26+s3] =	stream.linear.scatter [tilespmem:s28], [sflag:$0x4], $0x200, $0x38;
	[tilespmem:$0x19000] =	vst v63  }
0x18e: {  	s26 =	sadd.s32 $0x180, s5;
	s28 =	simm.s32 $0xDE00  }
0x18f: {  	[hbm4b:s26+s3] =	stream.linear.scatter [tilespmem:s28], [sflag:$0x4], $0x200, $0x38;
	[tilespmem:$0x19000] =	vst v63  }
0x190: {  	s26 =	sadd.s32 $0x200, s5;
	s28 =	simm.s32 $0xE200  }
0x191: {  	[hbm4b:s26+s3] =	stream.linear.scatter [tilespmem:s28], [sflag:$0x4], $0x200, $0x38;
	[tilespmem:$0x19000] =	vst v63  }
0x192: {  	s26 =	sadd.s32 $0x280, s5;
	s28 =	simm.s32 $0xE600  }
0x193: {  	[hbm4b:s26+s3] =	stream.linear.scatter [tilespmem:s28], [sflag:$0x4], $0x200, $0x38;
	[tilespmem:$0x19000] =	vst v63  }
0x194: {  	s26 =	sadd.s32 $0x40, s5;
	s28 =	simm.s32 $0xEA00  }
0x195: {  	[hbm4b:s26+s3] =	stream.linear.scatter [tilespmem:s28], [sflag:$0x4], $0x200, $0x38;
	[tilespmem:$0x19000] =	vst v63  }
0x196: {  	s26 =	sadd.s32 $0xC0, s5;
	s28 =	simm.s32 $0xEE00  }
0x197: {  	[hbm4b:s26+s3] =	stream.linear.scatter [tilespmem:s28], [sflag:$0x4], $0x200, $0x38;
	[tilespmem:$0x19000] =	vst v63  }
0x198: {  	s26 =	sadd.s32 $0x140, s5;
	s28 =	simm.s32 $0xF200  }
0x199: {  	[hbm4b:s26+s3] =	stream.linear.scatter [tilespmem:s28], [sflag:$0x4], $0x200, $0x38;
	[tilespmem:$0x19000] =	vst v63  }
0x19a: {  	s26 =	sadd.s32 $0x1C0, s5;
	s28 =	simm.s32 $0xF600  }
0x19b: {  	[hbm4b:s26+s3] =	stream.linear.scatter [tilespmem:s28], [sflag:$0x4], $0x200, $0x38;
	[tilespmem:$0x19000] =	vst v63  }
0x19c: {  	s26 =	sadd.s32 $0x240, s5;
	s28 =	simm.s32 $0xFA00  }
0x19d: {  	[hbm4b:s26+s3] =	stream.linear.scatter [tilespmem:s28], [sflag:$0x4], $0x200, $0x38;
	[tilespmem:$0x19000] =	vst v63  }
0x19e: {  	s26 =	sadd.s32 $0x2C0, s5;
	s28 =	simm.s32 $0xFE00  }
0x19f: {  	[hbm4b:s26+s3] =	stream.linear.scatter [tilespmem:s28], [sflag:$0x4], $0x200, $0x38;
	[tilespmem:$0x19000] =	vst v63  }
0x1a0: {  	s26 =	sadd.s32 $0x300, s5;
	s28 =	simm.s32 $0x10200  }
0x1a1: {  	[hbm4b:s26+s3] =	stream.linear.scatter [tilespmem:s28], [sflag:$0x4], $0x200, $0x38;
	[tilespmem:$0x19000] =	vst v63  }
0x1a2: {  	s26 =	sadd.s32 $0x380, s5;
	s28 =	simm.s32 $0x10600  }
0x1a3: {  	[hbm4b:s26+s3] =	stream.linear.scatter [tilespmem:s28], [sflag:$0x4], $0x200, $0x38;
	[tilespmem:$0x19000] =	vst v63  }
0x1a4: {  	s26 =	sadd.s32 $0x400, s5;
	s28 =	simm.s32 $0x10A00  }
0x1a5: {  	[hbm4b:s26+s3] =	stream.linear.scatter [tilespmem:s28], [sflag:$0x4], $0x200, $0x38;
	[tilespmem:$0x19000] =	vst v63  }
0x1a6: {  	s26 =	sadd.s32 $0x480, s5;
	s28 =	simm.s32 $0x10E00  }
0x1a7: {  	[hbm4b:s26+s3] =	stream.linear.scatter [tilespmem:s28], [sflag:$0x4], $0x200, $0x38;
	[tilespmem:$0x19000] =	vst v63  }
0x1a8: {  	s26 =	sadd.s32 $0x500, s5;
	s28 =	simm.s32 $0x11200  }
0x1a9: {  	[hbm4b:s26+s3] =	stream.linear.scatter [tilespmem:s28], [sflag:$0x4], $0x200, $0x38;
	[tilespmem:$0x19000] =	vst v63  }
0x1aa: {  	s26 =	sadd.s32 $0x580, s5;
	s28 =	simm.s32 $0x11600  }
0x1ab: {  	[hbm4b:s26+s3] =	stream.linear.scatter [tilespmem:s28], [sflag:$0x4], $0x200, $0x38;
	[tilespmem:$0x19000] =	vst v63  }
0x1ac: {  	s26 =	sadd.s32 $0x340, s5;
	s28 =	simm.s32 $0x11A00  }
0x1ad: {  	[hbm4b:s26+s3] =	stream.linear.scatter [tilespmem:s28], [sflag:$0x4], $0x200, $0x38;
	[tilespmem:$0x19000] =	vst v63  }
0x1ae: {  	s26 =	sadd.s32 $0x3C0, s5;
	s28 =	simm.s32 $0x11E00  }
0x1af: {  	[hbm4b:s26+s3] =	stream.linear.scatter [tilespmem:s28], [sflag:$0x4], $0x200, $0x38;
	[tilespmem:$0x19000] =	vst v63  }
0x1b0: {  	s26 =	sadd.s32 $0x440, s5;
	s28 =	simm.s32 $0x12200  }
0x1b1: {  	[hbm4b:s26+s3] =	stream.linear.scatter [tilespmem:s28], [sflag:$0x4], $0x200, $0x38;
	[tilespmem:$0x19000] =	vst v63  }
0x1b2: {  	s26 =	sadd.s32 $0x4C0, s5;
	s28 =	simm.s32 $0x12600  }
0x1b3: {  	[hbm4b:s26+s3] =	stream.linear.scatter [tilespmem:s28], [sflag:$0x4], $0x200, $0x38;
	[tilespmem:$0x19000] =	vst v63  }
0x1b4: {  	s26 =	sadd.s32 $0x540, s5;
	s28 =	simm.s32 $0x12A00  }
0x1b5: {  	[hbm4b:s26+s3] =	stream.linear.scatter [tilespmem:s28], [sflag:$0x4], $0x200, $0x38;
	[tilespmem:$0x19000] =	vst v63  }
0x1b6: {  	s5 =	sadd.s32 $0x5C0, s5;
	s28 =	simm.s32 $0x12E00  }
0x1b7: {  	[hbm4b:s5+s3] =	stream.linear.scatter [tilespmem:s28], [sflag:$0x4], $0x200, $0x38;
	[tilespmem:$0x19000] =	vst v63  }
0x1b8: {  	s5 =	sadd.s32 s4, s8;
	s28 =	simm.s32 $0x13200  }
0x1b9: {  	[hbm4b:s5+s3] =	stream.linear.scatter [tilespmem:s28], [sflag:$0x4], $0x200, $0x38;
	[tilespmem:$0x19000] =	vst v63  }
0x1ba: {  	s26 =	sadd.s32 $0x80, s5;
	s28 =	simm.s32 $0x13600  }
0x1bb: {  	[hbm4b:s26+s3] =	stream.linear.scatter [tilespmem:s28], [sflag:$0x4], $0x200, $0x38;
	[tilespmem:$0x19000] =	vst v63  }
0x1bc: {  	s26 =	sadd.s32 $0x100, s5;
	s28 =	simm.s32 $0x13A00  }
0x1bd: {  	[hbm4b:s26+s3] =	stream.linear.scatter [tilespmem:s28], [sflag:$0x4], $0x200, $0x38;
	[tilespmem:$0x19000] =	vst v63  }
0x1be: {  	s26 =	sadd.s32 $0x180, s5;
	s28 =	simm.s32 $0x13E00  }
0x1bf: {  	[hbm4b:s26+s3] =	stream.linear.scatter [tilespmem:s28], [sflag:$0x4], $0x200, $0x38;
	[tilespmem:$0x19000] =	vst v63  }
0x1c0: {  	s26 =	sadd.s32 $0x200, s5;
	s28 =	simm.s32 $0x14200  }
0x1c1: {  	[hbm4b:s26+s3] =	stream.linear.scatter [tilespmem:s28], [sflag:$0x4], $0x200, $0x38;
	[tilespmem:$0x19000] =	vst v63  }
0x1c2: {  	s5 =	sadd.s32 $0x280, s5;
	s28 =	simm.s32 $0x14600  }
0x1c3: {  	[hbm4b:s5+s3] =	stream.linear.scatter [tilespmem:s28], [sflag:$0x4], $0x200, $0x38;
	[tilespmem:$0x19000] =	vst v63  }
0x1c4: {  	s5 =	sadd.s32 s4, s10;
	s28 =	simm.s32 $0x14A00  }
0x1c5: {  	[hbm4b:s5+s3] =	stream.linear.scatter [tilespmem:s28], [sflag:$0x4], $0x200, $0x38;
	[tilespmem:$0x19000] =	vst v63  }
0x1c6: {  	s26 =	sadd.s32 $0x80, s5;
	s28 =	simm.s32 $0x14E00  }
0x1c7: {  	[hbm4b:s26+s3] =	stream.linear.scatter [tilespmem:s28], [sflag:$0x4], $0x200, $0x38;
	[tilespmem:$0x19000] =	vst v63  }
0x1c8: {  	s26 =	sadd.s32 $0x100, s5;
	s28 =	simm.s32 $0x15200  }
0x1c9: {  	[hbm4b:s26+s3] =	stream.linear.scatter [tilespmem:s28], [sflag:$0x4], $0x200, $0x38;
	[tilespmem:$0x19000] =	vst v63  }
0x1ca: {  	s26 =	sadd.s32 $0x180, s5;
	s28 =	simm.s32 $0x15600  }
0x1cb: {  	[hbm4b:s26+s3] =	stream.linear.scatter [tilespmem:s28], [sflag:$0x4], $0x200, $0x38;
	[tilespmem:$0x19000] =	vst v63  }
0x1cc: {  	s26 =	sadd.s32 $0x200, s5;
	s28 =	simm.s32 $0x15A00  }
0x1cd: {  	[hbm4b:s26+s3] =	stream.linear.scatter [tilespmem:s28], [sflag:$0x4], $0x200, $0x38;
	[tilespmem:$0x19000] =	vst v63  }
0x1ce: {  	s5 =	sadd.s32 $0x280, s5;
	s28 =	simm.s32 $0x15E00  }
0x1cf: {  	[hbm4b:s5+s3] =	stream.linear.scatter [tilespmem:s28], [sflag:$0x4], $0x200, $0x38;
	[tilespmem:$0x19000] =	vst v63  }
0x1d0: {  	s5 =	sadd.s32 s4, s12;
	s28 =	simm.s32 $0x16200  }
0x1d1: {  	[hbm4b:s5+s3] =	stream.linear.scatter [tilespmem:s28], [sflag:$0x4], $0x200, $0x38;
	[tilespmem:$0x19000] =	vst v63  }
0x1d2: {  	s26 =	sadd.s32 $0x80, s5;
	s28 =	simm.s32 $0x16600  }
0x1d3: {  	[hbm4b:s26+s3] =	stream.linear.scatter [tilespmem:s28], [sflag:$0x4], $0x200, $0x38;
	[tilespmem:$0x19000] =	vst v63  }
0x1d4: {  	s26 =	sadd.s32 $0x100, s5;
	s28 =	simm.s32 $0x16A00  }
0x1d5: {  	[hbm4b:s26+s3] =	stream.linear.scatter [tilespmem:s28], [sflag:$0x4], $0x200, $0x38;
	[tilespmem:$0x19000] =	vst v63  }
0x1d6: {  	s26 =	sadd.s32 $0x180, s5;
	s28 =	simm.s32 $0x16E00  }
0x1d7: {  	[hbm4b:s26+s3] =	stream.linear.scatter [tilespmem:s28], [sflag:$0x4], $0x200, $0x38;
	[tilespmem:$0x19000] =	vst v63  }
0x1d8: {  	s26 =	sadd.s32 $0x200, s5;
	s28 =	simm.s32 $0x17200  }
0x1d9: {  	[hbm4b:s26+s3] =	stream.linear.scatter [tilespmem:s28], [sflag:$0x4], $0x200, $0x38;
	[tilespmem:$0x19000] =	vst v63  }
0x1da: {  	s5 =	sadd.s32 $0x280, s5;
	s28 =	simm.s32 $0x17600  }
0x1db: {  	[hbm4b:s5+s3] =	stream.linear.scatter [tilespmem:s28], [sflag:$0x4], $0x200, $0x38;
	[tilespmem:$0x19000] =	vst v63  }
0x1dc: {  	s5 =	sadd.s32 s4, s14;
	s28 =	simm.s32 $0x17A00  }
0x1dd: {  	[hbm4b:s5+s3] =	stream.linear.scatter [tilespmem:s28], [sflag:$0x4], $0x200, $0x38;
	[tilespmem:$0x19000] =	vst v63  }
0x1de: {  	s26 =	sadd.s32 $0x80, s5;
	s28 =	simm.s32 $0x17E00  }
0x1df: {  	[hbm4b:s26+s3] =	stream.linear.scatter [tilespmem:s28], [sflag:$0x4], $0x200, $0x38;
	[tilespmem:$0x19000] =	vst v63  }
0x1e0: {  	s26 =	sadd.s32 $0x100, s5;
	s28 =	simm.s32 $0x18200  }
0x1e1: {  	[hbm4b:s26+s3] =	stream.linear.scatter [tilespmem:s28], [sflag:$0x4], $0x200, $0x38;
	[tilespmem:$0x19000] =	vst v63  }
0x1e2: {  	s28 =	sadd.s32 $0x180, s5  }
0x1e3: {  	[hbm4b:s28+s3] =	stream.linear.scatter [tilespmem:s29], [sflag:$0x4], $0x200, $0x38;
	[tilespmem:$0x19000] =	vst v63  }
0x1e4: {  	s28 =	sadd.s32 $0x200, s5  }
0x1e5: {  	[hbm4b:s28+s3] =	stream.linear.scatter [tilespmem:s30], [sflag:$0x4], $0x200, $0x38;
	[tilespmem:$0x19000] =	vst v63  }
0x1e6: {  	s5 =	sadd.s32 $0x280, s5  }
0x1e7: {  	[hbm4b:s5+s3] =	stream.linear.scatter [tilespmem:s31], [sflag:$0x4], $0x200, $0x38;
	[tilespmem:$0x19000] =	vst v63  }
0x1e8: {  	_ =	swait.ge [sflag:s0], $0xC00  }
0x1e9: {  	[sflag:s0] =	ssyncset.done $0x0  }
0x1ea: {  	[sflag:s0] =	ssyncadd.s32 $0xFFFFF400  }
0x1eb: {  	_ =	swait.ge [sflag:s0], $0xC00  }
0x1ec: {  	[sflag:s0] =	ssyncset.done $0x0  }
0x1ed: {  	[sflag:s0] =	ssyncadd.s32 $0xFFFFF400  }
0x1ee: {  	_ =	swait.ge [sflag:s0], $0xC00  }
0x1ef: {  	[sflag:s0] =	ssyncset.done $0x0  }
0x1f0: {  	[sflag:s0] =	ssyncadd.s32 $0xFFFFF400  }
0x1f1: {  	_ =	swait.ge [sflag:s0], $0xC00  }
0x1f2: {  	[sflag:s0] =	ssyncset.done $0x0  }
0x1f3: {  	[sflag:s0] =	ssyncadd.s32 $0xFFFFF400  }
0x1f4: {  	_ =	swait.ge [sflag:s0], $0xC00  }
0x1f5: {  	[sflag:s0] =	ssyncset.done $0x0  }
0x1f6: {  	[sflag:s0] =	ssyncadd.s32 $0xFFFFF400  }
0x1f7: {  	_ =	swait.ge [sflag:s0], $0xC00  }
0x1f8: {  	[sflag:s0] =	ssyncset.done $0x0  }
0x1f9: {  	[sflag:s0] =	ssyncadd.s32 $0xFFFFF400  }
0x1fa: {  	_ =	swait.ge [sflag:s0], $0xC00  }
0x1fb: {  	[sflag:s0] =	ssyncset.done $0x0  }
0x1fc: {  	[sflag:s0] =	ssyncadd.s32 $0xFFFFF400  }
0x1fd: {  	_ =	swait.ge [sflag:s0], $0xC00  }
0x1fe: {  	[sflag:s0] =	ssyncset.done $0x0  }
0x1ff: {  	[sflag:s0] =	ssyncadd.s32 $0xFFFFF400  }
0x200: {  	_ =	swait.ge [sflag:s0], $0xC00  }
0x201: {  	[sflag:s0] =	ssyncset.done $0x0  }
0x202: {  	[sflag:s0] =	ssyncadd.s32 $0xFFFFF400  }
0x203: {  	_ =	swait.ge [sflag:s0], $0xC00  }
0x204: {  	[sflag:s0] =	ssyncset.done $0x0  }
0x205: {  	[sflag:s0] =	ssyncadd.s32 $0xFFFFF400  }
0x206: {  	_ =	swait.ge [sflag:s0], $0xC00  }
0x207: {  	[sflag:s0] =	ssyncset.done $0x0  }
0x208: {  	[sflag:s0] =	ssyncadd.s32 $0xFFFFF400  }
0x209: {  	_ =	swait.ge [sflag:s0], $0xC00  }
0x20a: {  	[sflag:s0] =	ssyncset.done $0x0  }
0x20b: {  	[sflag:s0] =	ssyncadd.s32 $0xFFFFF400  }
0x20c: {  	_ =	swait.ge [sflag:s0], $0xC00  }
0x20d: {  	[sflag:s0] =	ssyncset.done $0x0  }
0x20e: {  	[sflag:s0] =	ssyncadd.s32 $0xFFFFF400  }
0x20f: {  	_ =	swait.ge [sflag:s0], $0xC00  }
0x210: {  	[sflag:s0] =	ssyncset.done $0x0  }
0x211: {  	[sflag:s0] =	ssyncadd.s32 $0xFFFFF400  }
0x212: {  	_ =	swait.ge [sflag:s0], $0xC00  }
.Ltmp2:
0x213: {  	[sflag:s0] =	ssyncset.done $0x0;
	(pc) =	sbr.rel @p0 .LBB2_4-.Ltmp2, $4  }
0x214: {  	[sflag:s0] =	ssyncadd.s32 $0xFFFFF400  }
0x215: {  	_ =	swait.ge [sflag:s0], $0xC00  }
0x216: {  	[sflag:s0] =	ssyncset.done $0x0  }
0x217: {  	[sflag:s0] =	ssyncadd.s32 $0xFFFFF400  }
0x218: {  	v1 =	vld.msk [tilespmem:s2+$0x0], $0xff;
	_ =	sdelay $0x4  }
0x219: {  	v1 =	vmul.u32 $0x1800, v1;
	_ =	sdelay $0x1  }
0x21a: {  	v1 =	vperm.xlane v1, v0;
	_ =	sdelay $0x1  }
.Ltmp3:
0x21b: {  	_ = 	snop;
	(pc) =	sbr.rel .LBB2_2-.Ltmp3, $3  }
0x21c: {  	_ =	sdelay $0x1  }
0x21d: {  	s4 =	sadd.s32 $0x1800, s4;
	s2 =	sadd.s32 $0x100, s2  }
0x21e: {  	[tilespmem:s24], [sflag:$0x2] =	stream.indirect_vreg.gather [hbm4b:s1+s3], $0x1800, v1, vm0, $0x38;
	[tilespmem:$0x19000] =	vst v63  }
.LBB2_5:
0x21f: {  	_ =	sfence.sel $0x180000  }
0x220: {  	[bflag:$0x0] =	sbarrier.arrive $0xFFFF  }
0x221: {  	_ =	strace $0x90000047  }
0x222: {  	s0 =	stileid.u32;
	[bflag:$0x2] =	sbarrier.arrive $0xFFFF  }
0x223: {  	p0 =	sne.s32 s0, $0x0;
	s0 =	rddreg [dreg:$0x4]  }
0x224: {  	s0 =	sadd.s32 @!p0 $0x100000, s0  }
0x225: {  	[sflag:s0] =	ssyncadd.tile.s32 @!p0 $0x1;
	_ =	shalt  }
.Lfunc_end2:
_tile_overlayer_lowered:
.L_overlay_start_2:
0x226: {  	(tag) =	ssettag $0x2  }
0x227: {  	s0 =	rddreg [dreg:$0x0];
	s2 =	stileid.u32  }
0x228: {  	s1 =	rddreg [dreg:$0x1];
	p0 =	sne.s32 s2, $0x0  }
0x229: {  	s3 =	rddreg [dreg:$0x2];
	[bflag:$0x3] =	sbarrier.arrive $0xFFFF;
	s2 =	simm.s32 @!p0 $0x1C05  }
0x22a: {  	[timem:s3], [sflag:s2] =	dma.local @!p0 [hbm:s0], s1  }
0x22b: {  	s0 =	simm.s32 @!p0 $0x5  }
0x22c: {  	_ =	swait.ge @!p0 [sflag:s0], s1  }
0x22d: {  	s1 =	ssub.s32 @!p0 $0x0, s1;
	[sflag:s0] =	ssyncset.done @!p0 $0x0  }
0x22e: {  	[sflag:s0] =	ssyncadd.s32 @!p0 s1  }
0x22f: {  	[bflag:$0x3] =	sbarrier.arrive $0xFFFF  }
0x230: {  	_ =	shalt  }

</sc_bundles>
